<compile_context>
chip_gen: v7x
topology: tpu7x:2x2x1
jax: 0.10.2.dev20260603
libtpu: 0.0.44.dev20260713+nightly
codegen_flags: <defaults>
</compile_context>

<pallas_src>
import functools

import jax
import jax.numpy as jnp
from jax import lax
from jax.experimental import pallas as pl
from jax.experimental.pallas import tpu as pltpu
from jax.experimental.pallas import tpu_sc as plsc

D = 6
F = 64
ROWW = 16
SPW = 8
CHUNK = 1024
SUB = 128
NC = 2
NS = 16
NW = NC * NS
BN = 2048
PC = 128
STG = 512


def _table_tc_kernel(xt_ref, wt_ref, s_ref, o_ref):
    parts = []
    for c in range(BN // PC):
        parts.append(jnp.dot(xt_ref[:, c * 6 * PC:(c + 1) * 6 * PC],
                             s_ref[...], preferred_element_type=jnp.float32))
    xm = jnp.concatenate(parts, axis=1)
    tproj = jnp.dot(wt_ref[...], xm, preferred_element_type=jnp.float32)
    q = jnp.sum(xm * xm, axis=0, keepdims=True) * (1.0 / 128.0)
    rowid = lax.broadcasted_iota(jnp.int32, tproj.shape, 0)
    o_ref[...] = jnp.where(rowid == 7, q, tproj)


def _build_table_t(xt, wt, s, v):
    grid = (v + BN - 1) // BN
    return pl.pallas_call(
        _table_tc_kernel,
        grid=(grid,),
        in_specs=[
            pl.BlockSpec((F, 6 * BN), lambda i: (0, i)),
            pl.BlockSpec((ROWW, F), lambda i: (0, 0)),
            pl.BlockSpec((6 * PC, PC), lambda i: (0, 0)),
        ],
        out_specs=pl.BlockSpec((ROWW, BN), lambda i: (0, i)),
        out_shape=jax.ShapeDtypeStruct((ROWW, v), jnp.float32),
    )(xt, wt, s)


def _stage_transpose(tt_hbm, shared, tmp, tbuf, sid, v, share, lane):
    off = jnp.minimum(sid * share, v - share)
    n_st = (share + STG - 1) // STG
    last = share - STG

    def st_body(ci, carry):
        start = off + jnp.minimum(ci * STG, last)
        pltpu.sync_copy(tt_hbm.at[:, pl.ds(start, STG)], tmp)

        def g_body(g, c):
            rid = lane + g * 16
            for j in range(8):
                vv = tmp[j, pl.ds(g * 16, 16)]
                plsc.store_scatter(tbuf, [rid, jnp.full((16,), j, jnp.int32)],
                                   vv)
            return c

        lax.fori_loop(0, STG // 16, g_body, 0)
        pltpu.sync_copy(tbuf, shared.at[pl.ds(start, STG)])
        return carry

    lax.fori_loop(0, n_st, st_body, 0)


def _sc_body(ttx_hbm, tte_hbm, he_hbm, c_hbm, out_hbm,
             ridx0, ridx1, cidx0, cidx1, xr0, xr1, er0, er1, ob0, ob1, cv,
             tmp, tbuf, txs, tes,
             s_i0, s_i1, s_g0, s_g1, s_o0, s_o1):
    n_inc = out_hbm.shape[0]
    per_w = n_inc // NW
    n_chunks = 2 * ((per_w + 2 * CHUNK - 1) // (2 * CHUNK))
    last_start = per_w - CHUNK

    ridx = [ridx0, ridx1]
    cidx = [cidx0, cidx1]
    xr = [xr0, xr1]
    er = [er0, er1]
    ob = [ob0, ob1]
    s_i = [s_i0, s_i1]
    s_g = [s_g0, s_g1]
    s_o = [s_o0, s_o1]

    cid = lax.axis_index("c")
    sid = lax.axis_index("s")
    w = sid * NC + cid
    base_w = w * per_w

    pltpu.sync_copy(c_hbm, cv)
    lane = lax.iota(jnp.int32, 16)

    _stage_transpose(ttx_hbm, txs, tmp, tbuf, sid, ttx_hbm.shape[1], 3128,
                     lane)
    _stage_transpose(tte_hbm, tes, tmp, tbuf, sid, tte_hbm.shape[1], 1568,
                     lane)
    plsc.subcore_barrier()

    cjs = [cv[j, :] for j in range(6)]

    def chunk_base(c):
        return base_w + jnp.minimum(c * CHUNK, last_start)

    def idx_copies(buf, c):
        base = chunk_base(c)
        return [pltpu.make_async_copy(he_hbm.at[0, pl.ds(base, CHUNK)],
                                      ridx[buf], s_i[buf]),
                pltpu.make_async_copy(he_hbm.at[1, pl.ds(base, CHUNK)],
                                      cidx[buf], s_i[buf])]

    def gather_copies(buf):
        cps = []
        for j in range(CHUNK // SUB):
            sl = pl.ds(j * SUB, SUB)
            cps.append(pltpu.make_async_copy(
                txs.at[ridx[buf].at[sl]], xr[buf].at[sl], s_g[buf]))
            cps.append(pltpu.make_async_copy(
                tes.at[cidx[buf].at[sl]], er[buf].at[sl], s_g[buf]))
        return cps

    def out_copy(buf, c):
        return pltpu.make_async_copy(
            ob[buf], out_hbm.at[pl.ds(chunk_base(c), CHUNK)], s_o[buf])

    def compute(buf, c):
        xrb, erb, obb = xr[buf], er[buf], ob[buf]

        def group_body(gi, inner):
            rid = lane + gi * 16
            a = [plsc.load_gather(xrb, [rid, jnp.full((16,), k, jnp.int32)])
                 for k in range(8)]
            b = [plsc.load_gather(erb, [rid, jnp.full((16,), k, jnp.int32)])
                 for k in range(8)]
            mu = a[6] + b[6]
            var = (a[7] + b[7]) - mu * mu + 1e-5
            vi = plsc.bitcast(var, jnp.int32)
            y = plsc.bitcast(jnp.int32(0x5F3759DF) - (vi >> 1), jnp.float32)
            for _ in range(3):
                y = y * (1.5 - 0.5 * var * y * y)
            for jo in range(6):
                z = (a[jo] + b[jo]) * y + cjs[jo]
                s = 1.0 / (1.0 + jnp.exp(-z))
                plsc.store_scatter(obb, [rid, jnp.full((16,), jo, jnp.int32)],
                                   s)
            return inner

        lax.fori_loop(0, CHUNK // 16, group_body, 0)

    for cp in idx_copies(0, 0):
        cp.start()
    for cp in idx_copies(1, 1):
        cp.start()
    for cp in idx_copies(0, 0):
        cp.wait()
    for cp in gather_copies(0):
        cp.start()

    def iter_body(i, carry):
        for buf in (0, 1):
            c = 2 * i + buf
            other = 1 - buf

            @pl.when(c + 1 < n_chunks)
            def _():
                for cp in idx_copies(other, c + 1):
                    cp.wait()
                for cp in gather_copies(other):
                    cp.start()

            for cp in gather_copies(buf):
                cp.wait()

            @pl.when(c + 2 < n_chunks)
            def _():
                for cp in idx_copies(buf, c + 2):
                    cp.start()

            @pl.when(c >= 2)
            def _():
                out_copy(buf, c - 2).wait()

            compute(buf, c)
            out_copy(buf, c).start()
        return carry

    lax.fori_loop(0, n_chunks // 2, iter_body, 0)
    out_copy(0, n_chunks - 2).wait()
    out_copy(1, n_chunks - 1).wait()


def kernel(x, e, hyperedge_index, ln_gamma, ln_beta, W, b):
    num_nodes = x.shape[0] // D
    num_edges = e.shape[0] // D
    n_inc = hyperedge_index.shape[1]

    wg = ln_gamma[:, None] * W
    s = jnp.sum(wg, axis=0)
    cvec = ln_beta @ W + b
    wx = wg[:F] - s[None, :] * (1.0 / 128.0)
    we = wg[F:] - s[None, :] * (1.0 / 128.0)
    cpad = jnp.broadcast_to(cvec[:, None], (6, 16)).astype(jnp.float32)

    def _wt(wside):
        wt = jnp.zeros((ROWW, F), jnp.float32)
        wt = wt.at[:6, :].set(wside.T)
        wt = wt.at[6, :].set(1.0 / 128.0)
        return wt

    pool = jnp.kron(jnp.eye(PC, dtype=jnp.float32),
                    jnp.full((D, 1), 1.0 / D, jnp.float32))

    ttx = _build_table_t(x.T, _wt(wx), pool, num_nodes)
    tte = _build_table_t(e.T, _wt(we), pool, num_edges)

    mesh = plsc.VectorSubcoreMesh(core_axis_name="c", subcore_axis_name="s")
    sc_fn = functools.partial(
        pl.kernel,
        out_type=jax.ShapeDtypeStruct((n_inc, 6), jnp.float32),
        mesh=mesh,
        scratch_types=(
            [pltpu.VMEM((CHUNK,), jnp.int32)] * 4 +
            [pltpu.VMEM((CHUNK, SPW), jnp.float32)] * 4 +
            [pltpu.VMEM((CHUNK, 6), jnp.float32)] * 2 +
            [pltpu.VMEM((6, 16), jnp.float32)] +
            [pltpu.VMEM((ROWW, STG), jnp.float32)] +
            [pltpu.VMEM((STG, SPW), jnp.float32)] +
            [pltpu.VMEM_SHARED((num_nodes, SPW), jnp.float32)] +
            [pltpu.VMEM_SHARED((num_edges, SPW), jnp.float32)] +
            [pltpu.SemaphoreType.DMA] * 6
        ),
        compiler_params=pltpu.CompilerParams(
            needs_layout_passes=False, use_tc_tiling_on_sc=False),
    )(_sc_body)
    he = jnp.asarray(hyperedge_index, jnp.int32)
    return sc_fn(ttx, tte, he, cpad)

# --- scband reference (transcript-rebuilt; emitter-appended) ---
"""Pipeline reference for scband-hgcnsheaf-builder-diag-28260884808002 (READ-ONLY COPY).

The authoritative reference and input builder live on the scoring server;
editing this copy changes nothing except your own understanding.
"""

import jax, jax.numpy as jnp
import numpy as np

D = 6  # stalk_dimension
F = 64  # hidden_channels
N_NODES = 50000
N_EDGES = 25000
N_INC = 800000


def setup_inputs(seed: int = 0) -> dict:
    key = jax.random.key(seed)
    k1, k2, k3, k4 = jax.random.split(key, 4)
    x = jax.random.normal(k1, (N_NODES * D, F), dtype=jnp.float32)
    e = jax.random.normal(k2, (N_EDGES * D, F), dtype=jnp.float32)
    hyperedge_index = jax.random.randint(k3, (2, N_INC), 0, N_EDGES, dtype=jnp.int64)
    # ensure num_edges inferred from col max matches E (extremely likely anyway)
    hyperedge_index = hyperedge_index.at[1, 0].set(N_EDGES - 1)
    # MLP(in=2F, out=D, num_layers=1, input_norm=ln): LayerNorm(2F) -> Linear(2F, D)
    ln_gamma = jnp.ones((2 * F,), dtype=jnp.float32)
    ln_beta = jnp.zeros((2 * F,), dtype=jnp.float32)
    W = jax.random.normal(k4, (2 * F, D), dtype=jnp.float32) * 0.05
    b = jnp.zeros((D,), dtype=jnp.float32)
    return {"x": x, "e": e, "hyperedge_index": hyperedge_index,
            "ln_gamma": ln_gamma, "ln_beta": ln_beta, "W": W, "b": b}


def _layernorm(h, gamma, beta, eps=1e-5):
    mu = h.mean(axis=-1, keepdims=True)
    var = ((h - mu) ** 2).mean(axis=-1, keepdims=True)
    return (h - mu) / jnp.sqrt(var + eps) * gamma + beta


def reference(x, e, hyperedge_index, ln_gamma, ln_beta, W, b):
    row = hyperedge_index[0]
    col = hyperedge_index[1]
    num_nodes = x.shape[0] // D
    num_edges = e.shape[0] // D
    xm = x.reshape(num_nodes, D, x.shape[-1]).mean(axis=1)
    em = e.reshape(num_edges, D, e.shape[-1]).mean(axis=1)
    # predict_blocks (MLP_var1)
    xs = jnp.take(xm, row, axis=0)
    es = jnp.take(em, col, axis=0)
    h_sheaf = jnp.concatenate([xs, es], axis=-1)
    h_sheaf = _layernorm(h_sheaf, ln_gamma, ln_beta)
    h_sheaf = h_sheaf @ W + b
    h_sheaf = jax.nn.sigmoid(h_sheaf)
    return h_sheaf

if __name__ == "__main__":
    import jax
    _d = setup_inputs()
    print(jax.jit(kernel)(*tuple(_d.values())))

</pallas_src>

<mosaic_0001>
#map = affine_map<(d0, d1) -> (0, 0)>
module attributes {stable_mosaic.version = 14 : i64} {
  func.func @_sc_body(%arg0: i32, %arg1: i32, %arg2: memref<16x50000xf32, #tpu.memory_space<hbm>>, %arg3: memref<16x25000xf32, #tpu.memory_space<hbm>>, %arg4: memref<2x800000xi32, #tpu.memory_space<hbm>>, %arg5: memref<6x16xf32, #tpu.memory_space<hbm>>, %arg6: memref<800000x6xf32, #tpu.memory_space<hbm>>, %arg7: memref<1024xi32, #tpu.memory_space<vmem>>, %arg8: memref<1024xi32, #tpu.memory_space<vmem>>, %arg9: memref<1024xi32, #tpu.memory_space<vmem>>, %arg10: memref<1024xi32, #tpu.memory_space<vmem>>, %arg11: memref<1024x8xf32, #tpu.memory_space<vmem>>, %arg12: memref<1024x8xf32, #tpu.memory_space<vmem>>, %arg13: memref<1024x8xf32, #tpu.memory_space<vmem>>, %arg14: memref<1024x8xf32, #tpu.memory_space<vmem>>, %arg15: memref<1024x6xf32, #tpu.memory_space<vmem>>, %arg16: memref<1024x6xf32, #tpu.memory_space<vmem>>, %arg17: memref<6x16xf32, #tpu.memory_space<vmem>>, %arg18: memref<16x512xf32, #tpu.memory_space<vmem>>, %arg19: memref<512x8xf32, #tpu.memory_space<vmem>>, %arg20: memref<50000x8xf32, #tpu.memory_space<vmem_shared>>, %arg21: memref<25000x8xf32, #tpu.memory_space<vmem_shared>>, %arg22: memref<!tpu.dma_semaphore, #tpu.memory_space<semaphore_mem>>, %arg23: memref<!tpu.dma_semaphore, #tpu.memory_space<semaphore_mem>>, %arg24: memref<!tpu.dma_semaphore, #tpu.memory_space<semaphore_mem>>, %arg25: memref<!tpu.dma_semaphore, #tpu.memory_space<semaphore_mem>>, %arg26: memref<!tpu.dma_semaphore, #tpu.memory_space<semaphore_mem>>, %arg27: memref<!tpu.dma_semaphore, #tpu.memory_space<semaphore_mem>>) attributes {dimension_semantics = [#tpu.dimension_semantics<core_parallel>, #tpu.dimension_semantics<subcore_parallel>], iteration_bounds = array<i64: 2, 16>, scalar_prefetch = 0 : i64, scratch_operands = 21 : i64, tpu.core_type = #tpu.core_type<sc_vector_subcore>, window_params = [{transform_indices = #map}, {transform_indices = #map}, {transform_indices = #map}, {transform_indices = #map}, {transform_indices = #map}]} {
    %mul3A = arith.constant 2 : i32
    %mul3A_0 = arith.muli %arg1, %mul3A : i32
    %add3A = arith.addi %mul3A_0, %arg0 : i32
    %mul3A_1 = arith.constant 25000 : i32
    %mul3A_2 = arith.muli %add3A, %mul3A_1 : i32
    "tpu.region"() ({
      %run_scoped3A = tpu.sem_alloc : memref<!tpu.dma_semaphore, #tpu.memory_space<semaphore_mem>>
      tpu.enqueue_dma source(%arg5 : memref<6x16xf32, #tpu.memory_space<hbm>>) target(%arg17 : memref<6x16xf32, #tpu.memory_space<vmem>>) target_semaphore(%run_scoped3A : memref<!tpu.dma_semaphore, #tpu.memory_space<semaphore_mem>>)
      tpu.wait_dma2 semaphore(%run_scoped3A : memref<!tpu.dma_semaphore, #tpu.memory_space<semaphore_mem>>) src(%arg5 : memref<6x16xf32, #tpu.memory_space<hbm>>) dst(%arg17 : memref<6x16xf32, #tpu.memory_space<vmem>>)
      tpu.yield
    }) : () -> ()
    %iota3A = tpu.iota {dimensions = array<i32: 0>} : vector<16xi32>
    %mul3A_3 = arith.constant 3128 : i32
    %mul3A_4 = arith.muli %arg1, %mul3A_3 : i32
    %min3A = arith.constant 46872 : i32
    %min3A_5 = arith.minsi %mul3A_4, %min3A : i32
    %scan3A = arith.constant 0 : i32
    %scan3A_6 = arith.constant 0 : i32
    %scan3A_7 = arith.constant 7 : i32
    %scan3A_8 = arith.addi %scan3A_6, %scan3A_7 : i32
    %scan3A_9 = arith.constant 1 : i32
    scf.for %scan3A_234 = %scan3A_6 to %scan3A_8 step %scan3A_9  : i32 {
      %mul3A_235 = arith.constant 512 : i32
      %mul3A_236 = arith.muli %scan3A_234, %mul3A_235 : i32
      %min3A_237 = arith.constant 2616 : i32
      %min3A_238 = arith.minsi %mul3A_236, %min3A_237 : i32
      %add3A_239 = arith.addi %min3A_5, %min3A_238 : i32
      "tpu.region"() ({
        %run_scoped3A = tpu.sem_alloc : memref<!tpu.dma_semaphore, #tpu.memory_space<semaphore_mem>>
        %dma_start3A_246 = arith.constant 0 : i32
        %dma_start3A_247 = tpu.memref_slice %arg2[%dma_start3A_246, %add3A_239] : memref<16x50000xf32, #tpu.memory_space<hbm>> -> memref<16x512xf32, #tpu.memory_space<hbm>>
        %dma_start3A_248 = arith.constant 0 : i32
        %dma_start3A_249 = tpu.memref_slice %arg2[%dma_start3A_248, %add3A_239] : memref<16x50000xf32, #tpu.memory_space<hbm>> -> memref<16x512xf32, #tpu.memory_space<hbm>>
        tpu.enqueue_dma source(%dma_start3A_249 : memref<16x512xf32, #tpu.memory_space<hbm>>) target(%arg18 : memref<16x512xf32, #tpu.memory_space<vmem>>) target_semaphore(%run_scoped3A : memref<!tpu.dma_semaphore, #tpu.memory_space<semaphore_mem>>)
        %dma_wait3A_250 = arith.constant 0 : i32
        %dma_wait3A_251 = tpu.memref_slice %arg2[%dma_wait3A_250, %add3A_239] : memref<16x50000xf32, #tpu.memory_space<hbm>> -> memref<16x512xf32, #tpu.memory_space<hbm>>
        %dma_wait3A_252 = arith.constant 0 : i32
        %dma_wait3A_253 = tpu.memref_slice %arg2[%dma_wait3A_252, %add3A_239] : memref<16x50000xf32, #tpu.memory_space<hbm>> -> memref<16x512xf32, #tpu.memory_space<hbm>>
        tpu.wait_dma2 semaphore(%run_scoped3A : memref<!tpu.dma_semaphore, #tpu.memory_space<semaphore_mem>>) src(%dma_wait3A_253 : memref<16x512xf32, #tpu.memory_space<hbm>>) dst(%arg18 : memref<16x512xf32, #tpu.memory_space<vmem>>)
        tpu.yield
      }) : () -> ()
      %scan3A_240 = arith.constant 0 : i32
      %scan3A_241 = arith.constant 0 : i32
      %scan3A_242 = arith.constant 32 : i32
      %scan3A_243 = arith.addi %scan3A_241, %scan3A_242 : i32
      %scan3A_244 = arith.constant 1 : i32
      scf.for %scan3A_246 = %scan3A_241 to %scan3A_243 step %scan3A_244  : i32 {
        %mul3A_247 = arith.constant 16 : i32
        %mul3A_248 = arith.muli %scan3A_246, %mul3A_247 : i32
        %add3A_249 = vector.broadcast %mul3A_248 : i32 to vector<16xi32>
        %add3A_250 = arith.addi %iota3A, %add3A_249 : vector<16xi32>
        %mul3A_251 = arith.constant 16 : i32
        %mul3A_252 = arith.muli %scan3A_246, %mul3A_251 : i32
        %get3A_253 = arith.constant 0 : i32
        %get3A_254 = arith.index_cast %get3A_253 : i32 to index
        %get3A_255 = arith.index_cast %mul3A_252 : i32 to index
        %get3A_256 = tpu.vector_load %arg18[%get3A_254, %get3A_255] {strides = array<i32>} : memref<16x512xf32, #tpu.memory_space<vmem>>, vector<16xf32>,
        %broadcast_in_dim3A = arith.constant 0 : i32
        %broadcast_in_dim3A_257 = vector.broadcast %broadcast_in_dim3A : i32 to vector<16xi32>
        tpu.vector_store_idx %arg19[%add3A_250, %broadcast_in_dim3A_257], %get3A_256 : memref<512x8xf32, #tpu.memory_space<vmem>>[vector<16xi32>, vector<16xi32>], vector<16xf32>,
        %mul3A_258 = arith.constant 16 : i32
        %mul3A_259 = arith.muli %scan3A_246, %mul3A_258 : i32
        %get3A_260 = arith.constant 1 : i32
        %get3A_261 = arith.index_cast %get3A_260 : i32 to index
        %get3A_262 = arith.index_cast %mul3A_259 : i32 to index
        %get3A_263 = tpu.vector_load %arg18[%get3A_261, %get3A_262] {strides = array<i32>} : memref<16x512xf32, #tpu.memory_space<vmem>>, vector<16xf32>,
        %broadcast_in_dim3A_264 = arith.constant 1 : i32
        %broadcast_in_dim3A_265 = vector.broadcast %broadcast_in_dim3A_264 : i32 to vector<16xi32>
        tpu.vector_store_idx %arg19[%add3A_250, %broadcast_in_dim3A_265], %get3A_263 : memref<512x8xf32, #tpu.memory_space<vmem>>[vector<16xi32>, vector<16xi32>], vector<16xf32>,
        %mul3A_266 = arith.constant 16 : i32
        %mul3A_267 = arith.muli %scan3A_246, %mul3A_266 : i32
        %get3A_268 = arith.constant 2 : i32
        %get3A_269 = arith.index_cast %get3A_268 : i32 to index
        %get3A_270 = arith.index_cast %mul3A_267 : i32 to index
        %get3A_271 = tpu.vector_load %arg18[%get3A_269, %get3A_270] {strides = array<i32>} : memref<16x512xf32, #tpu.memory_space<vmem>>, vector<16xf32>,
        %broadcast_in_dim3A_272 = arith.constant 2 : i32
        %broadcast_in_dim3A_273 = vector.broadcast %broadcast_in_dim3A_272 : i32 to vector<16xi32>
        tpu.vector_store_idx %arg19[%add3A_250, %broadcast_in_dim3A_273], %get3A_271 : memref<512x8xf32, #tpu.memory_space<vmem>>[vector<16xi32>, vector<16xi32>], vector<16xf32>,
        %mul3A_274 = arith.constant 16 : i32
        %mul3A_275 = arith.muli %scan3A_246, %mul3A_274 : i32
        %get3A_276 = arith.constant 3 : i32
        %get3A_277 = arith.index_cast %get3A_276 : i32 to index
        %get3A_278 = arith.index_cast %mul3A_275 : i32 to index
        %get3A_279 = tpu.vector_load %arg18[%get3A_277, %get3A_278] {strides = array<i32>} : memref<16x512xf32, #tpu.memory_space<vmem>>, vector<16xf32>,
        %broadcast_in_dim3A_280 = arith.constant 3 : i32
        %broadcast_in_dim3A_281 = vector.broadcast %broadcast_in_dim3A_280 : i32 to vector<16xi32>
        tpu.vector_store_idx %arg19[%add3A_250, %broadcast_in_dim3A_281], %get3A_279 : memref<512x8xf32, #tpu.memory_space<vmem>>[vector<16xi32>, vector<16xi32>], vector<16xf32>,
        %mul3A_282 = arith.constant 16 : i32
        %mul3A_283 = arith.muli %scan3A_246, %mul3A_282 : i32
        %get3A_284 = arith.constant 4 : i32
        %get3A_285 = arith.index_cast %get3A_284 : i32 to index
        %get3A_286 = arith.index_cast %mul3A_283 : i32 to index
        %get3A_287 = tpu.vector_load %arg18[%get3A_285, %get3A_286] {strides = array<i32>} : memref<16x512xf32, #tpu.memory_space<vmem>>, vector<16xf32>,
        %broadcast_in_dim3A_288 = arith.constant 4 : i32
        %broadcast_in_dim3A_289 = vector.broadcast %broadcast_in_dim3A_288 : i32 to vector<16xi32>
        tpu.vector_store_idx %arg19[%add3A_250, %broadcast_in_dim3A_289], %get3A_287 : memref<512x8xf32, #tpu.memory_space<vmem>>[vector<16xi32>, vector<16xi32>], vector<16xf32>,
        %mul3A_290 = arith.constant 16 : i32
        %mul3A_291 = arith.muli %scan3A_246, %mul3A_290 : i32
        %get3A_292 = arith.constant 5 : i32
        %get3A_293 = arith.index_cast %get3A_292 : i32 to index
        %get3A_294 = arith.index_cast %mul3A_291 : i32 to index
        %get3A_295 = tpu.vector_load %arg18[%get3A_293, %get3A_294] {strides = array<i32>} : memref<16x512xf32, #tpu.memory_space<vmem>>, vector<16xf32>,
        %broadcast_in_dim3A_296 = arith.constant 5 : i32
        %broadcast_in_dim3A_297 = vector.broadcast %broadcast_in_dim3A_296 : i32 to vector<16xi32>
        tpu.vector_store_idx %arg19[%add3A_250, %broadcast_in_dim3A_297], %get3A_295 : memref<512x8xf32, #tpu.memory_space<vmem>>[vector<16xi32>, vector<16xi32>], vector<16xf32>,
        %mul3A_298 = arith.constant 16 : i32
        %mul3A_299 = arith.muli %scan3A_246, %mul3A_298 : i32
        %get3A_300 = arith.constant 6 : i32
        %get3A_301 = arith.index_cast %get3A_300 : i32 to index
        %get3A_302 = arith.index_cast %mul3A_299 : i32 to index
        %get3A_303 = tpu.vector_load %arg18[%get3A_301, %get3A_302] {strides = array<i32>} : memref<16x512xf32, #tpu.memory_space<vmem>>, vector<16xf32>,
        %broadcast_in_dim3A_304 = arith.constant 6 : i32
        %broadcast_in_dim3A_305 = vector.broadcast %broadcast_in_dim3A_304 : i32 to vector<16xi32>
        tpu.vector_store_idx %arg19[%add3A_250, %broadcast_in_dim3A_305], %get3A_303 : memref<512x8xf32, #tpu.memory_space<vmem>>[vector<16xi32>, vector<16xi32>], vector<16xf32>,
        %mul3A_306 = arith.constant 16 : i32
        %mul3A_307 = arith.muli %scan3A_246, %mul3A_306 : i32
        %get3A_308 = arith.constant 7 : i32
        %get3A_309 = arith.index_cast %get3A_308 : i32 to index
        %get3A_310 = arith.index_cast %mul3A_307 : i32 to index
        %get3A_311 = tpu.vector_load %arg18[%get3A_309, %get3A_310] {strides = array<i32>} : memref<16x512xf32, #tpu.memory_space<vmem>>, vector<16xf32>,
        %broadcast_in_dim3A_312 = arith.constant 7 : i32
        %broadcast_in_dim3A_313 = vector.broadcast %broadcast_in_dim3A_312 : i32 to vector<16xi32>
        tpu.vector_store_idx %arg19[%add3A_250, %broadcast_in_dim3A_313], %get3A_311 : memref<512x8xf32, #tpu.memory_space<vmem>>[vector<16xi32>, vector<16xi32>], vector<16xf32>,
      }
      %scan3A_245 = arith.constant 32 : i32
      "tpu.region"() ({
        %run_scoped3A = tpu.sem_alloc : memref<!tpu.dma_semaphore, #tpu.memory_space<semaphore_mem>>
        %dma_start3A_246 = arith.constant 0 : i32
        %dma_start3A_247 = tpu.memref_slice %arg20[%add3A_239, %dma_start3A_246] : memref<50000x8xf32, #tpu.memory_space<vmem_shared>> -> memref<512x8xf32, #tpu.memory_space<vmem_shared>>
        %dma_start3A_248 = arith.constant 0 : i32
        %dma_start3A_249 = tpu.memref_slice %arg20[%add3A_239, %dma_start3A_248] : memref<50000x8xf32, #tpu.memory_space<vmem_shared>> -> memref<512x8xf32, #tpu.memory_space<vmem_shared>>
        tpu.enqueue_dma source(%arg19 : memref<512x8xf32, #tpu.memory_space<vmem>>) target(%dma_start3A_249 : memref<512x8xf32, #tpu.memory_space<vmem_shared>>) target_semaphore(%run_scoped3A : memref<!tpu.dma_semaphore, #tpu.memory_space<semaphore_mem>>)
        %dma_wait3A_250 = arith.constant 0 : i32
        %dma_wait3A_251 = tpu.memref_slice %arg20[%add3A_239, %dma_wait3A_250] : memref<50000x8xf32, #tpu.memory_space<vmem_shared>> -> memref<512x8xf32, #tpu.memory_space<vmem_shared>>
        %dma_wait3A_252 = arith.constant 0 : i32
        %dma_wait3A_253 = tpu.memref_slice %arg20[%add3A_239, %dma_wait3A_252] : memref<50000x8xf32, #tpu.memory_space<vmem_shared>> -> memref<512x8xf32, #tpu.memory_space<vmem_shared>>
        tpu.wait_dma2 semaphore(%run_scoped3A : memref<!tpu.dma_semaphore, #tpu.memory_space<semaphore_mem>>) src(%arg19 : memref<512x8xf32, #tpu.memory_space<vmem>>) dst(%dma_wait3A_253 : memref<512x8xf32, #tpu.memory_space<vmem_shared>>)
        tpu.yield
      }) : () -> ()
    }
    %scan3A_10 = arith.constant 7 : i32
    %mul3A_11 = arith.constant 1568 : i32
    %mul3A_12 = arith.muli %arg1, %mul3A_11 : i32
    %min3A_13 = arith.constant 23432 : i32
    %min3A_14 = arith.minsi %mul3A_12, %min3A_13 : i32
    %scan3A_15 = arith.constant 0 : i32
    %scan3A_16 = arith.constant 0 : i32
    %scan3A_17 = arith.constant 4 : i32
    %scan3A_18 = arith.addi %scan3A_16, %scan3A_17 : i32
    %scan3A_19 = arith.constant 1 : i32
    scf.for %scan3A_234 = %scan3A_16 to %scan3A_18 step %scan3A_19  : i32 {
      %mul3A_235 = arith.constant 512 : i32
      %mul3A_236 = arith.muli %scan3A_234, %mul3A_235 : i32
      %min3A_237 = arith.constant 1056 : i32
      %min3A_238 = arith.minsi %mul3A_236, %min3A_237 : i32
      %add3A_239 = arith.addi %min3A_14, %min3A_238 : i32
      "tpu.region"() ({
        %run_scoped3A = tpu.sem_alloc : memref<!tpu.dma_semaphore, #tpu.memory_space<semaphore_mem>>
        %dma_start3A_246 = arith.constant 0 : i32
        %dma_start3A_247 = tpu.memref_slice %arg3[%dma_start3A_246, %add3A_239] : memref<16x25000xf32, #tpu.memory_space<hbm>> -> memref<16x512xf32, #tpu.memory_space<hbm>>
        %dma_start3A_248 = arith.constant 0 : i32
        %dma_start3A_249 = tpu.memref_slice %arg3[%dma_start3A_248, %add3A_239] : memref<16x25000xf32, #tpu.memory_space<hbm>> -> memref<16x512xf32, #tpu.memory_space<hbm>>
        tpu.enqueue_dma source(%dma_start3A_249 : memref<16x512xf32, #tpu.memory_space<hbm>>) target(%arg18 : memref<16x512xf32, #tpu.memory_space<vmem>>) target_semaphore(%run_scoped3A : memref<!tpu.dma_semaphore, #tpu.memory_space<semaphore_mem>>)
        %dma_wait3A_250 = arith.constant 0 : i32
        %dma_wait3A_251 = tpu.memref_slice %arg3[%dma_wait3A_250, %add3A_239] : memref<16x25000xf32, #tpu.memory_space<hbm>> -> memref<16x512xf32, #tpu.memory_space<hbm>>
        %dma_wait3A_252 = arith.constant 0 : i32
        %dma_wait3A_253 = tpu.memref_slice %arg3[%dma_wait3A_252, %add3A_239] : memref<16x25000xf32, #tpu.memory_space<hbm>> -> memref<16x512xf32, #tpu.memory_space<hbm>>
        tpu.wait_dma2 semaphore(%run_scoped3A : memref<!tpu.dma_semaphore, #tpu.memory_space<semaphore_mem>>) src(%dma_wait3A_253 : memref<16x512xf32, #tpu.memory_space<hbm>>) dst(%arg18 : memref<16x512xf32, #tpu.memory_space<vmem>>)
        tpu.yield
      }) : () -> ()
      %scan3A_240 = arith.constant 0 : i32
      %scan3A_241 = arith.constant 0 : i32
      %scan3A_242 = arith.constant 32 : i32
      %scan3A_243 = arith.addi %scan3A_241, %scan3A_242 : i32
      %scan3A_244 = arith.constant 1 : i32
      scf.for %scan3A_246 = %scan3A_241 to %scan3A_243 step %scan3A_244  : i32 {
        %mul3A_247 = arith.constant 16 : i32
        %mul3A_248 = arith.muli %scan3A_246, %mul3A_247 : i32
        %add3A_249 = vector.broadcast %mul3A_248 : i32 to vector<16xi32>
        %add3A_250 = arith.addi %iota3A, %add3A_249 : vector<16xi32>
        %mul3A_251 = arith.constant 16 : i32
        %mul3A_252 = arith.muli %scan3A_246, %mul3A_251 : i32
        %get3A_253 = arith.constant 0 : i32
        %get3A_254 = arith.index_cast %get3A_253 : i32 to index
        %get3A_255 = arith.index_cast %mul3A_252 : i32 to index
        %get3A_256 = tpu.vector_load %arg18[%get3A_254, %get3A_255] {strides = array<i32>} : memref<16x512xf32, #tpu.memory_space<vmem>>, vector<16xf32>,
        %broadcast_in_dim3A = arith.constant 0 : i32
        %broadcast_in_dim3A_257 = vector.broadcast %broadcast_in_dim3A : i32 to vector<16xi32>
        tpu.vector_store_idx %arg19[%add3A_250, %broadcast_in_dim3A_257], %get3A_256 : memref<512x8xf32, #tpu.memory_space<vmem>>[vector<16xi32>, vector<16xi32>], vector<16xf32>,
        %mul3A_258 = arith.constant 16 : i32
        %mul3A_259 = arith.muli %scan3A_246, %mul3A_258 : i32
        %get3A_260 = arith.constant 1 : i32
        %get3A_261 = arith.index_cast %get3A_260 : i32 to index
        %get3A_262 = arith.index_cast %mul3A_259 : i32 to index
        %get3A_263 = tpu.vector_load %arg18[%get3A_261, %get3A_262] {strides = array<i32>} : memref<16x512xf32, #tpu.memory_space<vmem>>, vector<16xf32>,
        %broadcast_in_dim3A_264 = arith.constant 1 : i32
        %broadcast_in_dim3A_265 = vector.broadcast %broadcast_in_dim3A_264 : i32 to vector<16xi32>
        tpu.vector_store_idx %arg19[%add3A_250, %broadcast_in_dim3A_265], %get3A_263 : memref<512x8xf32, #tpu.memory_space<vmem>>[vector<16xi32>, vector<16xi32>], vector<16xf32>,
        %mul3A_266 = arith.constant 16 : i32
        %mul3A_267 = arith.muli %scan3A_246, %mul3A_266 : i32
        %get3A_268 = arith.constant 2 : i32
        %get3A_269 = arith.index_cast %get3A_268 : i32 to index
        %get3A_270 = arith.index_cast %mul3A_267 : i32 to index
        %get3A_271 = tpu.vector_load %arg18[%get3A_269, %get3A_270] {strides = array<i32>} : memref<16x512xf32, #tpu.memory_space<vmem>>, vector<16xf32>,
        %broadcast_in_dim3A_272 = arith.constant 2 : i32
        %broadcast_in_dim3A_273 = vector.broadcast %broadcast_in_dim3A_272 : i32 to vector<16xi32>
        tpu.vector_store_idx %arg19[%add3A_250, %broadcast_in_dim3A_273], %get3A_271 : memref<512x8xf32, #tpu.memory_space<vmem>>[vector<16xi32>, vector<16xi32>], vector<16xf32>,
        %mul3A_274 = arith.constant 16 : i32
        %mul3A_275 = arith.muli %scan3A_246, %mul3A_274 : i32
        %get3A_276 = arith.constant 3 : i32
        %get3A_277 = arith.index_cast %get3A_276 : i32 to index
        %get3A_278 = arith.index_cast %mul3A_275 : i32 to index
        %get3A_279 = tpu.vector_load %arg18[%get3A_277, %get3A_278] {strides = array<i32>} : memref<16x512xf32, #tpu.memory_space<vmem>>, vector<16xf32>,
        %broadcast_in_dim3A_280 = arith.constant 3 : i32
        %broadcast_in_dim3A_281 = vector.broadcast %broadcast_in_dim3A_280 : i32 to vector<16xi32>
        tpu.vector_store_idx %arg19[%add3A_250, %broadcast_in_dim3A_281], %get3A_279 : memref<512x8xf32, #tpu.memory_space<vmem>>[vector<16xi32>, vector<16xi32>], vector<16xf32>,
        %mul3A_282 = arith.constant 16 : i32
        %mul3A_283 = arith.muli %scan3A_246, %mul3A_282 : i32
        %get3A_284 = arith.constant 4 : i32
        %get3A_285 = arith.index_cast %get3A_284 : i32 to index
        %get3A_286 = arith.index_cast %mul3A_283 : i32 to index
        %get3A_287 = tpu.vector_load %arg18[%get3A_285, %get3A_286] {strides = array<i32>} : memref<16x512xf32, #tpu.memory_space<vmem>>, vector<16xf32>,
        %broadcast_in_dim3A_288 = arith.constant 4 : i32
        %broadcast_in_dim3A_289 = vector.broadcast %broadcast_in_dim3A_288 : i32 to vector<16xi32>
        tpu.vector_store_idx %arg19[%add3A_250, %broadcast_in_dim3A_289], %get3A_287 : memref<512x8xf32, #tpu.memory_space<vmem>>[vector<16xi32>, vector<16xi32>], vector<16xf32>,
        %mul3A_290 = arith.constant 16 : i32
        %mul3A_291 = arith.muli %scan3A_246, %mul3A_290 : i32
        %get3A_292 = arith.constant 5 : i32
        %get3A_293 = arith.index_cast %get3A_292 : i32 to index
        %get3A_294 = arith.index_cast %mul3A_291 : i32 to index
        %get3A_295 = tpu.vector_load %arg18[%get3A_293, %get3A_294] {strides = array<i32>} : memref<16x512xf32, #tpu.memory_space<vmem>>, vector<16xf32>,
        %broadcast_in_dim3A_296 = arith.constant 5 : i32
        %broadcast_in_dim3A_297 = vector.broadcast %broadcast_in_dim3A_296 : i32 to vector<16xi32>
        tpu.vector_store_idx %arg19[%add3A_250, %broadcast_in_dim3A_297], %get3A_295 : memref<512x8xf32, #tpu.memory_space<vmem>>[vector<16xi32>, vector<16xi32>], vector<16xf32>,
        %mul3A_298 = arith.constant 16 : i32
        %mul3A_299 = arith.muli %scan3A_246, %mul3A_298 : i32
        %get3A_300 = arith.constant 6 : i32
        %get3A_301 = arith.index_cast %get3A_300 : i32 to index
        %get3A_302 = arith.index_cast %mul3A_299 : i32 to index
        %get3A_303 = tpu.vector_load %arg18[%get3A_301, %get3A_302] {strides = array<i32>} : memref<16x512xf32, #tpu.memory_space<vmem>>, vector<16xf32>,
        %broadcast_in_dim3A_304 = arith.constant 6 : i32
        %broadcast_in_dim3A_305 = vector.broadcast %broadcast_in_dim3A_304 : i32 to vector<16xi32>
        tpu.vector_store_idx %arg19[%add3A_250, %broadcast_in_dim3A_305], %get3A_303 : memref<512x8xf32, #tpu.memory_space<vmem>>[vector<16xi32>, vector<16xi32>], vector<16xf32>,
        %mul3A_306 = arith.constant 16 : i32
        %mul3A_307 = arith.muli %scan3A_246, %mul3A_306 : i32
        %get3A_308 = arith.constant 7 : i32
        %get3A_309 = arith.index_cast %get3A_308 : i32 to index
        %get3A_310 = arith.index_cast %mul3A_307 : i32 to index
        %get3A_311 = tpu.vector_load %arg18[%get3A_309, %get3A_310] {strides = array<i32>} : memref<16x512xf32, #tpu.memory_space<vmem>>, vector<16xf32>,
        %broadcast_in_dim3A_312 = arith.constant 7 : i32
        %broadcast_in_dim3A_313 = vector.broadcast %broadcast_in_dim3A_312 : i32 to vector<16xi32>
        tpu.vector_store_idx %arg19[%add3A_250, %broadcast_in_dim3A_313], %get3A_311 : memref<512x8xf32, #tpu.memory_space<vmem>>[vector<16xi32>, vector<16xi32>], vector<16xf32>,
      }
      %scan3A_245 = arith.constant 32 : i32
      "tpu.region"() ({
        %run_scoped3A = tpu.sem_alloc : memref<!tpu.dma_semaphore, #tpu.memory_space<semaphore_mem>>
        %dma_start3A_246 = arith.constant 0 : i32
        %dma_start3A_247 = tpu.memref_slice %arg21[%add3A_239, %dma_start3A_246] : memref<25000x8xf32, #tpu.memory_space<vmem_shared>> -> memref<512x8xf32, #tpu.memory_space<vmem_shared>>
        %dma_start3A_248 = arith.constant 0 : i32
        %dma_start3A_249 = tpu.memref_slice %arg21[%add3A_239, %dma_start3A_248] : memref<25000x8xf32, #tpu.memory_space<vmem_shared>> -> memref<512x8xf32, #tpu.memory_space<vmem_shared>>
        tpu.enqueue_dma source(%arg19 : memref<512x8xf32, #tpu.memory_space<vmem>>) target(%dma_start3A_249 : memref<512x8xf32, #tpu.memory_space<vmem_shared>>) target_semaphore(%run_scoped3A : memref<!tpu.dma_semaphore, #tpu.memory_space<semaphore_mem>>)
        %dma_wait3A_250 = arith.constant 0 : i32
        %dma_wait3A_251 = tpu.memref_slice %arg21[%add3A_239, %dma_wait3A_250] : memref<25000x8xf32, #tpu.memory_space<vmem_shared>> -> memref<512x8xf32, #tpu.memory_space<vmem_shared>>
        %dma_wait3A_252 = arith.constant 0 : i32
        %dma_wait3A_253 = tpu.memref_slice %arg21[%add3A_239, %dma_wait3A_252] : memref<25000x8xf32, #tpu.memory_space<vmem_shared>> -> memref<512x8xf32, #tpu.memory_space<vmem_shared>>
        tpu.wait_dma2 semaphore(%run_scoped3A : memref<!tpu.dma_semaphore, #tpu.memory_space<semaphore_mem>>) src(%arg19 : memref<512x8xf32, #tpu.memory_space<vmem>>) dst(%dma_wait3A_253 : memref<512x8xf32, #tpu.memory_space<vmem_shared>>)
        tpu.yield
      }) : () -> ()
    }
    %scan3A_20 = arith.constant 4 : i32
    %barrier3A = arith.constant 0 : index
    tpu.barrier barrier_id(%barrier3A)
    %get3A = arith.constant 0 : i32
    %get3A_21 = arith.index_cast %get3A : i32 to index
    %get3A_22 = arith.constant 0 : index
    %get3A_23 = tpu.vector_load %arg17[%get3A_21, %get3A_22] {strides = array<i32>} : memref<6x16xf32, #tpu.memory_space<vmem>>, vector<16xf32>,
    %get3A_24 = arith.constant 1 : i32
    %get3A_25 = arith.index_cast %get3A_24 : i32 to index
    %get3A_26 = arith.constant 0 : index
    %get3A_27 = tpu.vector_load %arg17[%get3A_25, %get3A_26] {strides = array<i32>} : memref<6x16xf32, #tpu.memory_space<vmem>>, vector<16xf32>,
    %get3A_28 = arith.constant 2 : i32
    %get3A_29 = arith.index_cast %get3A_28 : i32 to index
    %get3A_30 = arith.constant 0 : index
    %get3A_31 = tpu.vector_load %arg17[%get3A_29, %get3A_30] {strides = array<i32>} : memref<6x16xf32, #tpu.memory_space<vmem>>, vector<16xf32>,
    %get3A_32 = arith.constant 3 : i32
    %get3A_33 = arith.index_cast %get3A_32 : i32 to index
    %get3A_34 = arith.constant 0 : index
    %get3A_35 = tpu.vector_load %arg17[%get3A_33, %get3A_34] {strides = array<i32>} : memref<6x16xf32, #tpu.memory_space<vmem>>, vector<16xf32>,
    %get3A_36 = arith.constant 4 : i32
    %get3A_37 = arith.index_cast %get3A_36 : i32 to index
    %get3A_38 = arith.constant 0 : index
    %get3A_39 = tpu.vector_load %arg17[%get3A_37, %get3A_38] {strides = array<i32>} : memref<6x16xf32, #tpu.memory_space<vmem>>, vector<16xf32>,
    %get3A_40 = arith.constant 5 : i32
    %get3A_41 = arith.index_cast %get3A_40 : i32 to index
    %get3A_42 = arith.constant 0 : index
    %get3A_43 = tpu.vector_load %arg17[%get3A_41, %get3A_42] {strides = array<i32>} : memref<6x16xf32, #tpu.memory_space<vmem>>, vector<16xf32>,
    %min3A_44 = arith.constant 0 : i32
    %min3A_45 = arith.constant 23976 : i32
    %min3A_46 = arith.minsi %min3A_44, %min3A_45 : i32
    %add3A_47 = arith.addi %mul3A_2, %min3A_46 : i32
    %dma_start3A = arith.constant 0 : i32
    %dma_start3A_48 = tpu.memref_slice %arg4[%dma_start3A, %add3A_47] : memref<2x800000xi32, #tpu.memory_space<hbm>> -> memref<1x1024xi32, #tpu.memory_space<hbm>>
    %dma_start3A_49 = tpu.memref_squeeze %dma_start3A_48 : memref<1x1024xi32, #tpu.memory_space<hbm>> -> memref<1024xi32, #tpu.memory_space<hbm>>
    %dma_start3A_50 = tpu.memref_slice %arg4[%dma_start3A, %add3A_47] : memref<2x800000xi32, #tpu.memory_space<hbm>> -> memref<1x1024xi32, #tpu.memory_space<hbm>>
    %dma_start3A_51 = tpu.memref_squeeze %dma_start3A_50 : memref<1x1024xi32, #tpu.memory_space<hbm>> -> memref<1024xi32, #tpu.memory_space<hbm>>
    tpu.enqueue_dma source(%dma_start3A_51 : memref<1024xi32, #tpu.memory_space<hbm>>) target(%arg7 : memref<1024xi32, #tpu.memory_space<vmem>>) target_semaphore(%arg22 : memref<!tpu.dma_semaphore, #tpu.memory_space<semaphore_mem>>)
    %dma_start3A_52 = arith.constant 1 : i32
    %dma_start3A_53 = tpu.memref_slice %arg4[%dma_start3A_52, %add3A_47] : memref<2x800000xi32, #tpu.memory_space<hbm>> -> memref<1x1024xi32, #tpu.memory_space<hbm>>
    %dma_start3A_54 = tpu.memref_squeeze %dma_start3A_53 : memref<1x1024xi32, #tpu.memory_space<hbm>> -> memref<1024xi32, #tpu.memory_space<hbm>>
    %dma_start3A_55 = tpu.memref_slice %arg4[%dma_start3A_52, %add3A_47] : memref<2x800000xi32, #tpu.memory_space<hbm>> -> memref<1x1024xi32, #tpu.memory_space<hbm>>
    %dma_start3A_56 = tpu.memref_squeeze %dma_start3A_55 : memref<1x1024xi32, #tpu.memory_space<hbm>> -> memref<1024xi32, #tpu.memory_space<hbm>>
    tpu.enqueue_dma source(%dma_start3A_56 : memref<1024xi32, #tpu.memory_space<hbm>>) target(%arg9 : memref<1024xi32, #tpu.memory_space<vmem>>) target_semaphore(%arg22 : memref<!tpu.dma_semaphore, #tpu.memory_space<semaphore_mem>>)
    %min3A_57 = arith.constant 1024 : i32
    %min3A_58 = arith.constant 23976 : i32
    %min3A_59 = arith.minsi %min3A_57, %min3A_58 : i32
    %add3A_60 = arith.addi %mul3A_2, %min3A_59 : i32
    %dma_start3A_61 = arith.constant 0 : i32
    %dma_start3A_62 = tpu.memref_slice %arg4[%dma_start3A_61, %add3A_60] : memref<2x800000xi32, #tpu.memory_space<hbm>> -> memref<1x1024xi32, #tpu.memory_space<hbm>>
    %dma_start3A_63 = tpu.memref_squeeze %dma_start3A_62 : memref<1x1024xi32, #tpu.memory_space<hbm>> -> memref<1024xi32, #tpu.memory_space<hbm>>
    %dma_start3A_64 = tpu.memref_slice %arg4[%dma_start3A_61, %add3A_60] : memref<2x800000xi32, #tpu.memory_space<hbm>> -> memref<1x1024xi32, #tpu.memory_space<hbm>>
    %dma_start3A_65 = tpu.memref_squeeze %dma_start3A_64 : memref<1x1024xi32, #tpu.memory_space<hbm>> -> memref<1024xi32, #tpu.memory_space<hbm>>
    tpu.enqueue_dma source(%dma_start3A_65 : memref<1024xi32, #tpu.memory_space<hbm>>) target(%arg8 : memref<1024xi32, #tpu.memory_space<vmem>>) target_semaphore(%arg23 : memref<!tpu.dma_semaphore, #tpu.memory_space<semaphore_mem>>)
    %dma_start3A_66 = arith.constant 1 : i32
    %dma_start3A_67 = tpu.memref_slice %arg4[%dma_start3A_66, %add3A_60] : memref<2x800000xi32, #tpu.memory_space<hbm>> -> memref<1x1024xi32, #tpu.memory_space<hbm>>
    %dma_start3A_68 = tpu.memref_squeeze %dma_start3A_67 : memref<1x1024xi32, #tpu.memory_space<hbm>> -> memref<1024xi32, #tpu.memory_space<hbm>>
    %dma_start3A_69 = tpu.memref_slice %arg4[%dma_start3A_66, %add3A_60] : memref<2x800000xi32, #tpu.memory_space<hbm>> -> memref<1x1024xi32, #tpu.memory_space<hbm>>
    %dma_start3A_70 = tpu.memref_squeeze %dma_start3A_69 : memref<1x1024xi32, #tpu.memory_space<hbm>> -> memref<1024xi32, #tpu.memory_space<hbm>>
    tpu.enqueue_dma source(%dma_start3A_70 : memref<1024xi32, #tpu.memory_space<hbm>>) target(%arg10 : memref<1024xi32, #tpu.memory_space<vmem>>) target_semaphore(%arg23 : memref<!tpu.dma_semaphore, #tpu.memory_space<semaphore_mem>>)
    %min3A_71 = arith.constant 0 : i32
    %min3A_72 = arith.constant 23976 : i32
    %min3A_73 = arith.minsi %min3A_71, %min3A_72 : i32
    %add3A_74 = arith.addi %mul3A_2, %min3A_73 : i32
    %dma_wait3A = arith.constant 0 : i32
    %dma_wait3A_75 = tpu.memref_slice %arg4[%dma_wait3A, %add3A_74] : memref<2x800000xi32, #tpu.memory_space<hbm>> -> memref<1x1024xi32, #tpu.memory_space<hbm>>
    %dma_wait3A_76 = tpu.memref_squeeze %dma_wait3A_75 : memref<1x1024xi32, #tpu.memory_space<hbm>> -> memref<1024xi32, #tpu.memory_space<hbm>>
    %dma_wait3A_77 = tpu.memref_slice %arg4[%dma_wait3A, %add3A_74] : memref<2x800000xi32, #tpu.memory_space<hbm>> -> memref<1x1024xi32, #tpu.memory_space<hbm>>
    %dma_wait3A_78 = tpu.memref_squeeze %dma_wait3A_77 : memref<1x1024xi32, #tpu.memory_space<hbm>> -> memref<1024xi32, #tpu.memory_space<hbm>>
    tpu.wait_dma2 semaphore(%arg22 : memref<!tpu.dma_semaphore, #tpu.memory_space<semaphore_mem>>) src(%dma_wait3A_78 : memref<1024xi32, #tpu.memory_space<hbm>>) dst(%arg7 : memref<1024xi32, #tpu.memory_space<vmem>>)
    %dma_wait3A_79 = arith.constant 1 : i32
    %dma_wait3A_80 = tpu.memref_slice %arg4[%dma_wait3A_79, %add3A_74] : memref<2x800000xi32, #tpu.memory_space<hbm>> -> memref<1x1024xi32, #tpu.memory_space<hbm>>
    %dma_wait3A_81 = tpu.memref_squeeze %dma_wait3A_80 : memref<1x1024xi32, #tpu.memory_space<hbm>> -> memref<1024xi32, #tpu.memory_space<hbm>>
    %dma_wait3A_82 = tpu.memref_slice %arg4[%dma_wait3A_79, %add3A_74] : memref<2x800000xi32, #tpu.memory_space<hbm>> -> memref<1x1024xi32, #tpu.memory_space<hbm>>
    %dma_wait3A_83 = tpu.memref_squeeze %dma_wait3A_82 : memref<1x1024xi32, #tpu.memory_space<hbm>> -> memref<1024xi32, #tpu.memory_space<hbm>>
    tpu.wait_dma2 semaphore(%arg22 : memref<!tpu.dma_semaphore, #tpu.memory_space<semaphore_mem>>) src(%dma_wait3A_83 : memref<1024xi32, #tpu.memory_space<hbm>>) dst(%arg9 : memref<1024xi32, #tpu.memory_space<vmem>>)
    %dma_start3A_84 = arith.constant 0 : i32
    %dma_start3A_85 = arith.constant 0 : i32
    %dma_start3A_86 = tpu.memref_slice %arg11[%dma_start3A_84, %dma_start3A_85] : memref<1024x8xf32, #tpu.memory_space<vmem>> -> memref<128x8xf32, #tpu.memory_space<vmem>>
    %dma_start3A_87 = arith.constant 0 : i32
    %dma_start3A_88 = tpu.memref_slice %arg7[%dma_start3A_87] : memref<1024xi32, #tpu.memory_space<vmem>> -> memref<128xi32, #tpu.memory_space<vmem>>
    %dma_start3A_89 = arith.constant 0 : i32
    %dma_start3A_90 = arith.constant 0 : i32
    %dma_start3A_91 = tpu.memref_slice %arg20[%dma_start3A_89, %dma_start3A_90] : memref<50000x8xf32, #tpu.memory_space<vmem_shared>> -> memref<50000x8xf32, #tpu.memory_space<vmem_shared>>
    tpu.enqueue_indirect_dma source(%dma_start3A_91 : memref<50000x8xf32, #tpu.memory_space<vmem_shared>>) target(%dma_start3A_86 : memref<128x8xf32, #tpu.memory_space<vmem>>) offsets(%dma_start3A_88 : memref<128xi32, #tpu.memory_space<vmem>>) semaphore(%arg24 : memref<!tpu.dma_semaphore, #tpu.memory_space<semaphore_mem>>)
    %dma_start3A_92 = arith.constant 0 : i32
    %dma_start3A_93 = arith.constant 0 : i32
    %dma_start3A_94 = tpu.memref_slice %arg13[%dma_start3A_92, %dma_start3A_93] : memref<1024x8xf32, #tpu.memory_space<vmem>> -> memref<128x8xf32, #tpu.memory_space<vmem>>
    %dma_start3A_95 = arith.constant 0 : i32
    %dma_start3A_96 = tpu.memref_slice %arg9[%dma_start3A_95] : memref<1024xi32, #tpu.memory_space<vmem>> -> memref<128xi32, #tpu.memory_space<vmem>>
    %dma_start3A_97 = arith.constant 0 : i32
    %dma_start3A_98 = arith.constant 0 : i32
    %dma_start3A_99 = tpu.memref_slice %arg21[%dma_start3A_97, %dma_start3A_98] : memref<25000x8xf32, #tpu.memory_space<vmem_shared>> -> memref<25000x8xf32, #tpu.memory_space<vmem_shared>>
    tpu.enqueue_indirect_dma source(%dma_start3A_99 : memref<25000x8xf32, #tpu.memory_space<vmem_shared>>) target(%dma_start3A_94 : memref<128x8xf32, #tpu.memory_space<vmem>>) offsets(%dma_start3A_96 : memref<128xi32, #tpu.memory_space<vmem>>) semaphore(%arg24 : memref<!tpu.dma_semaphore, #tpu.memory_space<semaphore_mem>>)
    %dma_start3A_100 = arith.constant 128 : i32
    %dma_start3A_101 = arith.constant 0 : i32
    %dma_start3A_102 = tpu.memref_slice %arg11[%dma_start3A_100, %dma_start3A_101] : memref<1024x8xf32, #tpu.memory_space<vmem>> -> memref<128x8xf32, #tpu.memory_space<vmem>>
    %dma_start3A_103 = arith.constant 128 : i32
    %dma_start3A_104 = tpu.memref_slice %arg7[%dma_start3A_103] : memref<1024xi32, #tpu.memory_space<vmem>> -> memref<128xi32, #tpu.memory_space<vmem>>
    %dma_start3A_105 = arith.constant 0 : i32
    %dma_start3A_106 = arith.constant 0 : i32
    %dma_start3A_107 = tpu.memref_slice %arg20[%dma_start3A_105, %dma_start3A_106] : memref<50000x8xf32, #tpu.memory_space<vmem_shared>> -> memref<50000x8xf32, #tpu.memory_space<vmem_shared>>
    tpu.enqueue_indirect_dma source(%dma_start3A_107 : memref<50000x8xf32, #tpu.memory_space<vmem_shared>>) target(%dma_start3A_102 : memref<128x8xf32, #tpu.memory_space<vmem>>) offsets(%dma_start3A_104 : memref<128xi32, #tpu.memory_space<vmem>>) semaphore(%arg24 : memref<!tpu.dma_semaphore, #tpu.memory_space<semaphore_mem>>)
    %dma_start3A_108 = arith.constant 128 : i32
    %dma_start3A_109 = arith.constant 0 : i32
    %dma_start3A_110 = tpu.memref_slice %arg13[%dma_start3A_108, %dma_start3A_109] : memref<1024x8xf32, #tpu.memory_space<vmem>> -> memref<128x8xf32, #tpu.memory_space<vmem>>
    %dma_start3A_111 = arith.constant 128 : i32
    %dma_start3A_112 = tpu.memref_slice %arg9[%dma_start3A_111] : memref<1024xi32, #tpu.memory_space<vmem>> -> memref<128xi32, #tpu.memory_space<vmem>>
    %dma_start3A_113 = arith.constant 0 : i32
    %dma_start3A_114 = arith.constant 0 : i32
    %dma_start3A_115 = tpu.memref_slice %arg21[%dma_start3A_113, %dma_start3A_114] : memref<25000x8xf32, #tpu.memory_space<vmem_shared>> -> memref<25000x8xf32, #tpu.memory_space<vmem_shared>>
    tpu.enqueue_indirect_dma source(%dma_start3A_115 : memref<25000x8xf32, #tpu.memory_space<vmem_shared>>) target(%dma_start3A_110 : memref<128x8xf32, #tpu.memory_space<vmem>>) offsets(%dma_start3A_112 : memref<128xi32, #tpu.memory_space<vmem>>) semaphore(%arg24 : memref<!tpu.dma_semaphore, #tpu.memory_space<semaphore_mem>>)
    %dma_start3A_116 = arith.constant 256 : i32
    %dma_start3A_117 = arith.constant 0 : i32
    %dma_start3A_118 = tpu.memref_slice %arg11[%dma_start3A_116, %dma_start3A_117] : memref<1024x8xf32, #tpu.memory_space<vmem>> -> memref<128x8xf32, #tpu.memory_space<vmem>>
    %dma_start3A_119 = arith.constant 256 : i32
    %dma_start3A_120 = tpu.memref_slice %arg7[%dma_start3A_119] : memref<1024xi32, #tpu.memory_space<vmem>> -> memref<128xi32, #tpu.memory_space<vmem>>
    %dma_start3A_121 = arith.constant 0 : i32
    %dma_start3A_122 = arith.constant 0 : i32
    %dma_start3A_123 = tpu.memref_slice %arg20[%dma_start3A_121, %dma_start3A_122] : memref<50000x8xf32, #tpu.memory_space<vmem_shared>> -> memref<50000x8xf32, #tpu.memory_space<vmem_shared>>
    tpu.enqueue_indirect_dma source(%dma_start3A_123 : memref<50000x8xf32, #tpu.memory_space<vmem_shared>>) target(%dma_start3A_118 : memref<128x8xf32, #tpu.memory_space<vmem>>) offsets(%dma_start3A_120 : memref<128xi32, #tpu.memory_space<vmem>>) semaphore(%arg24 : memref<!tpu.dma_semaphore, #tpu.memory_space<semaphore_mem>>)
    %dma_start3A_124 = arith.constant 256 : i32
    %dma_start3A_125 = arith.constant 0 : i32
    %dma_start3A_126 = tpu.memref_slice %arg13[%dma_start3A_124, %dma_start3A_125] : memref<1024x8xf32, #tpu.memory_space<vmem>> -> memref<128x8xf32, #tpu.memory_space<vmem>>
    %dma_start3A_127 = arith.constant 256 : i32
    %dma_start3A_128 = tpu.memref_slice %arg9[%dma_start3A_127] : memref<1024xi32, #tpu.memory_space<vmem>> -> memref<128xi32, #tpu.memory_space<vmem>>
    %dma_start3A_129 = arith.constant 0 : i32
    %dma_start3A_130 = arith.constant 0 : i32
    %dma_start3A_131 = tpu.memref_slice %arg21[%dma_start3A_129, %dma_start3A_130] : memref<25000x8xf32, #tpu.memory_space<vmem_shared>> -> memref<25000x8xf32, #tpu.memory_space<vmem_shared>>
    tpu.enqueue_indirect_dma source(%dma_start3A_131 : memref<25000x8xf32, #tpu.memory_space<vmem_shared>>) target(%dma_start3A_126 : memref<128x8xf32, #tpu.memory_space<vmem>>) offsets(%dma_start3A_128 : memref<128xi32, #tpu.memory_space<vmem>>) semaphore(%arg24 : memref<!tpu.dma_semaphore, #tpu.memory_space<semaphore_mem>>)
    %dma_start3A_132 = arith.constant 384 : i32
    %dma_start3A_133 = arith.constant 0 : i32
    %dma_start3A_134 = tpu.memref_slice %arg11[%dma_start3A_132, %dma_start3A_133] : memref<1024x8xf32, #tpu.memory_space<vmem>> -> memref<128x8xf32, #tpu.memory_space<vmem>>
    %dma_start3A_135 = arith.constant 384 : i32
    %dma_start3A_136 = tpu.memref_slice %arg7[%dma_start3A_135] : memref<1024xi32, #tpu.memory_space<vmem>> -> memref<128xi32, #tpu.memory_space<vmem>>
    %dma_start3A_137 = arith.constant 0 : i32
    %dma_start3A_138 = arith.constant 0 : i32
    %dma_start3A_139 = tpu.memref_slice %arg20[%dma_start3A_137, %dma_start3A_138] : memref<50000x8xf32, #tpu.memory_space<vmem_shared>> -> memref<50000x8xf32, #tpu.memory_space<vmem_shared>>
    tpu.enqueue_indirect_dma source(%dma_start3A_139 : memref<50000x8xf32, #tpu.memory_space<vmem_shared>>) target(%dma_start3A_134 : memref<128x8xf32, #tpu.memory_space<vmem>>) offsets(%dma_start3A_136 : memref<128xi32, #tpu.memory_space<vmem>>) semaphore(%arg24 : memref<!tpu.dma_semaphore, #tpu.memory_space<semaphore_mem>>)
    %dma_start3A_140 = arith.constant 384 : i32
    %dma_start3A_141 = arith.constant 0 : i32
    %dma_start3A_142 = tpu.memref_slice %arg13[%dma_start3A_140, %dma_start3A_141] : memref<1024x8xf32, #tpu.memory_space<vmem>> -> memref<128x8xf32, #tpu.memory_space<vmem>>
    %dma_start3A_143 = arith.constant 384 : i32
    %dma_start3A_144 = tpu.memref_slice %arg9[%dma_start3A_143] : memref<1024xi32, #tpu.memory_space<vmem>> -> memref<128xi32, #tpu.memory_space<vmem>>
    %dma_start3A_145 = arith.constant 0 : i32
    %dma_start3A_146 = arith.constant 0 : i32
    %dma_start3A_147 = tpu.memref_slice %arg21[%dma_start3A_145, %dma_start3A_146] : memref<25000x8xf32, #tpu.memory_space<vmem_shared>> -> memref<25000x8xf32, #tpu.memory_space<vmem_shared>>
    tpu.enqueue_indirect_dma source(%dma_start3A_147 : memref<25000x8xf32, #tpu.memory_space<vmem_shared>>) target(%dma_start3A_142 : memref<128x8xf32, #tpu.memory_space<vmem>>) offsets(%dma_start3A_144 : memref<128xi32, #tpu.memory_space<vmem>>) semaphore(%arg24 : memref<!tpu.dma_semaphore, #tpu.memory_space<semaphore_mem>>)
    %dma_start3A_148 = arith.constant 512 : i32
    %dma_start3A_149 = arith.constant 0 : i32
    %dma_start3A_150 = tpu.memref_slice %arg11[%dma_start3A_148, %dma_start3A_149] : memref<1024x8xf32, #tpu.memory_space<vmem>> -> memref<128x8xf32, #tpu.memory_space<vmem>>
    %dma_start3A_151 = arith.constant 512 : i32
    %dma_start3A_152 = tpu.memref_slice %arg7[%dma_start3A_151] : memref<1024xi32, #tpu.memory_space<vmem>> -> memref<128xi32, #tpu.memory_space<vmem>>
    %dma_start3A_153 = arith.constant 0 : i32
    %dma_start3A_154 = arith.constant 0 : i32
    %dma_start3A_155 = tpu.memref_slice %arg20[%dma_start3A_153, %dma_start3A_154] : memref<50000x8xf32, #tpu.memory_space<vmem_shared>> -> memref<50000x8xf32, #tpu.memory_space<vmem_shared>>
    tpu.enqueue_indirect_dma source(%dma_start3A_155 : memref<50000x8xf32, #tpu.memory_space<vmem_shared>>) target(%dma_start3A_150 : memref<128x8xf32, #tpu.memory_space<vmem>>) offsets(%dma_start3A_152 : memref<128xi32, #tpu.memory_space<vmem>>) semaphore(%arg24 : memref<!tpu.dma_semaphore, #tpu.memory_space<semaphore_mem>>)
    %dma_start3A_156 = arith.constant 512 : i32
    %dma_start3A_157 = arith.constant 0 : i32
    %dma_start3A_158 = tpu.memref_slice %arg13[%dma_start3A_156, %dma_start3A_157] : memref<1024x8xf32, #tpu.memory_space<vmem>> -> memref<128x8xf32, #tpu.memory_space<vmem>>
    %dma_start3A_159 = arith.constant 512 : i32
    %dma_start3A_160 = tpu.memref_slice %arg9[%dma_start3A_159] : memref<1024xi32, #tpu.memory_space<vmem>> -> memref<128xi32, #tpu.memory_space<vmem>>
    %dma_start3A_161 = arith.constant 0 : i32
    %dma_start3A_162 = arith.constant 0 : i32
    %dma_start3A_163 = tpu.memref_slice %arg21[%dma_start3A_161, %dma_start3A_162] : memref<25000x8xf32, #tpu.memory_space<vmem_shared>> -> memref<25000x8xf32, #tpu.memory_space<vmem_shared>>
    tpu.enqueue_indirect_dma source(%dma_start3A_163 : memref<25000x8xf32, #tpu.memory_space<vmem_shared>>) target(%dma_start3A_158 : memref<128x8xf32, #tpu.memory_space<vmem>>) offsets(%dma_start3A_160 : memref<128xi32, #tpu.memory_space<vmem>>) semaphore(%arg24 : memref<!tpu.dma_semaphore, #tpu.memory_space<semaphore_mem>>)
    %dma_start3A_164 = arith.constant 640 : i32
    %dma_start3A_165 = arith.constant 0 : i32
    %dma_start3A_166 = tpu.memref_slice %arg11[%dma_start3A_164, %dma_start3A_165] : memref<1024x8xf32, #tpu.memory_space<vmem>> -> memref<128x8xf32, #tpu.memory_space<vmem>>
    %dma_start3A_167 = arith.constant 640 : i32
    %dma_start3A_168 = tpu.memref_slice %arg7[%dma_start3A_167] : memref<1024xi32, #tpu.memory_space<vmem>> -> memref<128xi32, #tpu.memory_space<vmem>>
    %dma_start3A_169 = arith.constant 0 : i32
    %dma_start3A_170 = arith.constant 0 : i32
    %dma_start3A_171 = tpu.memref_slice %arg20[%dma_start3A_169, %dma_start3A_170] : memref<50000x8xf32, #tpu.memory_space<vmem_shared>> -> memref<50000x8xf32, #tpu.memory_space<vmem_shared>>
    tpu.enqueue_indirect_dma source(%dma_start3A_171 : memref<50000x8xf32, #tpu.memory_space<vmem_shared>>) target(%dma_start3A_166 : memref<128x8xf32, #tpu.memory_space<vmem>>) offsets(%dma_start3A_168 : memref<128xi32, #tpu.memory_space<vmem>>) semaphore(%arg24 : memref<!tpu.dma_semaphore, #tpu.memory_space<semaphore_mem>>)
    %dma_start3A_172 = arith.constant 640 : i32
    %dma_start3A_173 = arith.constant 0 : i32
    %dma_start3A_174 = tpu.memref_slice %arg13[%dma_start3A_172, %dma_start3A_173] : memref<1024x8xf32, #tpu.memory_space<vmem>> -> memref<128x8xf32, #tpu.memory_space<vmem>>
    %dma_start3A_175 = arith.constant 640 : i32
    %dma_start3A_176 = tpu.memref_slice %arg9[%dma_start3A_175] : memref<1024xi32, #tpu.memory_space<vmem>> -> memref<128xi32, #tpu.memory_space<vmem>>
    %dma_start3A_177 = arith.constant 0 : i32
    %dma_start3A_178 = arith.constant 0 : i32
    %dma_start3A_179 = tpu.memref_slice %arg21[%dma_start3A_177, %dma_start3A_178] : memref<25000x8xf32, #tpu.memory_space<vmem_shared>> -> memref<25000x8xf32, #tpu.memory_space<vmem_shared>>
    tpu.enqueue_indirect_dma source(%dma_start3A_179 : memref<25000x8xf32, #tpu.memory_space<vmem_shared>>) target(%dma_start3A_174 : memref<128x8xf32, #tpu.memory_space<vmem>>) offsets(%dma_start3A_176 : memref<128xi32, #tpu.memory_space<vmem>>) semaphore(%arg24 : memref<!tpu.dma_semaphore, #tpu.memory_space<semaphore_mem>>)
    %dma_start3A_180 = arith.constant 768 : i32
    %dma_start3A_181 = arith.constant 0 : i32
    %dma_start3A_182 = tpu.memref_slice %arg11[%dma_start3A_180, %dma_start3A_181] : memref<1024x8xf32, #tpu.memory_space<vmem>> -> memref<128x8xf32, #tpu.memory_space<vmem>>
    %dma_start3A_183 = arith.constant 768 : i32
    %dma_start3A_184 = tpu.memref_slice %arg7[%dma_start3A_183] : memref<1024xi32, #tpu.memory_space<vmem>> -> memref<128xi32, #tpu.memory_space<vmem>>
    %dma_start3A_185 = arith.constant 0 : i32
    %dma_start3A_186 = arith.constant 0 : i32
    %dma_start3A_187 = tpu.memref_slice %arg20[%dma_start3A_185, %dma_start3A_186] : memref<50000x8xf32, #tpu.memory_space<vmem_shared>> -> memref<50000x8xf32, #tpu.memory_space<vmem_shared>>
    tpu.enqueue_indirect_dma source(%dma_start3A_187 : memref<50000x8xf32, #tpu.memory_space<vmem_shared>>) target(%dma_start3A_182 : memref<128x8xf32, #tpu.memory_space<vmem>>) offsets(%dma_start3A_184 : memref<128xi32, #tpu.memory_space<vmem>>) semaphore(%arg24 : memref<!tpu.dma_semaphore, #tpu.memory_space<semaphore_mem>>)
    %dma_start3A_188 = arith.constant 768 : i32
    %dma_start3A_189 = arith.constant 0 : i32
    %dma_start3A_190 = tpu.memref_slice %arg13[%dma_start3A_188, %dma_start3A_189] : memref<1024x8xf32, #tpu.memory_space<vmem>> -> memref<128x8xf32, #tpu.memory_space<vmem>>
    %dma_start3A_191 = arith.constant 768 : i32
    %dma_start3A_192 = tpu.memref_slice %arg9[%dma_start3A_191] : memref<1024xi32, #tpu.memory_space<vmem>> -> memref<128xi32, #tpu.memory_space<vmem>>
    %dma_start3A_193 = arith.constant 0 : i32
    %dma_start3A_194 = arith.constant 0 : i32
    %dma_start3A_195 = tpu.memref_slice %arg21[%dma_start3A_193, %dma_start3A_194] : memref<25000x8xf32, #tpu.memory_space<vmem_shared>> -> memref<25000x8xf32, #tpu.memory_space<vmem_shared>>
    tpu.enqueue_indirect_dma source(%dma_start3A_195 : memref<25000x8xf32, #tpu.memory_space<vmem_shared>>) target(%dma_start3A_190 : memref<128x8xf32, #tpu.memory_space<vmem>>) offsets(%dma_start3A_192 : memref<128xi32, #tpu.memory_space<vmem>>) semaphore(%arg24 : memref<!tpu.dma_semaphore, #tpu.memory_space<semaphore_mem>>)
    %dma_start3A_196 = arith.constant 896 : i32
    %dma_start3A_197 = arith.constant 0 : i32
    %dma_start3A_198 = tpu.memref_slice %arg11[%dma_start3A_196, %dma_start3A_197] : memref<1024x8xf32, #tpu.memory_space<vmem>> -> memref<128x8xf32, #tpu.memory_space<vmem>>
    %dma_start3A_199 = arith.constant 896 : i32
    %dma_start3A_200 = tpu.memref_slice %arg7[%dma_start3A_199] : memref<1024xi32, #tpu.memory_space<vmem>> -> memref<128xi32, #tpu.memory_space<vmem>>
    %dma_start3A_201 = arith.constant 0 : i32
    %dma_start3A_202 = arith.constant 0 : i32
    %dma_start3A_203 = tpu.memref_slice %arg20[%dma_start3A_201, %dma_start3A_202] : memref<50000x8xf32, #tpu.memory_space<vmem_shared>> -> memref<50000x8xf32, #tpu.memory_space<vmem_shared>>
    tpu.enqueue_indirect_dma source(%dma_start3A_203 : memref<50000x8xf32, #tpu.memory_space<vmem_shared>>) target(%dma_start3A_198 : memref<128x8xf32, #tpu.memory_space<vmem>>) offsets(%dma_start3A_200 : memref<128xi32, #tpu.memory_space<vmem>>) semaphore(%arg24 : memref<!tpu.dma_semaphore, #tpu.memory_space<semaphore_mem>>)
    %dma_start3A_204 = arith.constant 896 : i32
    %dma_start3A_205 = arith.constant 0 : i32
    %dma_start3A_206 = tpu.memref_slice %arg13[%dma_start3A_204, %dma_start3A_205] : memref<1024x8xf32, #tpu.memory_space<vmem>> -> memref<128x8xf32, #tpu.memory_space<vmem>>
    %dma_start3A_207 = arith.constant 896 : i32
    %dma_start3A_208 = tpu.memref_slice %arg9[%dma_start3A_207] : memref<1024xi32, #tpu.memory_space<vmem>> -> memref<128xi32, #tpu.memory_space<vmem>>
    %dma_start3A_209 = arith.constant 0 : i32
    %dma_start3A_210 = arith.constant 0 : i32
    %dma_start3A_211 = tpu.memref_slice %arg21[%dma_start3A_209, %dma_start3A_210] : memref<25000x8xf32, #tpu.memory_space<vmem_shared>> -> memref<25000x8xf32, #tpu.memory_space<vmem_shared>>
    tpu.enqueue_indirect_dma source(%dma_start3A_211 : memref<25000x8xf32, #tpu.memory_space<vmem_shared>>) target(%dma_start3A_206 : memref<128x8xf32, #tpu.memory_space<vmem>>) offsets(%dma_start3A_208 : memref<128xi32, #tpu.memory_space<vmem>>) semaphore(%arg24 : memref<!tpu.dma_semaphore, #tpu.memory_space<semaphore_mem>>)
    %scan3A_212 = arith.constant 0 : i32
    %scan3A_213 = arith.constant 0 : i32
    %scan3A_214 = arith.constant 13 : i32
    %scan3A_215 = arith.addi %scan3A_213, %scan3A_214 : i32
    %scan3A_216 = arith.constant 1 : i32
    scf.for %scan3A_234 = %scan3A_213 to %scan3A_215 step %scan3A_216  : i32 {
      %mul3A_235 = arith.constant 2 : i32
      %mul3A_236 = arith.muli %mul3A_235, %scan3A_234 : i32
      %add3A_237 = arith.constant 0 : i32
      %add3A_238 = arith.addi %mul3A_236, %add3A_237 : i32
      %add3A_239 = arith.constant 1 : i32
      %add3A_240 = arith.addi %add3A_238, %add3A_239 : i32
      %lt3A = arith.constant 26 : i32
      %lt3A_241 = arith.cmpi slt, %add3A_240, %lt3A : i32
      %convert_element_type3A = arith.extui %lt3A_241 : i1 to i32
      %cond3A = arith.constant 0 : i32
      %cond3A_242 = arith.cmpi ne, %convert_element_type3A, %cond3A : i32
      scf.if %cond3A_242 {
        %add3A_563 = arith.constant 1 : i32
        %add3A_564 = arith.addi %add3A_238, %add3A_563 : i32
        %mul3A_565 = arith.constant 1024 : i32
        %mul3A_566 = arith.muli %add3A_564, %mul3A_565 : i32
        %min3A_567 = arith.constant 23976 : i32
        %min3A_568 = arith.minsi %mul3A_566, %min3A_567 : i32
        %add3A_569 = arith.addi %mul3A_2, %min3A_568 : i32
        %dma_wait3A_570 = arith.constant 0 : i32
        %dma_wait3A_571 = tpu.memref_slice %arg4[%dma_wait3A_570, %add3A_569] : memref<2x800000xi32, #tpu.memory_space<hbm>> -> memref<1x1024xi32, #tpu.memory_space<hbm>>
        %dma_wait3A_572 = tpu.memref_squeeze %dma_wait3A_571 : memref<1x1024xi32, #tpu.memory_space<hbm>> -> memref<1024xi32, #tpu.memory_space<hbm>>
        %dma_wait3A_573 = tpu.memref_slice %arg4[%dma_wait3A_570, %add3A_569] : memref<2x800000xi32, #tpu.memory_space<hbm>> -> memref<1x1024xi32, #tpu.memory_space<hbm>>
        %dma_wait3A_574 = tpu.memref_squeeze %dma_wait3A_573 : memref<1x1024xi32, #tpu.memory_space<hbm>> -> memref<1024xi32, #tpu.memory_space<hbm>>
        tpu.wait_dma2 semaphore(%arg23 : memref<!tpu.dma_semaphore, #tpu.memory_space<semaphore_mem>>) src(%dma_wait3A_574 : memref<1024xi32, #tpu.memory_space<hbm>>) dst(%arg8 : memref<1024xi32, #tpu.memory_space<vmem>>)
        %dma_wait3A_575 = arith.constant 1 : i32
        %dma_wait3A_576 = tpu.memref_slice %arg4[%dma_wait3A_575, %add3A_569] : memref<2x800000xi32, #tpu.memory_space<hbm>> -> memref<1x1024xi32, #tpu.memory_space<hbm>>
        %dma_wait3A_577 = tpu.memref_squeeze %dma_wait3A_576 : memref<1x1024xi32, #tpu.memory_space<hbm>> -> memref<1024xi32, #tpu.memory_space<hbm>>
        %dma_wait3A_578 = tpu.memref_slice %arg4[%dma_wait3A_575, %add3A_569] : memref<2x800000xi32, #tpu.memory_space<hbm>> -> memref<1x1024xi32, #tpu.memory_space<hbm>>
        %dma_wait3A_579 = tpu.memref_squeeze %dma_wait3A_578 : memref<1x1024xi32, #tpu.memory_space<hbm>> -> memref<1024xi32, #tpu.memory_space<hbm>>
        tpu.wait_dma2 semaphore(%arg23 : memref<!tpu.dma_semaphore, #tpu.memory_space<semaphore_mem>>) src(%dma_wait3A_579 : memref<1024xi32, #tpu.memory_space<hbm>>) dst(%arg10 : memref<1024xi32, #tpu.memory_space<vmem>>)
        %dma_start3A_580 = arith.constant 0 : i32
        %dma_start3A_581 = arith.constant 0 : i32
        %dma_start3A_582 = tpu.memref_slice %arg12[%dma_start3A_580, %dma_start3A_581] : memref<1024x8xf32, #tpu.memory_space<vmem>> -> memref<128x8xf32, #tpu.memory_space<vmem>>
        %dma_start3A_583 = arith.constant 0 : i32
        %dma_start3A_584 = tpu.memref_slice %arg8[%dma_start3A_583] : memref<1024xi32, #tpu.memory_space<vmem>> -> memref<128xi32, #tpu.memory_space<vmem>>
        %dma_start3A_585 = arith.constant 0 : i32
        %dma_start3A_586 = arith.constant 0 : i32
        %dma_start3A_587 = tpu.memref_slice %arg20[%dma_start3A_585, %dma_start3A_586] : memref<50000x8xf32, #tpu.memory_space<vmem_shared>> -> memref<50000x8xf32, #tpu.memory_space<vmem_shared>>
        tpu.enqueue_indirect_dma source(%dma_start3A_587 : memref<50000x8xf32, #tpu.memory_space<vmem_shared>>) target(%dma_start3A_582 : memref<128x8xf32, #tpu.memory_space<vmem>>) offsets(%dma_start3A_584 : memref<128xi32, #tpu.memory_space<vmem>>) semaphore(%arg25 : memref<!tpu.dma_semaphore, #tpu.memory_space<semaphore_mem>>)
        %dma_start3A_588 = arith.constant 0 : i32
        %dma_start3A_589 = arith.constant 0 : i32
        %dma_start3A_590 = tpu.memref_slice %arg14[%dma_start3A_588, %dma_start3A_589] : memref<1024x8xf32, #tpu.memory_space<vmem>> -> memref<128x8xf32, #tpu.memory_space<vmem>>
        %dma_start3A_591 = arith.constant 0 : i32
        %dma_start3A_592 = tpu.memref_slice %arg10[%dma_start3A_591] : memref<1024xi32, #tpu.memory_space<vmem>> -> memref<128xi32, #tpu.memory_space<vmem>>
        %dma_start3A_593 = arith.constant 0 : i32
        %dma_start3A_594 = arith.constant 0 : i32
        %dma_start3A_595 = tpu.memref_slice %arg21[%dma_start3A_593, %dma_start3A_594] : memref<25000x8xf32, #tpu.memory_space<vmem_shared>> -> memref<25000x8xf32, #tpu.memory_space<vmem_shared>>
        tpu.enqueue_indirect_dma source(%dma_start3A_595 : memref<25000x8xf32, #tpu.memory_space<vmem_shared>>) target(%dma_start3A_590 : memref<128x8xf32, #tpu.memory_space<vmem>>) offsets(%dma_start3A_592 : memref<128xi32, #tpu.memory_space<vmem>>) semaphore(%arg25 : memref<!tpu.dma_semaphore, #tpu.memory_space<semaphore_mem>>)
        %dma_start3A_596 = arith.constant 128 : i32
        %dma_start3A_597 = arith.constant 0 : i32
        %dma_start3A_598 = tpu.memref_slice %arg12[%dma_start3A_596, %dma_start3A_597] : memref<1024x8xf32, #tpu.memory_space<vmem>> -> memref<128x8xf32, #tpu.memory_space<vmem>>
        %dma_start3A_599 = arith.constant 128 : i32
        %dma_start3A_600 = tpu.memref_slice %arg8[%dma_start3A_599] : memref<1024xi32, #tpu.memory_space<vmem>> -> memref<128xi32, #tpu.memory_space<vmem>>
        %dma_start3A_601 = arith.constant 0 : i32
        %dma_start3A_602 = arith.constant 0 : i32
        %dma_start3A_603 = tpu.memref_slice %arg20[%dma_start3A_601, %dma_start3A_602] : memref<50000x8xf32, #tpu.memory_space<vmem_shared>> -> memref<50000x8xf32, #tpu.memory_space<vmem_shared>>
        tpu.enqueue_indirect_dma source(%dma_start3A_603 : memref<50000x8xf32, #tpu.memory_space<vmem_shared>>) target(%dma_start3A_598 : memref<128x8xf32, #tpu.memory_space<vmem>>) offsets(%dma_start3A_600 : memref<128xi32, #tpu.memory_space<vmem>>) semaphore(%arg25 : memref<!tpu.dma_semaphore, #tpu.memory_space<semaphore_mem>>)
        %dma_start3A_604 = arith.constant 128 : i32
        %dma_start3A_605 = arith.constant 0 : i32
        %dma_start3A_606 = tpu.memref_slice %arg14[%dma_start3A_604, %dma_start3A_605] : memref<1024x8xf32, #tpu.memory_space<vmem>> -> memref<128x8xf32, #tpu.memory_space<vmem>>
        %dma_start3A_607 = arith.constant 128 : i32
        %dma_start3A_608 = tpu.memref_slice %arg10[%dma_start3A_607] : memref<1024xi32, #tpu.memory_space<vmem>> -> memref<128xi32, #tpu.memory_space<vmem>>
        %dma_start3A_609 = arith.constant 0 : i32
        %dma_start3A_610 = arith.constant 0 : i32
        %dma_start3A_611 = tpu.memref_slice %arg21[%dma_start3A_609, %dma_start3A_610] : memref<25000x8xf32, #tpu.memory_space<vmem_shared>> -> memref<25000x8xf32, #tpu.memory_space<vmem_shared>>
        tpu.enqueue_indirect_dma source(%dma_start3A_611 : memref<25000x8xf32, #tpu.memory_space<vmem_shared>>) target(%dma_start3A_606 : memref<128x8xf32, #tpu.memory_space<vmem>>) offsets(%dma_start3A_608 : memref<128xi32, #tpu.memory_space<vmem>>) semaphore(%arg25 : memref<!tpu.dma_semaphore, #tpu.memory_space<semaphore_mem>>)
        %dma_start3A_612 = arith.constant 256 : i32
        %dma_start3A_613 = arith.constant 0 : i32
        %dma_start3A_614 = tpu.memref_slice %arg12[%dma_start3A_612, %dma_start3A_613] : memref<1024x8xf32, #tpu.memory_space<vmem>> -> memref<128x8xf32, #tpu.memory_space<vmem>>
        %dma_start3A_615 = arith.constant 256 : i32
        %dma_start3A_616 = tpu.memref_slice %arg8[%dma_start3A_615] : memref<1024xi32, #tpu.memory_space<vmem>> -> memref<128xi32, #tpu.memory_space<vmem>>
        %dma_start3A_617 = arith.constant 0 : i32
        %dma_start3A_618 = arith.constant 0 : i32
        %dma_start3A_619 = tpu.memref_slice %arg20[%dma_start3A_617, %dma_start3A_618] : memref<50000x8xf32, #tpu.memory_space<vmem_shared>> -> memref<50000x8xf32, #tpu.memory_space<vmem_shared>>
        tpu.enqueue_indirect_dma source(%dma_start3A_619 : memref<50000x8xf32, #tpu.memory_space<vmem_shared>>) target(%dma_start3A_614 : memref<128x8xf32, #tpu.memory_space<vmem>>) offsets(%dma_start3A_616 : memref<128xi32, #tpu.memory_space<vmem>>) semaphore(%arg25 : memref<!tpu.dma_semaphore, #tpu.memory_space<semaphore_mem>>)
        %dma_start3A_620 = arith.constant 256 : i32
        %dma_start3A_621 = arith.constant 0 : i32
        %dma_start3A_622 = tpu.memref_slice %arg14[%dma_start3A_620, %dma_start3A_621] : memref<1024x8xf32, #tpu.memory_space<vmem>> -> memref<128x8xf32, #tpu.memory_space<vmem>>
        %dma_start3A_623 = arith.constant 256 : i32
        %dma_start3A_624 = tpu.memref_slice %arg10[%dma_start3A_623] : memref<1024xi32, #tpu.memory_space<vmem>> -> memref<128xi32, #tpu.memory_space<vmem>>
        %dma_start3A_625 = arith.constant 0 : i32
        %dma_start3A_626 = arith.constant 0 : i32
        %dma_start3A_627 = tpu.memref_slice %arg21[%dma_start3A_625, %dma_start3A_626] : memref<25000x8xf32, #tpu.memory_space<vmem_shared>> -> memref<25000x8xf32, #tpu.memory_space<vmem_shared>>
        tpu.enqueue_indirect_dma source(%dma_start3A_627 : memref<25000x8xf32, #tpu.memory_space<vmem_shared>>) target(%dma_start3A_622 : memref<128x8xf32, #tpu.memory_space<vmem>>) offsets(%dma_start3A_624 : memref<128xi32, #tpu.memory_space<vmem>>) semaphore(%arg25 : memref<!tpu.dma_semaphore, #tpu.memory_space<semaphore_mem>>)
        %dma_start3A_628 = arith.constant 384 : i32
        %dma_start3A_629 = arith.constant 0 : i32
        %dma_start3A_630 = tpu.memref_slice %arg12[%dma_start3A_628, %dma_start3A_629] : memref<1024x8xf32, #tpu.memory_space<vmem>> -> memref<128x8xf32, #tpu.memory_space<vmem>>
        %dma_start3A_631 = arith.constant 384 : i32
        %dma_start3A_632 = tpu.memref_slice %arg8[%dma_start3A_631] : memref<1024xi32, #tpu.memory_space<vmem>> -> memref<128xi32, #tpu.memory_space<vmem>>
        %dma_start3A_633 = arith.constant 0 : i32
        %dma_start3A_634 = arith.constant 0 : i32
        %dma_start3A_635 = tpu.memref_slice %arg20[%dma_start3A_633, %dma_start3A_634] : memref<50000x8xf32, #tpu.memory_space<vmem_shared>> -> memref<50000x8xf32, #tpu.memory_space<vmem_shared>>
        tpu.enqueue_indirect_dma source(%dma_start3A_635 : memref<50000x8xf32, #tpu.memory_space<vmem_shared>>) target(%dma_start3A_630 : memref<128x8xf32, #tpu.memory_space<vmem>>) offsets(%dma_start3A_632 : memref<128xi32, #tpu.memory_space<vmem>>) semaphore(%arg25 : memref<!tpu.dma_semaphore, #tpu.memory_space<semaphore_mem>>)
        %dma_start3A_636 = arith.constant 384 : i32
        %dma_start3A_637 = arith.constant 0 : i32
        %dma_start3A_638 = tpu.memref_slice %arg14[%dma_start3A_636, %dma_start3A_637] : memref<1024x8xf32, #tpu.memory_space<vmem>> -> memref<128x8xf32, #tpu.memory_space<vmem>>
        %dma_start3A_639 = arith.constant 384 : i32
        %dma_start3A_640 = tpu.memref_slice %arg10[%dma_start3A_639] : memref<1024xi32, #tpu.memory_space<vmem>> -> memref<128xi32, #tpu.memory_space<vmem>>
        %dma_start3A_641 = arith.constant 0 : i32
        %dma_start3A_642 = arith.constant 0 : i32
        %dma_start3A_643 = tpu.memref_slice %arg21[%dma_start3A_641, %dma_start3A_642] : memref<25000x8xf32, #tpu.memory_space<vmem_shared>> -> memref<25000x8xf32, #tpu.memory_space<vmem_shared>>
        tpu.enqueue_indirect_dma source(%dma_start3A_643 : memref<25000x8xf32, #tpu.memory_space<vmem_shared>>) target(%dma_start3A_638 : memref<128x8xf32, #tpu.memory_space<vmem>>) offsets(%dma_start3A_640 : memref<128xi32, #tpu.memory_space<vmem>>) semaphore(%arg25 : memref<!tpu.dma_semaphore, #tpu.memory_space<semaphore_mem>>)
        %dma_start3A_644 = arith.constant 512 : i32
        %dma_start3A_645 = arith.constant 0 : i32
        %dma_start3A_646 = tpu.memref_slice %arg12[%dma_start3A_644, %dma_start3A_645] : memref<1024x8xf32, #tpu.memory_space<vmem>> -> memref<128x8xf32, #tpu.memory_space<vmem>>
        %dma_start3A_647 = arith.constant 512 : i32
        %dma_start3A_648 = tpu.memref_slice %arg8[%dma_start3A_647] : memref<1024xi32, #tpu.memory_space<vmem>> -> memref<128xi32, #tpu.memory_space<vmem>>
        %dma_start3A_649 = arith.constant 0 : i32
        %dma_start3A_650 = arith.constant 0 : i32
        %dma_start3A_651 = tpu.memref_slice %arg20[%dma_start3A_649, %dma_start3A_650] : memref<50000x8xf32, #tpu.memory_space<vmem_shared>> -> memref<50000x8xf32, #tpu.memory_space<vmem_shared>>
        tpu.enqueue_indirect_dma source(%dma_start3A_651 : memref<50000x8xf32, #tpu.memory_space<vmem_shared>>) target(%dma_start3A_646 : memref<128x8xf32, #tpu.memory_space<vmem>>) offsets(%dma_start3A_648 : memref<128xi32, #tpu.memory_space<vmem>>) semaphore(%arg25 : memref<!tpu.dma_semaphore, #tpu.memory_space<semaphore_mem>>)
        %dma_start3A_652 = arith.constant 512 : i32
        %dma_start3A_653 = arith.constant 0 : i32
        %dma_start3A_654 = tpu.memref_slice %arg14[%dma_start3A_652, %dma_start3A_653] : memref<1024x8xf32, #tpu.memory_space<vmem>> -> memref<128x8xf32, #tpu.memory_space<vmem>>
        %dma_start3A_655 = arith.constant 512 : i32
        %dma_start3A_656 = tpu.memref_slice %arg10[%dma_start3A_655] : memref<1024xi32, #tpu.memory_space<vmem>> -> memref<128xi32, #tpu.memory_space<vmem>>
        %dma_start3A_657 = arith.constant 0 : i32
        %dma_start3A_658 = arith.constant 0 : i32
        %dma_start3A_659 = tpu.memref_slice %arg21[%dma_start3A_657, %dma_start3A_658] : memref<25000x8xf32, #tpu.memory_space<vmem_shared>> -> memref<25000x8xf32, #tpu.memory_space<vmem_shared>>
        tpu.enqueue_indirect_dma source(%dma_start3A_659 : memref<25000x8xf32, #tpu.memory_space<vmem_shared>>) target(%dma_start3A_654 : memref<128x8xf32, #tpu.memory_space<vmem>>) offsets(%dma_start3A_656 : memref<128xi32, #tpu.memory_space<vmem>>) semaphore(%arg25 : memref<!tpu.dma_semaphore, #tpu.memory_space<semaphore_mem>>)
        %dma_start3A_660 = arith.constant 640 : i32
        %dma_start3A_661 = arith.constant 0 : i32
        %dma_start3A_662 = tpu.memref_slice %arg12[%dma_start3A_660, %dma_start3A_661] : memref<1024x8xf32, #tpu.memory_space<vmem>> -> memref<128x8xf32, #tpu.memory_space<vmem>>
        %dma_start3A_663 = arith.constant 640 : i32
        %dma_start3A_664 = tpu.memref_slice %arg8[%dma_start3A_663] : memref<1024xi32, #tpu.memory_space<vmem>> -> memref<128xi32, #tpu.memory_space<vmem>>
        %dma_start3A_665 = arith.constant 0 : i32
        %dma_start3A_666 = arith.constant 0 : i32
        %dma_start3A_667 = tpu.memref_slice %arg20[%dma_start3A_665, %dma_start3A_666] : memref<50000x8xf32, #tpu.memory_space<vmem_shared>> -> memref<50000x8xf32, #tpu.memory_space<vmem_shared>>
        tpu.enqueue_indirect_dma source(%dma_start3A_667 : memref<50000x8xf32, #tpu.memory_space<vmem_shared>>) target(%dma_start3A_662 : memref<128x8xf32, #tpu.memory_space<vmem>>) offsets(%dma_start3A_664 : memref<128xi32, #tpu.memory_space<vmem>>) semaphore(%arg25 : memref<!tpu.dma_semaphore, #tpu.memory_space<semaphore_mem>>)
        %dma_start3A_668 = arith.constant 640 : i32
        %dma_start3A_669 = arith.constant 0 : i32
        %dma_start3A_670 = tpu.memref_slice %arg14[%dma_start3A_668, %dma_start3A_669] : memref<1024x8xf32, #tpu.memory_space<vmem>> -> memref<128x8xf32, #tpu.memory_space<vmem>>
        %dma_start3A_671 = arith.constant 640 : i32
        %dma_start3A_672 = tpu.memref_slice %arg10[%dma_start3A_671] : memref<1024xi32, #tpu.memory_space<vmem>> -> memref<128xi32, #tpu.memory_space<vmem>>
        %dma_start3A_673 = arith.constant 0 : i32
        %dma_start3A_674 = arith.constant 0 : i32
        %dma_start3A_675 = tpu.memref_slice %arg21[%dma_start3A_673, %dma_start3A_674] : memref<25000x8xf32, #tpu.memory_space<vmem_shared>> -> memref<25000x8xf32, #tpu.memory_space<vmem_shared>>
        tpu.enqueue_indirect_dma source(%dma_start3A_675 : memref<25000x8xf32, #tpu.memory_space<vmem_shared>>) target(%dma_start3A_670 : memref<128x8xf32, #tpu.memory_space<vmem>>) offsets(%dma_start3A_672 : memref<128xi32, #tpu.memory_space<vmem>>) semaphore(%arg25 : memref<!tpu.dma_semaphore, #tpu.memory_space<semaphore_mem>>)
        %dma_start3A_676 = arith.constant 768 : i32
        %dma_start3A_677 = arith.constant 0 : i32
        %dma_start3A_678 = tpu.memref_slice %arg12[%dma_start3A_676, %dma_start3A_677] : memref<1024x8xf32, #tpu.memory_space<vmem>> -> memref<128x8xf32, #tpu.memory_space<vmem>>
        %dma_start3A_679 = arith.constant 768 : i32
        %dma_start3A_680 = tpu.memref_slice %arg8[%dma_start3A_679] : memref<1024xi32, #tpu.memory_space<vmem>> -> memref<128xi32, #tpu.memory_space<vmem>>
        %dma_start3A_681 = arith.constant 0 : i32
        %dma_start3A_682 = arith.constant 0 : i32
        %dma_start3A_683 = tpu.memref_slice %arg20[%dma_start3A_681, %dma_start3A_682] : memref<50000x8xf32, #tpu.memory_space<vmem_shared>> -> memref<50000x8xf32, #tpu.memory_space<vmem_shared>>
        tpu.enqueue_indirect_dma source(%dma_start3A_683 : memref<50000x8xf32, #tpu.memory_space<vmem_shared>>) target(%dma_start3A_678 : memref<128x8xf32, #tpu.memory_space<vmem>>) offsets(%dma_start3A_680 : memref<128xi32, #tpu.memory_space<vmem>>) semaphore(%arg25 : memref<!tpu.dma_semaphore, #tpu.memory_space<semaphore_mem>>)
        %dma_start3A_684 = arith.constant 768 : i32
        %dma_start3A_685 = arith.constant 0 : i32
        %dma_start3A_686 = tpu.memref_slice %arg14[%dma_start3A_684, %dma_start3A_685] : memref<1024x8xf32, #tpu.memory_space<vmem>> -> memref<128x8xf32, #tpu.memory_space<vmem>>
        %dma_start3A_687 = arith.constant 768 : i32
        %dma_start3A_688 = tpu.memref_slice %arg10[%dma_start3A_687] : memref<1024xi32, #tpu.memory_space<vmem>> -> memref<128xi32, #tpu.memory_space<vmem>>
        %dma_start3A_689 = arith.constant 0 : i32
        %dma_start3A_690 = arith.constant 0 : i32
        %dma_start3A_691 = tpu.memref_slice %arg21[%dma_start3A_689, %dma_start3A_690] : memref<25000x8xf32, #tpu.memory_space<vmem_shared>> -> memref<25000x8xf32, #tpu.memory_space<vmem_shared>>
        tpu.enqueue_indirect_dma source(%dma_start3A_691 : memref<25000x8xf32, #tpu.memory_space<vmem_shared>>) target(%dma_start3A_686 : memref<128x8xf32, #tpu.memory_space<vmem>>) offsets(%dma_start3A_688 : memref<128xi32, #tpu.memory_space<vmem>>) semaphore(%arg25 : memref<!tpu.dma_semaphore, #tpu.memory_space<semaphore_mem>>)
        %dma_start3A_692 = arith.constant 896 : i32
        %dma_start3A_693 = arith.constant 0 : i32
        %dma_start3A_694 = tpu.memref_slice %arg12[%dma_start3A_692, %dma_start3A_693] : memref<1024x8xf32, #tpu.memory_space<vmem>> -> memref<128x8xf32, #tpu.memory_space<vmem>>
        %dma_start3A_695 = arith.constant 896 : i32
        %dma_start3A_696 = tpu.memref_slice %arg8[%dma_start3A_695] : memref<1024xi32, #tpu.memory_space<vmem>> -> memref<128xi32, #tpu.memory_space<vmem>>
        %dma_start3A_697 = arith.constant 0 : i32
        %dma_start3A_698 = arith.constant 0 : i32
        %dma_start3A_699 = tpu.memref_slice %arg20[%dma_start3A_697, %dma_start3A_698] : memref<50000x8xf32, #tpu.memory_space<vmem_shared>> -> memref<50000x8xf32, #tpu.memory_space<vmem_shared>>
        tpu.enqueue_indirect_dma source(%dma_start3A_699 : memref<50000x8xf32, #tpu.memory_space<vmem_shared>>) target(%dma_start3A_694 : memref<128x8xf32, #tpu.memory_space<vmem>>) offsets(%dma_start3A_696 : memref<128xi32, #tpu.memory_space<vmem>>) semaphore(%arg25 : memref<!tpu.dma_semaphore, #tpu.memory_space<semaphore_mem>>)
        %dma_start3A_700 = arith.constant 896 : i32
        %dma_start3A_701 = arith.constant 0 : i32
        %dma_start3A_702 = tpu.memref_slice %arg14[%dma_start3A_700, %dma_start3A_701] : memref<1024x8xf32, #tpu.memory_space<vmem>> -> memref<128x8xf32, #tpu.memory_space<vmem>>
        %dma_start3A_703 = arith.constant 896 : i32
        %dma_start3A_704 = tpu.memref_slice %arg10[%dma_start3A_703] : memref<1024xi32, #tpu.memory_space<vmem>> -> memref<128xi32, #tpu.memory_space<vmem>>
        %dma_start3A_705 = arith.constant 0 : i32
        %dma_start3A_706 = arith.constant 0 : i32
        %dma_start3A_707 = tpu.memref_slice %arg21[%dma_start3A_705, %dma_start3A_706] : memref<25000x8xf32, #tpu.memory_space<vmem_shared>> -> memref<25000x8xf32, #tpu.memory_space<vmem_shared>>
        tpu.enqueue_indirect_dma source(%dma_start3A_707 : memref<25000x8xf32, #tpu.memory_space<vmem_shared>>) target(%dma_start3A_702 : memref<128x8xf32, #tpu.memory_space<vmem>>) offsets(%dma_start3A_704 : memref<128xi32, #tpu.memory_space<vmem>>) semaphore(%arg25 : memref<!tpu.dma_semaphore, #tpu.memory_space<semaphore_mem>>)
      } else {
      }
      %dma_wait3A_243 = arith.constant 0 : i32
      %dma_wait3A_244 = arith.constant 0 : i32
      %dma_wait3A_245 = tpu.memref_slice %arg11[%dma_wait3A_243, %dma_wait3A_244] : memref<1024x8xf32, #tpu.memory_space<vmem>> -> memref<128x8xf32, #tpu.memory_space<vmem>>
      %dma_wait3A_246 = arith.constant 0 : i32
      %dma_wait3A_247 = tpu.memref_slice %arg7[%dma_wait3A_246] : memref<1024xi32, #tpu.memory_space<vmem>> -> memref<128xi32, #tpu.memory_space<vmem>>
      %dma_wait3A_248 = arith.constant 0 : i32
      %dma_wait3A_249 = arith.constant 0 : i32
      %dma_wait3A_250 = tpu.memref_slice %arg20[%dma_wait3A_248, %dma_wait3A_249] : memref<50000x8xf32, #tpu.memory_space<vmem_shared>> -> memref<50000x8xf32, #tpu.memory_space<vmem_shared>>
      tpu.wait_indirect_dma semaphore(%arg24 : memref<!tpu.dma_semaphore, #tpu.memory_space<semaphore_mem>>) src(%dma_wait3A_250 : memref<50000x8xf32, #tpu.memory_space<vmem_shared>>) dst(%dma_wait3A_245 : memref<128x8xf32, #tpu.memory_space<vmem>>)
      %dma_wait3A_251 = arith.constant 0 : i32
      %dma_wait3A_252 = arith.constant 0 : i32
      %dma_wait3A_253 = tpu.memref_slice %arg13[%dma_wait3A_251, %dma_wait3A_252] : memref<1024x8xf32, #tpu.memory_space<vmem>> -> memref<128x8xf32, #tpu.memory_space<vmem>>
      %dma_wait3A_254 = arith.constant 0 : i32
      %dma_wait3A_255 = tpu.memref_slice %arg9[%dma_wait3A_254] : memref<1024xi32, #tpu.memory_space<vmem>> -> memref<128xi32, #tpu.memory_space<vmem>>
      %dma_wait3A_256 = arith.constant 0 : i32
      %dma_wait3A_257 = arith.constant 0 : i32
      %dma_wait3A_258 = tpu.memref_slice %arg21[%dma_wait3A_256, %dma_wait3A_257] : memref<25000x8xf32, #tpu.memory_space<vmem_shared>> -> memref<25000x8xf32, #tpu.memory_space<vmem_shared>>
      tpu.wait_indirect_dma semaphore(%arg24 : memref<!tpu.dma_semaphore, #tpu.memory_space<semaphore_mem>>) src(%dma_wait3A_258 : memref<25000x8xf32, #tpu.memory_space<vmem_shared>>) dst(%dma_wait3A_253 : memref<128x8xf32, #tpu.memory_space<vmem>>)
      %dma_wait3A_259 = arith.constant 128 : i32
      %dma_wait3A_260 = arith.constant 0 : i32
      %dma_wait3A_261 = tpu.memref_slice %arg11[%dma_wait3A_259, %dma_wait3A_260] : memref<1024x8xf32, #tpu.memory_space<vmem>> -> memref<128x8xf32, #tpu.memory_space<vmem>>
      %dma_wait3A_262 = arith.constant 128 : i32
      %dma_wait3A_263 = tpu.memref_slice %arg7[%dma_wait3A_262] : memref<1024xi32, #tpu.memory_space<vmem>> -> memref<128xi32, #tpu.memory_space<vmem>>
      %dma_wait3A_264 = arith.constant 0 : i32
      %dma_wait3A_265 = arith.constant 0 : i32
      %dma_wait3A_266 = tpu.memref_slice %arg20[%dma_wait3A_264, %dma_wait3A_265] : memref<50000x8xf32, #tpu.memory_space<vmem_shared>> -> memref<50000x8xf32, #tpu.memory_space<vmem_shared>>
      tpu.wait_indirect_dma semaphore(%arg24 : memref<!tpu.dma_semaphore, #tpu.memory_space<semaphore_mem>>) src(%dma_wait3A_266 : memref<50000x8xf32, #tpu.memory_space<vmem_shared>>) dst(%dma_wait3A_261 : memref<128x8xf32, #tpu.memory_space<vmem>>)
      %dma_wait3A_267 = arith.constant 128 : i32
      %dma_wait3A_268 = arith.constant 0 : i32
      %dma_wait3A_269 = tpu.memref_slice %arg13[%dma_wait3A_267, %dma_wait3A_268] : memref<1024x8xf32, #tpu.memory_space<vmem>> -> memref<128x8xf32, #tpu.memory_space<vmem>>
      %dma_wait3A_270 = arith.constant 128 : i32
      %dma_wait3A_271 = tpu.memref_slice %arg9[%dma_wait3A_270] : memref<1024xi32, #tpu.memory_space<vmem>> -> memref<128xi32, #tpu.memory_space<vmem>>
      %dma_wait3A_272 = arith.constant 0 : i32
      %dma_wait3A_273 = arith.constant 0 : i32
      %dma_wait3A_274 = tpu.memref_slice %arg21[%dma_wait3A_272, %dma_wait3A_273] : memref<25000x8xf32, #tpu.memory_space<vmem_shared>> -> memref<25000x8xf32, #tpu.memory_space<vmem_shared>>
      tpu.wait_indirect_dma semaphore(%arg24 : memref<!tpu.dma_semaphore, #tpu.memory_space<semaphore_mem>>) src(%dma_wait3A_274 : memref<25000x8xf32, #tpu.memory_space<vmem_shared>>) dst(%dma_wait3A_269 : memref<128x8xf32, #tpu.memory_space<vmem>>)
      %dma_wait3A_275 = arith.constant 256 : i32
      %dma_wait3A_276 = arith.constant 0 : i32
      %dma_wait3A_277 = tpu.memref_slice %arg11[%dma_wait3A_275, %dma_wait3A_276] : memref<1024x8xf32, #tpu.memory_space<vmem>> -> memref<128x8xf32, #tpu.memory_space<vmem>>
      %dma_wait3A_278 = arith.constant 256 : i32
      %dma_wait3A_279 = tpu.memref_slice %arg7[%dma_wait3A_278] : memref<1024xi32, #tpu.memory_space<vmem>> -> memref<128xi32, #tpu.memory_space<vmem>>
      %dma_wait3A_280 = arith.constant 0 : i32
      %dma_wait3A_281 = arith.constant 0 : i32
      %dma_wait3A_282 = tpu.memref_slice %arg20[%dma_wait3A_280, %dma_wait3A_281] : memref<50000x8xf32, #tpu.memory_space<vmem_shared>> -> memref<50000x8xf32, #tpu.memory_space<vmem_shared>>
      tpu.wait_indirect_dma semaphore(%arg24 : memref<!tpu.dma_semaphore, #tpu.memory_space<semaphore_mem>>) src(%dma_wait3A_282 : memref<50000x8xf32, #tpu.memory_space<vmem_shared>>) dst(%dma_wait3A_277 : memref<128x8xf32, #tpu.memory_space<vmem>>)
      %dma_wait3A_283 = arith.constant 256 : i32
      %dma_wait3A_284 = arith.constant 0 : i32
      %dma_wait3A_285 = tpu.memref_slice %arg13[%dma_wait3A_283, %dma_wait3A_284] : memref<1024x8xf32, #tpu.memory_space<vmem>> -> memref<128x8xf32, #tpu.memory_space<vmem>>
      %dma_wait3A_286 = arith.constant 256 : i32
      %dma_wait3A_287 = tpu.memref_slice %arg9[%dma_wait3A_286] : memref<1024xi32, #tpu.memory_space<vmem>> -> memref<128xi32, #tpu.memory_space<vmem>>
      %dma_wait3A_288 = arith.constant 0 : i32
      %dma_wait3A_289 = arith.constant 0 : i32
      %dma_wait3A_290 = tpu.memref_slice %arg21[%dma_wait3A_288, %dma_wait3A_289] : memref<25000x8xf32, #tpu.memory_space<vmem_shared>> -> memref<25000x8xf32, #tpu.memory_space<vmem_shared>>
      tpu.wait_indirect_dma semaphore(%arg24 : memref<!tpu.dma_semaphore, #tpu.memory_space<semaphore_mem>>) src(%dma_wait3A_290 : memref<25000x8xf32, #tpu.memory_space<vmem_shared>>) dst(%dma_wait3A_285 : memref<128x8xf32, #tpu.memory_space<vmem>>)
      %dma_wait3A_291 = arith.constant 384 : i32
      %dma_wait3A_292 = arith.constant 0 : i32
      %dma_wait3A_293 = tpu.memref_slice %arg11[%dma_wait3A_291, %dma_wait3A_292] : memref<1024x8xf32, #tpu.memory_space<vmem>> -> memref<128x8xf32, #tpu.memory_space<vmem>>
      %dma_wait3A_294 = arith.constant 384 : i32
      %dma_wait3A_295 = tpu.memref_slice %arg7[%dma_wait3A_294] : memref<1024xi32, #tpu.memory_space<vmem>> -> memref<128xi32, #tpu.memory_space<vmem>>
      %dma_wait3A_296 = arith.constant 0 : i32
      %dma_wait3A_297 = arith.constant 0 : i32
      %dma_wait3A_298 = tpu.memref_slice %arg20[%dma_wait3A_296, %dma_wait3A_297] : memref<50000x8xf32, #tpu.memory_space<vmem_shared>> -> memref<50000x8xf32, #tpu.memory_space<vmem_shared>>
      tpu.wait_indirect_dma semaphore(%arg24 : memref<!tpu.dma_semaphore, #tpu.memory_space<semaphore_mem>>) src(%dma_wait3A_298 : memref<50000x8xf32, #tpu.memory_space<vmem_shared>>) dst(%dma_wait3A_293 : memref<128x8xf32, #tpu.memory_space<vmem>>)
      %dma_wait3A_299 = arith.constant 384 : i32
      %dma_wait3A_300 = arith.constant 0 : i32
      %dma_wait3A_301 = tpu.memref_slice %arg13[%dma_wait3A_299, %dma_wait3A_300] : memref<1024x8xf32, #tpu.memory_space<vmem>> -> memref<128x8xf32, #tpu.memory_space<vmem>>
      %dma_wait3A_302 = arith.constant 384 : i32
      %dma_wait3A_303 = tpu.memref_slice %arg9[%dma_wait3A_302] : memref<1024xi32, #tpu.memory_space<vmem>> -> memref<128xi32, #tpu.memory_space<vmem>>
      %dma_wait3A_304 = arith.constant 0 : i32
      %dma_wait3A_305 = arith.constant 0 : i32
      %dma_wait3A_306 = tpu.memref_slice %arg21[%dma_wait3A_304, %dma_wait3A_305] : memref<25000x8xf32, #tpu.memory_space<vmem_shared>> -> memref<25000x8xf32, #tpu.memory_space<vmem_shared>>
      tpu.wait_indirect_dma semaphore(%arg24 : memref<!tpu.dma_semaphore, #tpu.memory_space<semaphore_mem>>) src(%dma_wait3A_306 : memref<25000x8xf32, #tpu.memory_space<vmem_shared>>) dst(%dma_wait3A_301 : memref<128x8xf32, #tpu.memory_space<vmem>>)
      %dma_wait3A_307 = arith.constant 512 : i32
      %dma_wait3A_308 = arith.constant 0 : i32
      %dma_wait3A_309 = tpu.memref_slice %arg11[%dma_wait3A_307, %dma_wait3A_308] : memref<1024x8xf32, #tpu.memory_space<vmem>> -> memref<128x8xf32, #tpu.memory_space<vmem>>
      %dma_wait3A_310 = arith.constant 512 : i32
      %dma_wait3A_311 = tpu.memref_slice %arg7[%dma_wait3A_310] : memref<1024xi32, #tpu.memory_space<vmem>> -> memref<128xi32, #tpu.memory_space<vmem>>
      %dma_wait3A_312 = arith.constant 0 : i32
      %dma_wait3A_313 = arith.constant 0 : i32
      %dma_wait3A_314 = tpu.memref_slice %arg20[%dma_wait3A_312, %dma_wait3A_313] : memref<50000x8xf32, #tpu.memory_space<vmem_shared>> -> memref<50000x8xf32, #tpu.memory_space<vmem_shared>>
      tpu.wait_indirect_dma semaphore(%arg24 : memref<!tpu.dma_semaphore, #tpu.memory_space<semaphore_mem>>) src(%dma_wait3A_314 : memref<50000x8xf32, #tpu.memory_space<vmem_shared>>) dst(%dma_wait3A_309 : memref<128x8xf32, #tpu.memory_space<vmem>>)
      %dma_wait3A_315 = arith.constant 512 : i32
      %dma_wait3A_316 = arith.constant 0 : i32
      %dma_wait3A_317 = tpu.memref_slice %arg13[%dma_wait3A_315, %dma_wait3A_316] : memref<1024x8xf32, #tpu.memory_space<vmem>> -> memref<128x8xf32, #tpu.memory_space<vmem>>
      %dma_wait3A_318 = arith.constant 512 : i32
      %dma_wait3A_319 = tpu.memref_slice %arg9[%dma_wait3A_318] : memref<1024xi32, #tpu.memory_space<vmem>> -> memref<128xi32, #tpu.memory_space<vmem>>
      %dma_wait3A_320 = arith.constant 0 : i32
      %dma_wait3A_321 = arith.constant 0 : i32
      %dma_wait3A_322 = tpu.memref_slice %arg21[%dma_wait3A_320, %dma_wait3A_321] : memref<25000x8xf32, #tpu.memory_space<vmem_shared>> -> memref<25000x8xf32, #tpu.memory_space<vmem_shared>>
      tpu.wait_indirect_dma semaphore(%arg24 : memref<!tpu.dma_semaphore, #tpu.memory_space<semaphore_mem>>) src(%dma_wait3A_322 : memref<25000x8xf32, #tpu.memory_space<vmem_shared>>) dst(%dma_wait3A_317 : memref<128x8xf32, #tpu.memory_space<vmem>>)
      %dma_wait3A_323 = arith.constant 640 : i32
      %dma_wait3A_324 = arith.constant 0 : i32
      %dma_wait3A_325 = tpu.memref_slice %arg11[%dma_wait3A_323, %dma_wait3A_324] : memref<1024x8xf32, #tpu.memory_space<vmem>> -> memref<128x8xf32, #tpu.memory_space<vmem>>
      %dma_wait3A_326 = arith.constant 640 : i32
      %dma_wait3A_327 = tpu.memref_slice %arg7[%dma_wait3A_326] : memref<1024xi32, #tpu.memory_space<vmem>> -> memref<128xi32, #tpu.memory_space<vmem>>
      %dma_wait3A_328 = arith.constant 0 : i32
      %dma_wait3A_329 = arith.constant 0 : i32
      %dma_wait3A_330 = tpu.memref_slice %arg20[%dma_wait3A_328, %dma_wait3A_329] : memref<50000x8xf32, #tpu.memory_space<vmem_shared>> -> memref<50000x8xf32, #tpu.memory_space<vmem_shared>>
      tpu.wait_indirect_dma semaphore(%arg24 : memref<!tpu.dma_semaphore, #tpu.memory_space<semaphore_mem>>) src(%dma_wait3A_330 : memref<50000x8xf32, #tpu.memory_space<vmem_shared>>) dst(%dma_wait3A_325 : memref<128x8xf32, #tpu.memory_space<vmem>>)
      %dma_wait3A_331 = arith.constant 640 : i32
      %dma_wait3A_332 = arith.constant 0 : i32
      %dma_wait3A_333 = tpu.memref_slice %arg13[%dma_wait3A_331, %dma_wait3A_332] : memref<1024x8xf32, #tpu.memory_space<vmem>> -> memref<128x8xf32, #tpu.memory_space<vmem>>
      %dma_wait3A_334 = arith.constant 640 : i32
      %dma_wait3A_335 = tpu.memref_slice %arg9[%dma_wait3A_334] : memref<1024xi32, #tpu.memory_space<vmem>> -> memref<128xi32, #tpu.memory_space<vmem>>
      %dma_wait3A_336 = arith.constant 0 : i32
      %dma_wait3A_337 = arith.constant 0 : i32
      %dma_wait3A_338 = tpu.memref_slice %arg21[%dma_wait3A_336, %dma_wait3A_337] : memref<25000x8xf32, #tpu.memory_space<vmem_shared>> -> memref<25000x8xf32, #tpu.memory_space<vmem_shared>>
      tpu.wait_indirect_dma semaphore(%arg24 : memref<!tpu.dma_semaphore, #tpu.memory_space<semaphore_mem>>) src(%dma_wait3A_338 : memref<25000x8xf32, #tpu.memory_space<vmem_shared>>) dst(%dma_wait3A_333 : memref<128x8xf32, #tpu.memory_space<vmem>>)
      %dma_wait3A_339 = arith.constant 768 : i32
      %dma_wait3A_340 = arith.constant 0 : i32
      %dma_wait3A_341 = tpu.memref_slice %arg11[%dma_wait3A_339, %dma_wait3A_340] : memref<1024x8xf32, #tpu.memory_space<vmem>> -> memref<128x8xf32, #tpu.memory_space<vmem>>
      %dma_wait3A_342 = arith.constant 768 : i32
      %dma_wait3A_343 = tpu.memref_slice %arg7[%dma_wait3A_342] : memref<1024xi32, #tpu.memory_space<vmem>> -> memref<128xi32, #tpu.memory_space<vmem>>
      %dma_wait3A_344 = arith.constant 0 : i32
      %dma_wait3A_345 = arith.constant 0 : i32
      %dma_wait3A_346 = tpu.memref_slice %arg20[%dma_wait3A_344, %dma_wait3A_345] : memref<50000x8xf32, #tpu.memory_space<vmem_shared>> -> memref<50000x8xf32, #tpu.memory_space<vmem_shared>>
      tpu.wait_indirect_dma semaphore(%arg24 : memref<!tpu.dma_semaphore, #tpu.memory_space<semaphore_mem>>) src(%dma_wait3A_346 : memref<50000x8xf32, #tpu.memory_space<vmem_shared>>) dst(%dma_wait3A_341 : memref<128x8xf32, #tpu.memory_space<vmem>>)
      %dma_wait3A_347 = arith.constant 768 : i32
      %dma_wait3A_348 = arith.constant 0 : i32
      %dma_wait3A_349 = tpu.memref_slice %arg13[%dma_wait3A_347, %dma_wait3A_348] : memref<1024x8xf32, #tpu.memory_space<vmem>> -> memref<128x8xf32, #tpu.memory_space<vmem>>
      %dma_wait3A_350 = arith.constant 768 : i32
      %dma_wait3A_351 = tpu.memref_slice %arg9[%dma_wait3A_350] : memref<1024xi32, #tpu.memory_space<vmem>> -> memref<128xi32, #tpu.memory_space<vmem>>
      %dma_wait3A_352 = arith.constant 0 : i32
      %dma_wait3A_353 = arith.constant 0 : i32
      %dma_wait3A_354 = tpu.memref_slice %arg21[%dma_wait3A_352, %dma_wait3A_353] : memref<25000x8xf32, #tpu.memory_space<vmem_shared>> -> memref<25000x8xf32, #tpu.memory_space<vmem_shared>>
      tpu.wait_indirect_dma semaphore(%arg24 : memref<!tpu.dma_semaphore, #tpu.memory_space<semaphore_mem>>) src(%dma_wait3A_354 : memref<25000x8xf32, #tpu.memory_space<vmem_shared>>) dst(%dma_wait3A_349 : memref<128x8xf32, #tpu.memory_space<vmem>>)
      %dma_wait3A_355 = arith.constant 896 : i32
      %dma_wait3A_356 = arith.constant 0 : i32
      %dma_wait3A_357 = tpu.memref_slice %arg11[%dma_wait3A_355, %dma_wait3A_356] : memref<1024x8xf32, #tpu.memory_space<vmem>> -> memref<128x8xf32, #tpu.memory_space<vmem>>
      %dma_wait3A_358 = arith.constant 896 : i32
      %dma_wait3A_359 = tpu.memref_slice %arg7[%dma_wait3A_358] : memref<1024xi32, #tpu.memory_space<vmem>> -> memref<128xi32, #tpu.memory_space<vmem>>
      %dma_wait3A_360 = arith.constant 0 : i32
      %dma_wait3A_361 = arith.constant 0 : i32
      %dma_wait3A_362 = tpu.memref_slice %arg20[%dma_wait3A_360, %dma_wait3A_361] : memref<50000x8xf32, #tpu.memory_space<vmem_shared>> -> memref<50000x8xf32, #tpu.memory_space<vmem_shared>>
      tpu.wait_indirect_dma semaphore(%arg24 : memref<!tpu.dma_semaphore, #tpu.memory_space<semaphore_mem>>) src(%dma_wait3A_362 : memref<50000x8xf32, #tpu.memory_space<vmem_shared>>) dst(%dma_wait3A_357 : memref<128x8xf32, #tpu.memory_space<vmem>>)
      %dma_wait3A_363 = arith.constant 896 : i32
      %dma_wait3A_364 = arith.constant 0 : i32
      %dma_wait3A_365 = tpu.memref_slice %arg13[%dma_wait3A_363, %dma_wait3A_364] : memref<1024x8xf32, #tpu.memory_space<vmem>> -> memref<128x8xf32, #tpu.memory_space<vmem>>
      %dma_wait3A_366 = arith.constant 896 : i32
      %dma_wait3A_367 = tpu.memref_slice %arg9[%dma_wait3A_366] : memref<1024xi32, #tpu.memory_space<vmem>> -> memref<128xi32, #tpu.memory_space<vmem>>
      %dma_wait3A_368 = arith.constant 0 : i32
      %dma_wait3A_369 = arith.constant 0 : i32
      %dma_wait3A_370 = tpu.memref_slice %arg21[%dma_wait3A_368, %dma_wait3A_369] : memref<25000x8xf32, #tpu.memory_space<vmem_shared>> -> memref<25000x8xf32, #tpu.memory_space<vmem_shared>>
      tpu.wait_indirect_dma semaphore(%arg24 : memref<!tpu.dma_semaphore, #tpu.memory_space<semaphore_mem>>) src(%dma_wait3A_370 : memref<25000x8xf32, #tpu.memory_space<vmem_shared>>) dst(%dma_wait3A_365 : memref<128x8xf32, #tpu.memory_space<vmem>>)
      %add3A_371 = arith.constant 2 : i32
      %add3A_372 = arith.addi %add3A_238, %add3A_371 : i32
      %lt3A_373 = arith.constant 26 : i32
      %lt3A_374 = arith.cmpi slt, %add3A_372, %lt3A_373 : i32
      %convert_element_type3A_375 = arith.extui %lt3A_374 : i1 to i32
      %cond3A_376 = arith.constant 0 : i32
      %cond3A_377 = arith.cmpi ne, %convert_element_type3A_375, %cond3A_376 : i32
      scf.if %cond3A_377 {
        %add3A_563 = arith.constant 2 : i32
        %add3A_564 = arith.addi %add3A_238, %add3A_563 : i32
        %mul3A_565 = arith.constant 1024 : i32
        %mul3A_566 = arith.muli %add3A_564, %mul3A_565 : i32
        %min3A_567 = arith.constant 23976 : i32
        %min3A_568 = arith.minsi %mul3A_566, %min3A_567 : i32
        %add3A_569 = arith.addi %mul3A_2, %min3A_568 : i32
        %dma_start3A_570 = arith.constant 0 : i32
        %dma_start3A_571 = tpu.memref_slice %arg4[%dma_start3A_570, %add3A_569] : memref<2x800000xi32, #tpu.memory_space<hbm>> -> memref<1x1024xi32, #tpu.memory_space<hbm>>
        %dma_start3A_572 = tpu.memref_squeeze %dma_start3A_571 : memref<1x1024xi32, #tpu.memory_space<hbm>> -> memref<1024xi32, #tpu.memory_space<hbm>>
        %dma_start3A_573 = tpu.memref_slice %arg4[%dma_start3A_570, %add3A_569] : memref<2x800000xi32, #tpu.memory_space<hbm>> -> memref<1x1024xi32, #tpu.memory_space<hbm>>
        %dma_start3A_574 = tpu.memref_squeeze %dma_start3A_573 : memref<1x1024xi32, #tpu.memory_space<hbm>> -> memref<1024xi32, #tpu.memory_space<hbm>>
        tpu.enqueue_dma source(%dma_start3A_574 : memref<1024xi32, #tpu.memory_space<hbm>>) target(%arg7 : memref<1024xi32, #tpu.memory_space<vmem>>) target_semaphore(%arg22 : memref<!tpu.dma_semaphore, #tpu.memory_space<semaphore_mem>>)
        %dma_start3A_575 = arith.constant 1 : i32
        %dma_start3A_576 = tpu.memref_slice %arg4[%dma_start3A_575, %add3A_569] : memref<2x800000xi32, #tpu.memory_space<hbm>> -> memref<1x1024xi32, #tpu.memory_space<hbm>>
        %dma_start3A_577 = tpu.memref_squeeze %dma_start3A_576 : memref<1x1024xi32, #tpu.memory_space<hbm>> -> memref<1024xi32, #tpu.memory_space<hbm>>
        %dma_start3A_578 = tpu.memref_slice %arg4[%dma_start3A_575, %add3A_569] : memref<2x800000xi32, #tpu.memory_space<hbm>> -> memref<1x1024xi32, #tpu.memory_space<hbm>>
        %dma_start3A_579 = tpu.memref_squeeze %dma_start3A_578 : memref<1x1024xi32, #tpu.memory_space<hbm>> -> memref<1024xi32, #tpu.memory_space<hbm>>
        tpu.enqueue_dma source(%dma_start3A_579 : memref<1024xi32, #tpu.memory_space<hbm>>) target(%arg9 : memref<1024xi32, #tpu.memory_space<vmem>>) target_semaphore(%arg22 : memref<!tpu.dma_semaphore, #tpu.memory_space<semaphore_mem>>)
      } else {
      }
      %ge3A = arith.constant 2 : i32
      %ge3A_378 = arith.cmpi sge, %add3A_238, %ge3A : i32
      %convert_element_type3A_379 = arith.extui %ge3A_378 : i1 to i32
      %cond3A_380 = arith.constant 0 : i32
      %cond3A_381 = arith.cmpi ne, %convert_element_type3A_379, %cond3A_380 : i32
      scf.if %cond3A_381 {
        %sub3A = arith.constant 2 : i32
        %sub3A_563 = arith.subi %add3A_238, %sub3A : i32
        %mul3A_564 = arith.constant 1024 : i32
        %mul3A_565 = arith.muli %sub3A_563, %mul3A_564 : i32
        %min3A_566 = arith.constant 23976 : i32
        %min3A_567 = arith.minsi %mul3A_565, %min3A_566 : i32
        %add3A_568 = arith.addi %mul3A_2, %min3A_567 : i32
        %dma_wait3A_569 = arith.constant 0 : i32
        %dma_wait3A_570 = tpu.memref_slice %arg6[%add3A_568, %dma_wait3A_569] : memref<800000x6xf32, #tpu.memory_space<hbm>> -> memref<1024x6xf32, #tpu.memory_space<hbm>>
        %dma_wait3A_571 = arith.constant 0 : i32
        %dma_wait3A_572 = tpu.memref_slice %arg6[%add3A_568, %dma_wait3A_571] : memref<800000x6xf32, #tpu.memory_space<hbm>> -> memref<1024x6xf32, #tpu.memory_space<hbm>>
        tpu.wait_dma2 semaphore(%arg26 : memref<!tpu.dma_semaphore, #tpu.memory_space<semaphore_mem>>) src(%arg15 : memref<1024x6xf32, #tpu.memory_space<vmem>>) dst(%dma_wait3A_572 : memref<1024x6xf32, #tpu.memory_space<hbm>>)
      } else {
      }
      %scan3A_382 = arith.constant 0 : i32
      %scan3A_383 = arith.constant 0 : i32
      %scan3A_384 = arith.constant 64 : i32
      %scan3A_385 = arith.addi %scan3A_383, %scan3A_384 : i32
      %scan3A_386 = arith.constant 1 : i32
      scf.for %scan3A_563 = %scan3A_383 to %scan3A_385 step %scan3A_386  : i32 {
        %mul3A_564 = arith.constant 16 : i32
        %mul3A_565 = arith.muli %scan3A_563, %mul3A_564 : i32
        %add3A_566 = vector.broadcast %mul3A_565 : i32 to vector<16xi32>
        %add3A_567 = arith.addi %iota3A, %add3A_566 : vector<16xi32>
        %broadcast_in_dim3A = arith.constant 0 : i32
        %broadcast_in_dim3A_568 = vector.broadcast %broadcast_in_dim3A : i32 to vector<16xi32>
        %gather3A = tpu.vector_load_idx %arg11[%add3A_567, %broadcast_in_dim3A_568] : memref<1024x8xf32, #tpu.memory_space<vmem>>[vector<16xi32>, vector<16xi32>], vector<16xf32>,
        %broadcast_in_dim3A_569 = arith.constant 1 : i32
        %broadcast_in_dim3A_570 = vector.broadcast %broadcast_in_dim3A_569 : i32 to vector<16xi32>
        %gather3A_571 = tpu.vector_load_idx %arg11[%add3A_567, %broadcast_in_dim3A_570] : memref<1024x8xf32, #tpu.memory_space<vmem>>[vector<16xi32>, vector<16xi32>], vector<16xf32>,
        %broadcast_in_dim3A_572 = arith.constant 2 : i32
        %broadcast_in_dim3A_573 = vector.broadcast %broadcast_in_dim3A_572 : i32 to vector<16xi32>
        %gather3A_574 = tpu.vector_load_idx %arg11[%add3A_567, %broadcast_in_dim3A_573] : memref<1024x8xf32, #tpu.memory_space<vmem>>[vector<16xi32>, vector<16xi32>], vector<16xf32>,
        %broadcast_in_dim3A_575 = arith.constant 3 : i32
        %broadcast_in_dim3A_576 = vector.broadcast %broadcast_in_dim3A_575 : i32 to vector<16xi32>
        %gather3A_577 = tpu.vector_load_idx %arg11[%add3A_567, %broadcast_in_dim3A_576] : memref<1024x8xf32, #tpu.memory_space<vmem>>[vector<16xi32>, vector<16xi32>], vector<16xf32>,
        %broadcast_in_dim3A_578 = arith.constant 4 : i32
        %broadcast_in_dim3A_579 = vector.broadcast %broadcast_in_dim3A_578 : i32 to vector<16xi32>
        %gather3A_580 = tpu.vector_load_idx %arg11[%add3A_567, %broadcast_in_dim3A_579] : memref<1024x8xf32, #tpu.memory_space<vmem>>[vector<16xi32>, vector<16xi32>], vector<16xf32>,
        %broadcast_in_dim3A_581 = arith.constant 5 : i32
        %broadcast_in_dim3A_582 = vector.broadcast %broadcast_in_dim3A_581 : i32 to vector<16xi32>
        %gather3A_583 = tpu.vector_load_idx %arg11[%add3A_567, %broadcast_in_dim3A_582] : memref<1024x8xf32, #tpu.memory_space<vmem>>[vector<16xi32>, vector<16xi32>], vector<16xf32>,
        %broadcast_in_dim3A_584 = arith.constant 6 : i32
        %broadcast_in_dim3A_585 = vector.broadcast %broadcast_in_dim3A_584 : i32 to vector<16xi32>
        %gather3A_586 = tpu.vector_load_idx %arg11[%add3A_567, %broadcast_in_dim3A_585] : memref<1024x8xf32, #tpu.memory_space<vmem>>[vector<16xi32>, vector<16xi32>], vector<16xf32>,
        %broadcast_in_dim3A_587 = arith.constant 7 : i32
        %broadcast_in_dim3A_588 = vector.broadcast %broadcast_in_dim3A_587 : i32 to vector<16xi32>
        %gather3A_589 = tpu.vector_load_idx %arg11[%add3A_567, %broadcast_in_dim3A_588] : memref<1024x8xf32, #tpu.memory_space<vmem>>[vector<16xi32>, vector<16xi32>], vector<16xf32>,
        %broadcast_in_dim3A_590 = arith.constant 0 : i32
        %broadcast_in_dim3A_591 = vector.broadcast %broadcast_in_dim3A_590 : i32 to vector<16xi32>
        %gather3A_592 = tpu.vector_load_idx %arg13[%add3A_567, %broadcast_in_dim3A_591] : memref<1024x8xf32, #tpu.memory_space<vmem>>[vector<16xi32>, vector<16xi32>], vector<16xf32>,
        %broadcast_in_dim3A_593 = arith.constant 1 : i32
        %broadcast_in_dim3A_594 = vector.broadcast %broadcast_in_dim3A_593 : i32 to vector<16xi32>
        %gather3A_595 = tpu.vector_load_idx %arg13[%add3A_567, %broadcast_in_dim3A_594] : memref<1024x8xf32, #tpu.memory_space<vmem>>[vector<16xi32>, vector<16xi32>], vector<16xf32>,
        %broadcast_in_dim3A_596 = arith.constant 2 : i32
        %broadcast_in_dim3A_597 = vector.broadcast %broadcast_in_dim3A_596 : i32 to vector<16xi32>
        %gather3A_598 = tpu.vector_load_idx %arg13[%add3A_567, %broadcast_in_dim3A_597] : memref<1024x8xf32, #tpu.memory_space<vmem>>[vector<16xi32>, vector<16xi32>], vector<16xf32>,
        %broadcast_in_dim3A_599 = arith.constant 3 : i32
        %broadcast_in_dim3A_600 = vector.broadcast %broadcast_in_dim3A_599 : i32 to vector<16xi32>
        %gather3A_601 = tpu.vector_load_idx %arg13[%add3A_567, %broadcast_in_dim3A_600] : memref<1024x8xf32, #tpu.memory_space<vmem>>[vector<16xi32>, vector<16xi32>], vector<16xf32>,
        %broadcast_in_dim3A_602 = arith.constant 4 : i32
        %broadcast_in_dim3A_603 = vector.broadcast %broadcast_in_dim3A_602 : i32 to vector<16xi32>
        %gather3A_604 = tpu.vector_load_idx %arg13[%add3A_567, %broadcast_in_dim3A_603] : memref<1024x8xf32, #tpu.memory_space<vmem>>[vector<16xi32>, vector<16xi32>], vector<16xf32>,
        %broadcast_in_dim3A_605 = arith.constant 5 : i32
        %broadcast_in_dim3A_606 = vector.broadcast %broadcast_in_dim3A_605 : i32 to vector<16xi32>
        %gather3A_607 = tpu.vector_load_idx %arg13[%add3A_567, %broadcast_in_dim3A_606] : memref<1024x8xf32, #tpu.memory_space<vmem>>[vector<16xi32>, vector<16xi32>], vector<16xf32>,
        %broadcast_in_dim3A_608 = arith.constant 6 : i32
        %broadcast_in_dim3A_609 = vector.broadcast %broadcast_in_dim3A_608 : i32 to vector<16xi32>
        %gather3A_610 = tpu.vector_load_idx %arg13[%add3A_567, %broadcast_in_dim3A_609] : memref<1024x8xf32, #tpu.memory_space<vmem>>[vector<16xi32>, vector<16xi32>], vector<16xf32>,
        %broadcast_in_dim3A_611 = arith.constant 7 : i32
        %broadcast_in_dim3A_612 = vector.broadcast %broadcast_in_dim3A_611 : i32 to vector<16xi32>
        %gather3A_613 = tpu.vector_load_idx %arg13[%add3A_567, %broadcast_in_dim3A_612] : memref<1024x8xf32, #tpu.memory_space<vmem>>[vector<16xi32>, vector<16xi32>], vector<16xf32>,
        %add3A_614 = arith.addf %gather3A_586, %gather3A_610 : vector<16xf32>
        %add3A_615 = arith.addf %gather3A_589, %gather3A_613 : vector<16xf32>
        %mul3A_616 = arith.mulf %add3A_614, %add3A_614 : vector<16xf32>
        %sub3A = arith.subf %add3A_615, %mul3A_616 : vector<16xf32>
        %add3A_617 = arith.constant 9.99999974E-6 : f32
        %add3A_618 = vector.broadcast %add3A_617 : f32 to vector<16xf32>
        %add3A_619 = arith.addf %sub3A, %add3A_618 : vector<16xf32>
        %bitcast3A = vector.bitcast %add3A_619 : vector<16xf32> to vector<16xi32>
        %shift_right_arithmetic3A = arith.constant 1 : i32
        %shift_right_arithmetic3A_620 = vector.broadcast %shift_right_arithmetic3A : i32 to vector<16xi32>
        %shift_right_arithmetic3A_621 = arith.shrsi %bitcast3A, %shift_right_arithmetic3A_620 : vector<16xi32>
        %sub3A_622 = arith.constant 1597463007 : i32
        %sub3A_623 = vector.broadcast %sub3A_622 : i32 to vector<16xi32>
        %sub3A_624 = arith.subi %sub3A_623, %shift_right_arithmetic3A_621 : vector<16xi32>
        %bitcast3A_625 = vector.bitcast %sub3A_624 : vector<16xi32> to vector<16xf32>
        %mul3A_626 = arith.constant 5.000000e-01 : f32
        %mul3A_627 = vector.broadcast %mul3A_626 : f32 to vector<16xf32>
        %mul3A_628 = arith.mulf %mul3A_627, %add3A_619 : vector<16xf32>
        %mul3A_629 = arith.mulf %mul3A_628, %bitcast3A_625 : vector<16xf32>
        %mul3A_630 = arith.mulf %mul3A_629, %bitcast3A_625 : vector<16xf32>
        %sub3A_631 = arith.constant 1.500000e+00 : f32
        %sub3A_632 = vector.broadcast %sub3A_631 : f32 to vector<16xf32>
        %sub3A_633 = arith.subf %sub3A_632, %mul3A_630 : vector<16xf32>
        %mul3A_634 = arith.mulf %bitcast3A_625, %sub3A_633 : vector<16xf32>
        %mul3A_635 = arith.constant 5.000000e-01 : f32
        %mul3A_636 = vector.broadcast %mul3A_635 : f32 to vector<16xf32>
        %mul3A_637 = arith.mulf %mul3A_636, %add3A_619 : vector<16xf32>
        %mul3A_638 = arith.mulf %mul3A_637, %mul3A_634 : vector<16xf32>
        %mul3A_639 = arith.mulf %mul3A_638, %mul3A_634 : vector<16xf32>
        %sub3A_640 = arith.constant 1.500000e+00 : f32
        %sub3A_641 = vector.broadcast %sub3A_640 : f32 to vector<16xf32>
        %sub3A_642 = arith.subf %sub3A_641, %mul3A_639 : vector<16xf32>
        %mul3A_643 = arith.mulf %mul3A_634, %sub3A_642 : vector<16xf32>
        %mul3A_644 = arith.constant 5.000000e-01 : f32
        %mul3A_645 = vector.broadcast %mul3A_644 : f32 to vector<16xf32>
        %mul3A_646 = arith.mulf %mul3A_645, %add3A_619 : vector<16xf32>
        %mul3A_647 = arith.mulf %mul3A_646, %mul3A_643 : vector<16xf32>
        %mul3A_648 = arith.mulf %mul3A_647, %mul3A_643 : vector<16xf32>
        %sub3A_649 = arith.constant 1.500000e+00 : f32
        %sub3A_650 = vector.broadcast %sub3A_649 : f32 to vector<16xf32>
        %sub3A_651 = arith.subf %sub3A_650, %mul3A_648 : vector<16xf32>
        %mul3A_652 = arith.mulf %mul3A_643, %sub3A_651 : vector<16xf32>
        %add3A_653 = arith.addf %gather3A, %gather3A_592 : vector<16xf32>
        %mul3A_654 = arith.mulf %add3A_653, %mul3A_652 : vector<16xf32>
        %add3A_655 = arith.addf %mul3A_654, %get3A_23 : vector<16xf32>
        %neg3A = arith.constant 0.000000e+00 : f32
        %neg3A_656 = vector.broadcast %neg3A : f32 to vector<16xf32>
        %neg3A_657 = arith.subf %neg3A_656, %add3A_655 : vector<16xf32>
        %exp3A = math.exp %neg3A_657 : vector<16xf32>
        %add3A_658 = arith.constant 1.000000e+00 : f32
        %add3A_659 = vector.broadcast %add3A_658 : f32 to vector<16xf32>
        %add3A_660 = arith.addf %add3A_659, %exp3A : vector<16xf32>
        %div3A = arith.constant 1.000000e+00 : f32
        %div3A_661 = vector.broadcast %div3A : f32 to vector<16xf32>
        %div3A_662 = arith.divf %div3A_661, %add3A_660 : vector<16xf32>
        %broadcast_in_dim3A_663 = arith.constant 0 : i32
        %broadcast_in_dim3A_664 = vector.broadcast %broadcast_in_dim3A_663 : i32 to vector<16xi32>
        tpu.vector_store_idx %arg15[%add3A_567, %broadcast_in_dim3A_664], %div3A_662 : memref<1024x6xf32, #tpu.memory_space<vmem>>[vector<16xi32>, vector<16xi32>], vector<16xf32>,
        %add3A_665 = arith.addf %gather3A_571, %gather3A_595 : vector<16xf32>
        %mul3A_666 = arith.mulf %add3A_665, %mul3A_652 : vector<16xf32>
        %add3A_667 = arith.addf %mul3A_666, %get3A_27 : vector<16xf32>
        %neg3A_668 = arith.constant 0.000000e+00 : f32
        %neg3A_669 = vector.broadcast %neg3A_668 : f32 to vector<16xf32>
        %neg3A_670 = arith.subf %neg3A_669, %add3A_667 : vector<16xf32>
        %exp3A_671 = math.exp %neg3A_670 : vector<16xf32>
        %add3A_672 = arith.constant 1.000000e+00 : f32
        %add3A_673 = vector.broadcast %add3A_672 : f32 to vector<16xf32>
        %add3A_674 = arith.addf %add3A_673, %exp3A_671 : vector<16xf32>
        %div3A_675 = arith.constant 1.000000e+00 : f32
        %div3A_676 = vector.broadcast %div3A_675 : f32 to vector<16xf32>
        %div3A_677 = arith.divf %div3A_676, %add3A_674 : vector<16xf32>
        %broadcast_in_dim3A_678 = arith.constant 1 : i32
        %broadcast_in_dim3A_679 = vector.broadcast %broadcast_in_dim3A_678 : i32 to vector<16xi32>
        tpu.vector_store_idx %arg15[%add3A_567, %broadcast_in_dim3A_679], %div3A_677 : memref<1024x6xf32, #tpu.memory_space<vmem>>[vector<16xi32>, vector<16xi32>], vector<16xf32>,
        %add3A_680 = arith.addf %gather3A_574, %gather3A_598 : vector<16xf32>
        %mul3A_681 = arith.mulf %add3A_680, %mul3A_652 : vector<16xf32>
        %add3A_682 = arith.addf %mul3A_681, %get3A_31 : vector<16xf32>
        %neg3A_683 = arith.constant 0.000000e+00 : f32
        %neg3A_684 = vector.broadcast %neg3A_683 : f32 to vector<16xf32>
        %neg3A_685 = arith.subf %neg3A_684, %add3A_682 : vector<16xf32>
        %exp3A_686 = math.exp %neg3A_685 : vector<16xf32>
        %add3A_687 = arith.constant 1.000000e+00 : f32
        %add3A_688 = vector.broadcast %add3A_687 : f32 to vector<16xf32>
        %add3A_689 = arith.addf %add3A_688, %exp3A_686 : vector<16xf32>
        %div3A_690 = arith.constant 1.000000e+00 : f32
        %div3A_691 = vector.broadcast %div3A_690 : f32 to vector<16xf32>
        %div3A_692 = arith.divf %div3A_691, %add3A_689 : vector<16xf32>
        %broadcast_in_dim3A_693 = arith.constant 2 : i32
        %broadcast_in_dim3A_694 = vector.broadcast %broadcast_in_dim3A_693 : i32 to vector<16xi32>
        tpu.vector_store_idx %arg15[%add3A_567, %broadcast_in_dim3A_694], %div3A_692 : memref<1024x6xf32, #tpu.memory_space<vmem>>[vector<16xi32>, vector<16xi32>], vector<16xf32>,
        %add3A_695 = arith.addf %gather3A_577, %gather3A_601 : vector<16xf32>
        %mul3A_696 = arith.mulf %add3A_695, %mul3A_652 : vector<16xf32>
        %add3A_697 = arith.addf %mul3A_696, %get3A_35 : vector<16xf32>
        %neg3A_698 = arith.constant 0.000000e+00 : f32
        %neg3A_699 = vector.broadcast %neg3A_698 : f32 to vector<16xf32>
        %neg3A_700 = arith.subf %neg3A_699, %add3A_697 : vector<16xf32>
        %exp3A_701 = math.exp %neg3A_700 : vector<16xf32>
        %add3A_702 = arith.constant 1.000000e+00 : f32
        %add3A_703 = vector.broadcast %add3A_702 : f32 to vector<16xf32>
        %add3A_704 = arith.addf %add3A_703, %exp3A_701 : vector<16xf32>
        %div3A_705 = arith.constant 1.000000e+00 : f32
        %div3A_706 = vector.broadcast %div3A_705 : f32 to vector<16xf32>
        %div3A_707 = arith.divf %div3A_706, %add3A_704 : vector<16xf32>
        %broadcast_in_dim3A_708 = arith.constant 3 : i32
        %broadcast_in_dim3A_709 = vector.broadcast %broadcast_in_dim3A_708 : i32 to vector<16xi32>
        tpu.vector_store_idx %arg15[%add3A_567, %broadcast_in_dim3A_709], %div3A_707 : memref<1024x6xf32, #tpu.memory_space<vmem>>[vector<16xi32>, vector<16xi32>], vector<16xf32>,
        %add3A_710 = arith.addf %gather3A_580, %gather3A_604 : vector<16xf32>
        %mul3A_711 = arith.mulf %add3A_710, %mul3A_652 : vector<16xf32>
        %add3A_712 = arith.addf %mul3A_711, %get3A_39 : vector<16xf32>
        %neg3A_713 = arith.constant 0.000000e+00 : f32
        %neg3A_714 = vector.broadcast %neg3A_713 : f32 to vector<16xf32>
        %neg3A_715 = arith.subf %neg3A_714, %add3A_712 : vector<16xf32>
        %exp3A_716 = math.exp %neg3A_715 : vector<16xf32>
        %add3A_717 = arith.constant 1.000000e+00 : f32
        %add3A_718 = vector.broadcast %add3A_717 : f32 to vector<16xf32>
        %add3A_719 = arith.addf %add3A_718, %exp3A_716 : vector<16xf32>
        %div3A_720 = arith.constant 1.000000e+00 : f32
        %div3A_721 = vector.broadcast %div3A_720 : f32 to vector<16xf32>
        %div3A_722 = arith.divf %div3A_721, %add3A_719 : vector<16xf32>
        %broadcast_in_dim3A_723 = arith.constant 4 : i32
        %broadcast_in_dim3A_724 = vector.broadcast %broadcast_in_dim3A_723 : i32 to vector<16xi32>
        tpu.vector_store_idx %arg15[%add3A_567, %broadcast_in_dim3A_724], %div3A_722 : memref<1024x6xf32, #tpu.memory_space<vmem>>[vector<16xi32>, vector<16xi32>], vector<16xf32>,
        %add3A_725 = arith.addf %gather3A_583, %gather3A_607 : vector<16xf32>
        %mul3A_726 = arith.mulf %add3A_725, %mul3A_652 : vector<16xf32>
        %add3A_727 = arith.addf %mul3A_726, %get3A_43 : vector<16xf32>
        %neg3A_728 = arith.constant 0.000000e+00 : f32
        %neg3A_729 = vector.broadcast %neg3A_728 : f32 to vector<16xf32>
        %neg3A_730 = arith.subf %neg3A_729, %add3A_727 : vector<16xf32>
        %exp3A_731 = math.exp %neg3A_730 : vector<16xf32>
        %add3A_732 = arith.constant 1.000000e+00 : f32
        %add3A_733 = vector.broadcast %add3A_732 : f32 to vector<16xf32>
        %add3A_734 = arith.addf %add3A_733, %exp3A_731 : vector<16xf32>
        %div3A_735 = arith.constant 1.000000e+00 : f32
        %div3A_736 = vector.broadcast %div3A_735 : f32 to vector<16xf32>
        %div3A_737 = arith.divf %div3A_736, %add3A_734 : vector<16xf32>
        %broadcast_in_dim3A_738 = arith.constant 5 : i32
        %broadcast_in_dim3A_739 = vector.broadcast %broadcast_in_dim3A_738 : i32 to vector<16xi32>
        tpu.vector_store_idx %arg15[%add3A_567, %broadcast_in_dim3A_739], %div3A_737 : memref<1024x6xf32, #tpu.memory_space<vmem>>[vector<16xi32>, vector<16xi32>], vector<16xf32>,
      }
      %scan3A_387 = arith.constant 64 : i32
      %mul3A_388 = arith.constant 1024 : i32
      %mul3A_389 = arith.muli %add3A_238, %mul3A_388 : i32
      %min3A_390 = arith.constant 23976 : i32
      %min3A_391 = arith.minsi %mul3A_389, %min3A_390 : i32
      %add3A_392 = arith.addi %mul3A_2, %min3A_391 : i32
      %dma_start3A_393 = arith.constant 0 : i32
      %dma_start3A_394 = tpu.memref_slice %arg6[%add3A_392, %dma_start3A_393] : memref<800000x6xf32, #tpu.memory_space<hbm>> -> memref<1024x6xf32, #tpu.memory_space<hbm>>
      %dma_start3A_395 = arith.constant 0 : i32
      %dma_start3A_396 = tpu.memref_slice %arg6[%add3A_392, %dma_start3A_395] : memref<800000x6xf32, #tpu.memory_space<hbm>> -> memref<1024x6xf32, #tpu.memory_space<hbm>>
      tpu.enqueue_dma source(%arg15 : memref<1024x6xf32, #tpu.memory_space<vmem>>) target(%dma_start3A_396 : memref<1024x6xf32, #tpu.memory_space<hbm>>) target_semaphore(%arg26 : memref<!tpu.dma_semaphore, #tpu.memory_space<semaphore_mem>>)
      %mul3A_397 = arith.constant 2 : i32
      %mul3A_398 = arith.muli %mul3A_397, %scan3A_234 : i32
      %add3A_399 = arith.constant 1 : i32
      %add3A_400 = arith.addi %mul3A_398, %add3A_399 : i32
      %add3A_401 = arith.constant 1 : i32
      %add3A_402 = arith.addi %add3A_400, %add3A_401 : i32
      %lt3A_403 = arith.constant 26 : i32
      %lt3A_404 = arith.cmpi slt, %add3A_402, %lt3A_403 : i32
      %convert_element_type3A_405 = arith.extui %lt3A_404 : i1 to i32
      %cond3A_406 = arith.constant 0 : i32
      %cond3A_407 = arith.cmpi ne, %convert_element_type3A_405, %cond3A_406 : i32
      scf.if %cond3A_407 {
        %add3A_563 = arith.constant 1 : i32
        %add3A_564 = arith.addi %add3A_400, %add3A_563 : i32
        %mul3A_565 = arith.constant 1024 : i32
        %mul3A_566 = arith.muli %add3A_564, %mul3A_565 : i32
        %min3A_567 = arith.constant 23976 : i32
        %min3A_568 = arith.minsi %mul3A_566, %min3A_567 : i32
        %add3A_569 = arith.addi %mul3A_2, %min3A_568 : i32
        %dma_wait3A_570 = arith.constant 0 : i32
        %dma_wait3A_571 = tpu.memref_slice %arg4[%dma_wait3A_570, %add3A_569] : memref<2x800000xi32, #tpu.memory_space<hbm>> -> memref<1x1024xi32, #tpu.memory_space<hbm>>
        %dma_wait3A_572 = tpu.memref_squeeze %dma_wait3A_571 : memref<1x1024xi32, #tpu.memory_space<hbm>> -> memref<1024xi32, #tpu.memory_space<hbm>>
        %dma_wait3A_573 = tpu.memref_slice %arg4[%dma_wait3A_570, %add3A_569] : memref<2x800000xi32, #tpu.memory_space<hbm>> -> memref<1x1024xi32, #tpu.memory_space<hbm>>
        %dma_wait3A_574 = tpu.memref_squeeze %dma_wait3A_573 : memref<1x1024xi32, #tpu.memory_space<hbm>> -> memref<1024xi32, #tpu.memory_space<hbm>>
        tpu.wait_dma2 semaphore(%arg22 : memref<!tpu.dma_semaphore, #tpu.memory_space<semaphore_mem>>) src(%dma_wait3A_574 : memref<1024xi32, #tpu.memory_space<hbm>>) dst(%arg7 : memref<1024xi32, #tpu.memory_space<vmem>>)
        %dma_wait3A_575 = arith.constant 1 : i32
        %dma_wait3A_576 = tpu.memref_slice %arg4[%dma_wait3A_575, %add3A_569] : memref<2x800000xi32, #tpu.memory_space<hbm>> -> memref<1x1024xi32, #tpu.memory_space<hbm>>
        %dma_wait3A_577 = tpu.memref_squeeze %dma_wait3A_576 : memref<1x1024xi32, #tpu.memory_space<hbm>> -> memref<1024xi32, #tpu.memory_space<hbm>>
        %dma_wait3A_578 = tpu.memref_slice %arg4[%dma_wait3A_575, %add3A_569] : memref<2x800000xi32, #tpu.memory_space<hbm>> -> memref<1x1024xi32, #tpu.memory_space<hbm>>
        %dma_wait3A_579 = tpu.memref_squeeze %dma_wait3A_578 : memref<1x1024xi32, #tpu.memory_space<hbm>> -> memref<1024xi32, #tpu.memory_space<hbm>>
        tpu.wait_dma2 semaphore(%arg22 : memref<!tpu.dma_semaphore, #tpu.memory_space<semaphore_mem>>) src(%dma_wait3A_579 : memref<1024xi32, #tpu.memory_space<hbm>>) dst(%arg9 : memref<1024xi32, #tpu.memory_space<vmem>>)
        %dma_start3A_580 = arith.constant 0 : i32
        %dma_start3A_581 = arith.constant 0 : i32
        %dma_start3A_582 = tpu.memref_slice %arg11[%dma_start3A_580, %dma_start3A_581] : memref<1024x8xf32, #tpu.memory_space<vmem>> -> memref<128x8xf32, #tpu.memory_space<vmem>>
        %dma_start3A_583 = arith.constant 0 : i32
        %dma_start3A_584 = tpu.memref_slice %arg7[%dma_start3A_583] : memref<1024xi32, #tpu.memory_space<vmem>> -> memref<128xi32, #tpu.memory_space<vmem>>
        %dma_start3A_585 = arith.constant 0 : i32
        %dma_start3A_586 = arith.constant 0 : i32
        %dma_start3A_587 = tpu.memref_slice %arg20[%dma_start3A_585, %dma_start3A_586] : memref<50000x8xf32, #tpu.memory_space<vmem_shared>> -> memref<50000x8xf32, #tpu.memory_space<vmem_shared>>
        tpu.enqueue_indirect_dma source(%dma_start3A_587 : memref<50000x8xf32, #tpu.memory_space<vmem_shared>>) target(%dma_start3A_582 : memref<128x8xf32, #tpu.memory_space<vmem>>) offsets(%dma_start3A_584 : memref<128xi32, #tpu.memory_space<vmem>>) semaphore(%arg24 : memref<!tpu.dma_semaphore, #tpu.memory_space<semaphore_mem>>)
        %dma_start3A_588 = arith.constant 0 : i32
        %dma_start3A_589 = arith.constant 0 : i32
        %dma_start3A_590 = tpu.memref_slice %arg13[%dma_start3A_588, %dma_start3A_589] : memref<1024x8xf32, #tpu.memory_space<vmem>> -> memref<128x8xf32, #tpu.memory_space<vmem>>
        %dma_start3A_591 = arith.constant 0 : i32
        %dma_start3A_592 = tpu.memref_slice %arg9[%dma_start3A_591] : memref<1024xi32, #tpu.memory_space<vmem>> -> memref<128xi32, #tpu.memory_space<vmem>>
        %dma_start3A_593 = arith.constant 0 : i32
        %dma_start3A_594 = arith.constant 0 : i32
        %dma_start3A_595 = tpu.memref_slice %arg21[%dma_start3A_593, %dma_start3A_594] : memref<25000x8xf32, #tpu.memory_space<vmem_shared>> -> memref<25000x8xf32, #tpu.memory_space<vmem_shared>>
        tpu.enqueue_indirect_dma source(%dma_start3A_595 : memref<25000x8xf32, #tpu.memory_space<vmem_shared>>) target(%dma_start3A_590 : memref<128x8xf32, #tpu.memory_space<vmem>>) offsets(%dma_start3A_592 : memref<128xi32, #tpu.memory_space<vmem>>) semaphore(%arg24 : memref<!tpu.dma_semaphore, #tpu.memory_space<semaphore_mem>>)
        %dma_start3A_596 = arith.constant 128 : i32
        %dma_start3A_597 = arith.constant 0 : i32
        %dma_start3A_598 = tpu.memref_slice %arg11[%dma_start3A_596, %dma_start3A_597] : memref<1024x8xf32, #tpu.memory_space<vmem>> -> memref<128x8xf32, #tpu.memory_space<vmem>>
        %dma_start3A_599 = arith.constant 128 : i32
        %dma_start3A_600 = tpu.memref_slice %arg7[%dma_start3A_599] : memref<1024xi32, #tpu.memory_space<vmem>> -> memref<128xi32, #tpu.memory_space<vmem>>
        %dma_start3A_601 = arith.constant 0 : i32
        %dma_start3A_602 = arith.constant 0 : i32
        %dma_start3A_603 = tpu.memref_slice %arg20[%dma_start3A_601, %dma_start3A_602] : memref<50000x8xf32, #tpu.memory_space<vmem_shared>> -> memref<50000x8xf32, #tpu.memory_space<vmem_shared>>
        tpu.enqueue_indirect_dma source(%dma_start3A_603 : memref<50000x8xf32, #tpu.memory_space<vmem_shared>>) target(%dma_start3A_598 : memref<128x8xf32, #tpu.memory_space<vmem>>) offsets(%dma_start3A_600 : memref<128xi32, #tpu.memory_space<vmem>>) semaphore(%arg24 : memref<!tpu.dma_semaphore, #tpu.memory_space<semaphore_mem>>)
        %dma_start3A_604 = arith.constant 128 : i32
        %dma_start3A_605 = arith.constant 0 : i32
        %dma_start3A_606 = tpu.memref_slice %arg13[%dma_start3A_604, %dma_start3A_605] : memref<1024x8xf32, #tpu.memory_space<vmem>> -> memref<128x8xf32, #tpu.memory_space<vmem>>
        %dma_start3A_607 = arith.constant 128 : i32
        %dma_start3A_608 = tpu.memref_slice %arg9[%dma_start3A_607] : memref<1024xi32, #tpu.memory_space<vmem>> -> memref<128xi32, #tpu.memory_space<vmem>>
        %dma_start3A_609 = arith.constant 0 : i32
        %dma_start3A_610 = arith.constant 0 : i32
        %dma_start3A_611 = tpu.memref_slice %arg21[%dma_start3A_609, %dma_start3A_610] : memref<25000x8xf32, #tpu.memory_space<vmem_shared>> -> memref<25000x8xf32, #tpu.memory_space<vmem_shared>>
        tpu.enqueue_indirect_dma source(%dma_start3A_611 : memref<25000x8xf32, #tpu.memory_space<vmem_shared>>) target(%dma_start3A_606 : memref<128x8xf32, #tpu.memory_space<vmem>>) offsets(%dma_start3A_608 : memref<128xi32, #tpu.memory_space<vmem>>) semaphore(%arg24 : memref<!tpu.dma_semaphore, #tpu.memory_space<semaphore_mem>>)
        %dma_start3A_612 = arith.constant 256 : i32
        %dma_start3A_613 = arith.constant 0 : i32
        %dma_start3A_614 = tpu.memref_slice %arg11[%dma_start3A_612, %dma_start3A_613] : memref<1024x8xf32, #tpu.memory_space<vmem>> -> memref<128x8xf32, #tpu.memory_space<vmem>>
        %dma_start3A_615 = arith.constant 256 : i32
        %dma_start3A_616 = tpu.memref_slice %arg7[%dma_start3A_615] : memref<1024xi32, #tpu.memory_space<vmem>> -> memref<128xi32, #tpu.memory_space<vmem>>
        %dma_start3A_617 = arith.constant 0 : i32
        %dma_start3A_618 = arith.constant 0 : i32
        %dma_start3A_619 = tpu.memref_slice %arg20[%dma_start3A_617, %dma_start3A_618] : memref<50000x8xf32, #tpu.memory_space<vmem_shared>> -> memref<50000x8xf32, #tpu.memory_space<vmem_shared>>
        tpu.enqueue_indirect_dma source(%dma_start3A_619 : memref<50000x8xf32, #tpu.memory_space<vmem_shared>>) target(%dma_start3A_614 : memref<128x8xf32, #tpu.memory_space<vmem>>) offsets(%dma_start3A_616 : memref<128xi32, #tpu.memory_space<vmem>>) semaphore(%arg24 : memref<!tpu.dma_semaphore, #tpu.memory_space<semaphore_mem>>)
        %dma_start3A_620 = arith.constant 256 : i32
        %dma_start3A_621 = arith.constant 0 : i32
        %dma_start3A_622 = tpu.memref_slice %arg13[%dma_start3A_620, %dma_start3A_621] : memref<1024x8xf32, #tpu.memory_space<vmem>> -> memref<128x8xf32, #tpu.memory_space<vmem>>
        %dma_start3A_623 = arith.constant 256 : i32
        %dma_start3A_624 = tpu.memref_slice %arg9[%dma_start3A_623] : memref<1024xi32, #tpu.memory_space<vmem>> -> memref<128xi32, #tpu.memory_space<vmem>>
        %dma_start3A_625 = arith.constant 0 : i32
        %dma_start3A_626 = arith.constant 0 : i32
        %dma_start3A_627 = tpu.memref_slice %arg21[%dma_start3A_625, %dma_start3A_626] : memref<25000x8xf32, #tpu.memory_space<vmem_shared>> -> memref<25000x8xf32, #tpu.memory_space<vmem_shared>>
        tpu.enqueue_indirect_dma source(%dma_start3A_627 : memref<25000x8xf32, #tpu.memory_space<vmem_shared>>) target(%dma_start3A_622 : memref<128x8xf32, #tpu.memory_space<vmem>>) offsets(%dma_start3A_624 : memref<128xi32, #tpu.memory_space<vmem>>) semaphore(%arg24 : memref<!tpu.dma_semaphore, #tpu.memory_space<semaphore_mem>>)
        %dma_start3A_628 = arith.constant 384 : i32
        %dma_start3A_629 = arith.constant 0 : i32
        %dma_start3A_630 = tpu.memref_slice %arg11[%dma_start3A_628, %dma_start3A_629] : memref<1024x8xf32, #tpu.memory_space<vmem>> -> memref<128x8xf32, #tpu.memory_space<vmem>>
        %dma_start3A_631 = arith.constant 384 : i32
        %dma_start3A_632 = tpu.memref_slice %arg7[%dma_start3A_631] : memref<1024xi32, #tpu.memory_space<vmem>> -> memref<128xi32, #tpu.memory_space<vmem>>
        %dma_start3A_633 = arith.constant 0 : i32
        %dma_start3A_634 = arith.constant 0 : i32
        %dma_start3A_635 = tpu.memref_slice %arg20[%dma_start3A_633, %dma_start3A_634] : memref<50000x8xf32, #tpu.memory_space<vmem_shared>> -> memref<50000x8xf32, #tpu.memory_space<vmem_shared>>
        tpu.enqueue_indirect_dma source(%dma_start3A_635 : memref<50000x8xf32, #tpu.memory_space<vmem_shared>>) target(%dma_start3A_630 : memref<128x8xf32, #tpu.memory_space<vmem>>) offsets(%dma_start3A_632 : memref<128xi32, #tpu.memory_space<vmem>>) semaphore(%arg24 : memref<!tpu.dma_semaphore, #tpu.memory_space<semaphore_mem>>)
        %dma_start3A_636 = arith.constant 384 : i32
        %dma_start3A_637 = arith.constant 0 : i32
        %dma_start3A_638 = tpu.memref_slice %arg13[%dma_start3A_636, %dma_start3A_637] : memref<1024x8xf32, #tpu.memory_space<vmem>> -> memref<128x8xf32, #tpu.memory_space<vmem>>
        %dma_start3A_639 = arith.constant 384 : i32
        %dma_start3A_640 = tpu.memref_slice %arg9[%dma_start3A_639] : memref<1024xi32, #tpu.memory_space<vmem>> -> memref<128xi32, #tpu.memory_space<vmem>>
        %dma_start3A_641 = arith.constant 0 : i32
        %dma_start3A_642 = arith.constant 0 : i32
        %dma_start3A_643 = tpu.memref_slice %arg21[%dma_start3A_641, %dma_start3A_642] : memref<25000x8xf32, #tpu.memory_space<vmem_shared>> -> memref<25000x8xf32, #tpu.memory_space<vmem_shared>>
        tpu.enqueue_indirect_dma source(%dma_start3A_643 : memref<25000x8xf32, #tpu.memory_space<vmem_shared>>) target(%dma_start3A_638 : memref<128x8xf32, #tpu.memory_space<vmem>>) offsets(%dma_start3A_640 : memref<128xi32, #tpu.memory_space<vmem>>) semaphore(%arg24 : memref<!tpu.dma_semaphore, #tpu.memory_space<semaphore_mem>>)
        %dma_start3A_644 = arith.constant 512 : i32
        %dma_start3A_645 = arith.constant 0 : i32
        %dma_start3A_646 = tpu.memref_slice %arg11[%dma_start3A_644, %dma_start3A_645] : memref<1024x8xf32, #tpu.memory_space<vmem>> -> memref<128x8xf32, #tpu.memory_space<vmem>>
        %dma_start3A_647 = arith.constant 512 : i32
        %dma_start3A_648 = tpu.memref_slice %arg7[%dma_start3A_647] : memref<1024xi32, #tpu.memory_space<vmem>> -> memref<128xi32, #tpu.memory_space<vmem>>
        %dma_start3A_649 = arith.constant 0 : i32
        %dma_start3A_650 = arith.constant 0 : i32
        %dma_start3A_651 = tpu.memref_slice %arg20[%dma_start3A_649, %dma_start3A_650] : memref<50000x8xf32, #tpu.memory_space<vmem_shared>> -> memref<50000x8xf32, #tpu.memory_space<vmem_shared>>
        tpu.enqueue_indirect_dma source(%dma_start3A_651 : memref<50000x8xf32, #tpu.memory_space<vmem_shared>>) target(%dma_start3A_646 : memref<128x8xf32, #tpu.memory_space<vmem>>) offsets(%dma_start3A_648 : memref<128xi32, #tpu.memory_space<vmem>>) semaphore(%arg24 : memref<!tpu.dma_semaphore, #tpu.memory_space<semaphore_mem>>)
        %dma_start3A_652 = arith.constant 512 : i32
        %dma_start3A_653 = arith.constant 0 : i32
        %dma_start3A_654 = tpu.memref_slice %arg13[%dma_start3A_652, %dma_start3A_653] : memref<1024x8xf32, #tpu.memory_space<vmem>> -> memref<128x8xf32, #tpu.memory_space<vmem>>
        %dma_start3A_655 = arith.constant 512 : i32
        %dma_start3A_656 = tpu.memref_slice %arg9[%dma_start3A_655] : memref<1024xi32, #tpu.memory_space<vmem>> -> memref<128xi32, #tpu.memory_space<vmem>>
        %dma_start3A_657 = arith.constant 0 : i32
        %dma_start3A_658 = arith.constant 0 : i32
        %dma_start3A_659 = tpu.memref_slice %arg21[%dma_start3A_657, %dma_start3A_658] : memref<25000x8xf32, #tpu.memory_space<vmem_shared>> -> memref<25000x8xf32, #tpu.memory_space<vmem_shared>>
        tpu.enqueue_indirect_dma source(%dma_start3A_659 : memref<25000x8xf32, #tpu.memory_space<vmem_shared>>) target(%dma_start3A_654 : memref<128x8xf32, #tpu.memory_space<vmem>>) offsets(%dma_start3A_656 : memref<128xi32, #tpu.memory_space<vmem>>) semaphore(%arg24 : memref<!tpu.dma_semaphore, #tpu.memory_space<semaphore_mem>>)
        %dma_start3A_660 = arith.constant 640 : i32
        %dma_start3A_661 = arith.constant 0 : i32
        %dma_start3A_662 = tpu.memref_slice %arg11[%dma_start3A_660, %dma_start3A_661] : memref<1024x8xf32, #tpu.memory_space<vmem>> -> memref<128x8xf32, #tpu.memory_space<vmem>>
        %dma_start3A_663 = arith.constant 640 : i32
        %dma_start3A_664 = tpu.memref_slice %arg7[%dma_start3A_663] : memref<1024xi32, #tpu.memory_space<vmem>> -> memref<128xi32, #tpu.memory_space<vmem>>
        %dma_start3A_665 = arith.constant 0 : i32
        %dma_start3A_666 = arith.constant 0 : i32
        %dma_start3A_667 = tpu.memref_slice %arg20[%dma_start3A_665, %dma_start3A_666] : memref<50000x8xf32, #tpu.memory_space<vmem_shared>> -> memref<50000x8xf32, #tpu.memory_space<vmem_shared>>
        tpu.enqueue_indirect_dma source(%dma_start3A_667 : memref<50000x8xf32, #tpu.memory_space<vmem_shared>>) target(%dma_start3A_662 : memref<128x8xf32, #tpu.memory_space<vmem>>) offsets(%dma_start3A_664 : memref<128xi32, #tpu.memory_space<vmem>>) semaphore(%arg24 : memref<!tpu.dma_semaphore, #tpu.memory_space<semaphore_mem>>)
        %dma_start3A_668 = arith.constant 640 : i32
        %dma_start3A_669 = arith.constant 0 : i32
        %dma_start3A_670 = tpu.memref_slice %arg13[%dma_start3A_668, %dma_start3A_669] : memref<1024x8xf32, #tpu.memory_space<vmem>> -> memref<128x8xf32, #tpu.memory_space<vmem>>
        %dma_start3A_671 = arith.constant 640 : i32
        %dma_start3A_672 = tpu.memref_slice %arg9[%dma_start3A_671] : memref<1024xi32, #tpu.memory_space<vmem>> -> memref<128xi32, #tpu.memory_space<vmem>>
        %dma_start3A_673 = arith.constant 0 : i32
        %dma_start3A_674 = arith.constant 0 : i32
        %dma_start3A_675 = tpu.memref_slice %arg21[%dma_start3A_673, %dma_start3A_674] : memref<25000x8xf32, #tpu.memory_space<vmem_shared>> -> memref<25000x8xf32, #tpu.memory_space<vmem_shared>>
        tpu.enqueue_indirect_dma source(%dma_start3A_675 : memref<25000x8xf32, #tpu.memory_space<vmem_shared>>) target(%dma_start3A_670 : memref<128x8xf32, #tpu.memory_space<vmem>>) offsets(%dma_start3A_672 : memref<128xi32, #tpu.memory_space<vmem>>) semaphore(%arg24 : memref<!tpu.dma_semaphore, #tpu.memory_space<semaphore_mem>>)
        %dma_start3A_676 = arith.constant 768 : i32
        %dma_start3A_677 = arith.constant 0 : i32
        %dma_start3A_678 = tpu.memref_slice %arg11[%dma_start3A_676, %dma_start3A_677] : memref<1024x8xf32, #tpu.memory_space<vmem>> -> memref<128x8xf32, #tpu.memory_space<vmem>>
        %dma_start3A_679 = arith.constant 768 : i32
        %dma_start3A_680 = tpu.memref_slice %arg7[%dma_start3A_679] : memref<1024xi32, #tpu.memory_space<vmem>> -> memref<128xi32, #tpu.memory_space<vmem>>
        %dma_start3A_681 = arith.constant 0 : i32
        %dma_start3A_682 = arith.constant 0 : i32
        %dma_start3A_683 = tpu.memref_slice %arg20[%dma_start3A_681, %dma_start3A_682] : memref<50000x8xf32, #tpu.memory_space<vmem_shared>> -> memref<50000x8xf32, #tpu.memory_space<vmem_shared>>
        tpu.enqueue_indirect_dma source(%dma_start3A_683 : memref<50000x8xf32, #tpu.memory_space<vmem_shared>>) target(%dma_start3A_678 : memref<128x8xf32, #tpu.memory_space<vmem>>) offsets(%dma_start3A_680 : memref<128xi32, #tpu.memory_space<vmem>>) semaphore(%arg24 : memref<!tpu.dma_semaphore, #tpu.memory_space<semaphore_mem>>)
        %dma_start3A_684 = arith.constant 768 : i32
        %dma_start3A_685 = arith.constant 0 : i32
        %dma_start3A_686 = tpu.memref_slice %arg13[%dma_start3A_684, %dma_start3A_685] : memref<1024x8xf32, #tpu.memory_space<vmem>> -> memref<128x8xf32, #tpu.memory_space<vmem>>
        %dma_start3A_687 = arith.constant 768 : i32
        %dma_start3A_688 = tpu.memref_slice %arg9[%dma_start3A_687] : memref<1024xi32, #tpu.memory_space<vmem>> -> memref<128xi32, #tpu.memory_space<vmem>>
        %dma_start3A_689 = arith.constant 0 : i32
        %dma_start3A_690 = arith.constant 0 : i32
        %dma_start3A_691 = tpu.memref_slice %arg21[%dma_start3A_689, %dma_start3A_690] : memref<25000x8xf32, #tpu.memory_space<vmem_shared>> -> memref<25000x8xf32, #tpu.memory_space<vmem_shared>>
        tpu.enqueue_indirect_dma source(%dma_start3A_691 : memref<25000x8xf32, #tpu.memory_space<vmem_shared>>) target(%dma_start3A_686 : memref<128x8xf32, #tpu.memory_space<vmem>>) offsets(%dma_start3A_688 : memref<128xi32, #tpu.memory_space<vmem>>) semaphore(%arg24 : memref<!tpu.dma_semaphore, #tpu.memory_space<semaphore_mem>>)
        %dma_start3A_692 = arith.constant 896 : i32
        %dma_start3A_693 = arith.constant 0 : i32
        %dma_start3A_694 = tpu.memref_slice %arg11[%dma_start3A_692, %dma_start3A_693] : memref<1024x8xf32, #tpu.memory_space<vmem>> -> memref<128x8xf32, #tpu.memory_space<vmem>>
        %dma_start3A_695 = arith.constant 896 : i32
        %dma_start3A_696 = tpu.memref_slice %arg7[%dma_start3A_695] : memref<1024xi32, #tpu.memory_space<vmem>> -> memref<128xi32, #tpu.memory_space<vmem>>
        %dma_start3A_697 = arith.constant 0 : i32
        %dma_start3A_698 = arith.constant 0 : i32
        %dma_start3A_699 = tpu.memref_slice %arg20[%dma_start3A_697, %dma_start3A_698] : memref<50000x8xf32, #tpu.memory_space<vmem_shared>> -> memref<50000x8xf32, #tpu.memory_space<vmem_shared>>
        tpu.enqueue_indirect_dma source(%dma_start3A_699 : memref<50000x8xf32, #tpu.memory_space<vmem_shared>>) target(%dma_start3A_694 : memref<128x8xf32, #tpu.memory_space<vmem>>) offsets(%dma_start3A_696 : memref<128xi32, #tpu.memory_space<vmem>>) semaphore(%arg24 : memref<!tpu.dma_semaphore, #tpu.memory_space<semaphore_mem>>)
        %dma_start3A_700 = arith.constant 896 : i32
        %dma_start3A_701 = arith.constant 0 : i32
        %dma_start3A_702 = tpu.memref_slice %arg13[%dma_start3A_700, %dma_start3A_701] : memref<1024x8xf32, #tpu.memory_space<vmem>> -> memref<128x8xf32, #tpu.memory_space<vmem>>
        %dma_start3A_703 = arith.constant 896 : i32
        %dma_start3A_704 = tpu.memref_slice %arg9[%dma_start3A_703] : memref<1024xi32, #tpu.memory_space<vmem>> -> memref<128xi32, #tpu.memory_space<vmem>>
        %dma_start3A_705 = arith.constant 0 : i32
        %dma_start3A_706 = arith.constant 0 : i32
        %dma_start3A_707 = tpu.memref_slice %arg21[%dma_start3A_705, %dma_start3A_706] : memref<25000x8xf32, #tpu.memory_space<vmem_shared>> -> memref<25000x8xf32, #tpu.memory_space<vmem_shared>>
        tpu.enqueue_indirect_dma source(%dma_start3A_707 : memref<25000x8xf32, #tpu.memory_space<vmem_shared>>) target(%dma_start3A_702 : memref<128x8xf32, #tpu.memory_space<vmem>>) offsets(%dma_start3A_704 : memref<128xi32, #tpu.memory_space<vmem>>) semaphore(%arg24 : memref<!tpu.dma_semaphore, #tpu.memory_space<semaphore_mem>>)
      } else {
      }
      %dma_wait3A_408 = arith.constant 0 : i32
      %dma_wait3A_409 = arith.constant 0 : i32
      %dma_wait3A_410 = tpu.memref_slice %arg12[%dma_wait3A_408, %dma_wait3A_409] : memref<1024x8xf32, #tpu.memory_space<vmem>> -> memref<128x8xf32, #tpu.memory_space<vmem>>
      %dma_wait3A_411 = arith.constant 0 : i32
      %dma_wait3A_412 = tpu.memref_slice %arg8[%dma_wait3A_411] : memref<1024xi32, #tpu.memory_space<vmem>> -> memref<128xi32, #tpu.memory_space<vmem>>
      %dma_wait3A_413 = arith.constant 0 : i32
      %dma_wait3A_414 = arith.constant 0 : i32
      %dma_wait3A_415 = tpu.memref_slice %arg20[%dma_wait3A_413, %dma_wait3A_414] : memref<50000x8xf32, #tpu.memory_space<vmem_shared>> -> memref<50000x8xf32, #tpu.memory_space<vmem_shared>>
      tpu.wait_indirect_dma semaphore(%arg25 : memref<!tpu.dma_semaphore, #tpu.memory_space<semaphore_mem>>) src(%dma_wait3A_415 : memref<50000x8xf32, #tpu.memory_space<vmem_shared>>) dst(%dma_wait3A_410 : memref<128x8xf32, #tpu.memory_space<vmem>>)
      %dma_wait3A_416 = arith.constant 0 : i32
      %dma_wait3A_417 = arith.constant 0 : i32
      %dma_wait3A_418 = tpu.memref_slice %arg14[%dma_wait3A_416, %dma_wait3A_417] : memref<1024x8xf32, #tpu.memory_space<vmem>> -> memref<128x8xf32, #tpu.memory_space<vmem>>
      %dma_wait3A_419 = arith.constant 0 : i32
      %dma_wait3A_420 = tpu.memref_slice %arg10[%dma_wait3A_419] : memref<1024xi32, #tpu.memory_space<vmem>> -> memref<128xi32, #tpu.memory_space<vmem>>
      %dma_wait3A_421 = arith.constant 0 : i32
      %dma_wait3A_422 = arith.constant 0 : i32
      %dma_wait3A_423 = tpu.memref_slice %arg21[%dma_wait3A_421, %dma_wait3A_422] : memref<25000x8xf32, #tpu.memory_space<vmem_shared>> -> memref<25000x8xf32, #tpu.memory_space<vmem_shared>>
      tpu.wait_indirect_dma semaphore(%arg25 : memref<!tpu.dma_semaphore, #tpu.memory_space<semaphore_mem>>) src(%dma_wait3A_423 : memref<25000x8xf32, #tpu.memory_space<vmem_shared>>) dst(%dma_wait3A_418 : memref<128x8xf32, #tpu.memory_space<vmem>>)
      %dma_wait3A_424 = arith.constant 128 : i32
      %dma_wait3A_425 = arith.constant 0 : i32
      %dma_wait3A_426 = tpu.memref_slice %arg12[%dma_wait3A_424, %dma_wait3A_425] : memref<1024x8xf32, #tpu.memory_space<vmem>> -> memref<128x8xf32, #tpu.memory_space<vmem>>
      %dma_wait3A_427 = arith.constant 128 : i32
      %dma_wait3A_428 = tpu.memref_slice %arg8[%dma_wait3A_427] : memref<1024xi32, #tpu.memory_space<vmem>> -> memref<128xi32, #tpu.memory_space<vmem>>
      %dma_wait3A_429 = arith.constant 0 : i32
      %dma_wait3A_430 = arith.constant 0 : i32
      %dma_wait3A_431 = tpu.memref_slice %arg20[%dma_wait3A_429, %dma_wait3A_430] : memref<50000x8xf32, #tpu.memory_space<vmem_shared>> -> memref<50000x8xf32, #tpu.memory_space<vmem_shared>>
      tpu.wait_indirect_dma semaphore(%arg25 : memref<!tpu.dma_semaphore, #tpu.memory_space<semaphore_mem>>) src(%dma_wait3A_431 : memref<50000x8xf32, #tpu.memory_space<vmem_shared>>) dst(%dma_wait3A_426 : memref<128x8xf32, #tpu.memory_space<vmem>>)
      %dma_wait3A_432 = arith.constant 128 : i32
      %dma_wait3A_433 = arith.constant 0 : i32
      %dma_wait3A_434 = tpu.memref_slice %arg14[%dma_wait3A_432, %dma_wait3A_433] : memref<1024x8xf32, #tpu.memory_space<vmem>> -> memref<128x8xf32, #tpu.memory_space<vmem>>
      %dma_wait3A_435 = arith.constant 128 : i32
      %dma_wait3A_436 = tpu.memref_slice %arg10[%dma_wait3A_435] : memref<1024xi32, #tpu.memory_space<vmem>> -> memref<128xi32, #tpu.memory_space<vmem>>
      %dma_wait3A_437 = arith.constant 0 : i32
      %dma_wait3A_438 = arith.constant 0 : i32
      %dma_wait3A_439 = tpu.memref_slice %arg21[%dma_wait3A_437, %dma_wait3A_438] : memref<25000x8xf32, #tpu.memory_space<vmem_shared>> -> memref<25000x8xf32, #tpu.memory_space<vmem_shared>>
      tpu.wait_indirect_dma semaphore(%arg25 : memref<!tpu.dma_semaphore, #tpu.memory_space<semaphore_mem>>) src(%dma_wait3A_439 : memref<25000x8xf32, #tpu.memory_space<vmem_shared>>) dst(%dma_wait3A_434 : memref<128x8xf32, #tpu.memory_space<vmem>>)
      %dma_wait3A_440 = arith.constant 256 : i32
      %dma_wait3A_441 = arith.constant 0 : i32
      %dma_wait3A_442 = tpu.memref_slice %arg12[%dma_wait3A_440, %dma_wait3A_441] : memref<1024x8xf32, #tpu.memory_space<vmem>> -> memref<128x8xf32, #tpu.memory_space<vmem>>
      %dma_wait3A_443 = arith.constant 256 : i32
      %dma_wait3A_444 = tpu.memref_slice %arg8[%dma_wait3A_443] : memref<1024xi32, #tpu.memory_space<vmem>> -> memref<128xi32, #tpu.memory_space<vmem>>
      %dma_wait3A_445 = arith.constant 0 : i32
      %dma_wait3A_446 = arith.constant 0 : i32
      %dma_wait3A_447 = tpu.memref_slice %arg20[%dma_wait3A_445, %dma_wait3A_446] : memref<50000x8xf32, #tpu.memory_space<vmem_shared>> -> memref<50000x8xf32, #tpu.memory_space<vmem_shared>>
      tpu.wait_indirect_dma semaphore(%arg25 : memref<!tpu.dma_semaphore, #tpu.memory_space<semaphore_mem>>) src(%dma_wait3A_447 : memref<50000x8xf32, #tpu.memory_space<vmem_shared>>) dst(%dma_wait3A_442 : memref<128x8xf32, #tpu.memory_space<vmem>>)
      %dma_wait3A_448 = arith.constant 256 : i32
      %dma_wait3A_449 = arith.constant 0 : i32
      %dma_wait3A_450 = tpu.memref_slice %arg14[%dma_wait3A_448, %dma_wait3A_449] : memref<1024x8xf32, #tpu.memory_space<vmem>> -> memref<128x8xf32, #tpu.memory_space<vmem>>
      %dma_wait3A_451 = arith.constant 256 : i32
      %dma_wait3A_452 = tpu.memref_slice %arg10[%dma_wait3A_451] : memref<1024xi32, #tpu.memory_space<vmem>> -> memref<128xi32, #tpu.memory_space<vmem>>
      %dma_wait3A_453 = arith.constant 0 : i32
      %dma_wait3A_454 = arith.constant 0 : i32
      %dma_wait3A_455 = tpu.memref_slice %arg21[%dma_wait3A_453, %dma_wait3A_454] : memref<25000x8xf32, #tpu.memory_space<vmem_shared>> -> memref<25000x8xf32, #tpu.memory_space<vmem_shared>>
      tpu.wait_indirect_dma semaphore(%arg25 : memref<!tpu.dma_semaphore, #tpu.memory_space<semaphore_mem>>) src(%dma_wait3A_455 : memref<25000x8xf32, #tpu.memory_space<vmem_shared>>) dst(%dma_wait3A_450 : memref<128x8xf32, #tpu.memory_space<vmem>>)
      %dma_wait3A_456 = arith.constant 384 : i32
      %dma_wait3A_457 = arith.constant 0 : i32
      %dma_wait3A_458 = tpu.memref_slice %arg12[%dma_wait3A_456, %dma_wait3A_457] : memref<1024x8xf32, #tpu.memory_space<vmem>> -> memref<128x8xf32, #tpu.memory_space<vmem>>
      %dma_wait3A_459 = arith.constant 384 : i32
      %dma_wait3A_460 = tpu.memref_slice %arg8[%dma_wait3A_459] : memref<1024xi32, #tpu.memory_space<vmem>> -> memref<128xi32, #tpu.memory_space<vmem>>
      %dma_wait3A_461 = arith.constant 0 : i32
      %dma_wait3A_462 = arith.constant 0 : i32
      %dma_wait3A_463 = tpu.memref_slice %arg20[%dma_wait3A_461, %dma_wait3A_462] : memref<50000x8xf32, #tpu.memory_space<vmem_shared>> -> memref<50000x8xf32, #tpu.memory_space<vmem_shared>>
      tpu.wait_indirect_dma semaphore(%arg25 : memref<!tpu.dma_semaphore, #tpu.memory_space<semaphore_mem>>) src(%dma_wait3A_463 : memref<50000x8xf32, #tpu.memory_space<vmem_shared>>) dst(%dma_wait3A_458 : memref<128x8xf32, #tpu.memory_space<vmem>>)
      %dma_wait3A_464 = arith.constant 384 : i32
      %dma_wait3A_465 = arith.constant 0 : i32
      %dma_wait3A_466 = tpu.memref_slice %arg14[%dma_wait3A_464, %dma_wait3A_465] : memref<1024x8xf32, #tpu.memory_space<vmem>> -> memref<128x8xf32, #tpu.memory_space<vmem>>
      %dma_wait3A_467 = arith.constant 384 : i32
      %dma_wait3A_468 = tpu.memref_slice %arg10[%dma_wait3A_467] : memref<1024xi32, #tpu.memory_space<vmem>> -> memref<128xi32, #tpu.memory_space<vmem>>
      %dma_wait3A_469 = arith.constant 0 : i32
      %dma_wait3A_470 = arith.constant 0 : i32
      %dma_wait3A_471 = tpu.memref_slice %arg21[%dma_wait3A_469, %dma_wait3A_470] : memref<25000x8xf32, #tpu.memory_space<vmem_shared>> -> memref<25000x8xf32, #tpu.memory_space<vmem_shared>>
      tpu.wait_indirect_dma semaphore(%arg25 : memref<!tpu.dma_semaphore, #tpu.memory_space<semaphore_mem>>) src(%dma_wait3A_471 : memref<25000x8xf32, #tpu.memory_space<vmem_shared>>) dst(%dma_wait3A_466 : memref<128x8xf32, #tpu.memory_space<vmem>>)
      %dma_wait3A_472 = arith.constant 512 : i32
      %dma_wait3A_473 = arith.constant 0 : i32
      %dma_wait3A_474 = tpu.memref_slice %arg12[%dma_wait3A_472, %dma_wait3A_473] : memref<1024x8xf32, #tpu.memory_space<vmem>> -> memref<128x8xf32, #tpu.memory_space<vmem>>
      %dma_wait3A_475 = arith.constant 512 : i32
      %dma_wait3A_476 = tpu.memref_slice %arg8[%dma_wait3A_475] : memref<1024xi32, #tpu.memory_space<vmem>> -> memref<128xi32, #tpu.memory_space<vmem>>
      %dma_wait3A_477 = arith.constant 0 : i32
      %dma_wait3A_478 = arith.constant 0 : i32
      %dma_wait3A_479 = tpu.memref_slice %arg20[%dma_wait3A_477, %dma_wait3A_478] : memref<50000x8xf32, #tpu.memory_space<vmem_shared>> -> memref<50000x8xf32, #tpu.memory_space<vmem_shared>>
      tpu.wait_indirect_dma semaphore(%arg25 : memref<!tpu.dma_semaphore, #tpu.memory_space<semaphore_mem>>) src(%dma_wait3A_479 : memref<50000x8xf32, #tpu.memory_space<vmem_shared>>) dst(%dma_wait3A_474 : memref<128x8xf32, #tpu.memory_space<vmem>>)
      %dma_wait3A_480 = arith.constant 512 : i32
      %dma_wait3A_481 = arith.constant 0 : i32
      %dma_wait3A_482 = tpu.memref_slice %arg14[%dma_wait3A_480, %dma_wait3A_481] : memref<1024x8xf32, #tpu.memory_space<vmem>> -> memref<128x8xf32, #tpu.memory_space<vmem>>
      %dma_wait3A_483 = arith.constant 512 : i32
      %dma_wait3A_484 = tpu.memref_slice %arg10[%dma_wait3A_483] : memref<1024xi32, #tpu.memory_space<vmem>> -> memref<128xi32, #tpu.memory_space<vmem>>
      %dma_wait3A_485 = arith.constant 0 : i32
      %dma_wait3A_486 = arith.constant 0 : i32
      %dma_wait3A_487 = tpu.memref_slice %arg21[%dma_wait3A_485, %dma_wait3A_486] : memref<25000x8xf32, #tpu.memory_space<vmem_shared>> -> memref<25000x8xf32, #tpu.memory_space<vmem_shared>>
      tpu.wait_indirect_dma semaphore(%arg25 : memref<!tpu.dma_semaphore, #tpu.memory_space<semaphore_mem>>) src(%dma_wait3A_487 : memref<25000x8xf32, #tpu.memory_space<vmem_shared>>) dst(%dma_wait3A_482 : memref<128x8xf32, #tpu.memory_space<vmem>>)
      %dma_wait3A_488 = arith.constant 640 : i32
      %dma_wait3A_489 = arith.constant 0 : i32
      %dma_wait3A_490 = tpu.memref_slice %arg12[%dma_wait3A_488, %dma_wait3A_489] : memref<1024x8xf32, #tpu.memory_space<vmem>> -> memref<128x8xf32, #tpu.memory_space<vmem>>
      %dma_wait3A_491 = arith.constant 640 : i32
      %dma_wait3A_492 = tpu.memref_slice %arg8[%dma_wait3A_491] : memref<1024xi32, #tpu.memory_space<vmem>> -> memref<128xi32, #tpu.memory_space<vmem>>
      %dma_wait3A_493 = arith.constant 0 : i32
      %dma_wait3A_494 = arith.constant 0 : i32
      %dma_wait3A_495 = tpu.memref_slice %arg20[%dma_wait3A_493, %dma_wait3A_494] : memref<50000x8xf32, #tpu.memory_space<vmem_shared>> -> memref<50000x8xf32, #tpu.memory_space<vmem_shared>>
      tpu.wait_indirect_dma semaphore(%arg25 : memref<!tpu.dma_semaphore, #tpu.memory_space<semaphore_mem>>) src(%dma_wait3A_495 : memref<50000x8xf32, #tpu.memory_space<vmem_shared>>) dst(%dma_wait3A_490 : memref<128x8xf32, #tpu.memory_space<vmem>>)
      %dma_wait3A_496 = arith.constant 640 : i32
      %dma_wait3A_497 = arith.constant 0 : i32
      %dma_wait3A_498 = tpu.memref_slice %arg14[%dma_wait3A_496, %dma_wait3A_497] : memref<1024x8xf32, #tpu.memory_space<vmem>> -> memref<128x8xf32, #tpu.memory_space<vmem>>
      %dma_wait3A_499 = arith.constant 640 : i32
      %dma_wait3A_500 = tpu.memref_slice %arg10[%dma_wait3A_499] : memref<1024xi32, #tpu.memory_space<vmem>> -> memref<128xi32, #tpu.memory_space<vmem>>
      %dma_wait3A_501 = arith.constant 0 : i32
      %dma_wait3A_502 = arith.constant 0 : i32
      %dma_wait3A_503 = tpu.memref_slice %arg21[%dma_wait3A_501, %dma_wait3A_502] : memref<25000x8xf32, #tpu.memory_space<vmem_shared>> -> memref<25000x8xf32, #tpu.memory_space<vmem_shared>>
      tpu.wait_indirect_dma semaphore(%arg25 : memref<!tpu.dma_semaphore, #tpu.memory_space<semaphore_mem>>) src(%dma_wait3A_503 : memref<25000x8xf32, #tpu.memory_space<vmem_shared>>) dst(%dma_wait3A_498 : memref<128x8xf32, #tpu.memory_space<vmem>>)
      %dma_wait3A_504 = arith.constant 768 : i32
      %dma_wait3A_505 = arith.constant 0 : i32
      %dma_wait3A_506 = tpu.memref_slice %arg12[%dma_wait3A_504, %dma_wait3A_505] : memref<1024x8xf32, #tpu.memory_space<vmem>> -> memref<128x8xf32, #tpu.memory_space<vmem>>
      %dma_wait3A_507 = arith.constant 768 : i32
      %dma_wait3A_508 = tpu.memref_slice %arg8[%dma_wait3A_507] : memref<1024xi32, #tpu.memory_space<vmem>> -> memref<128xi32, #tpu.memory_space<vmem>>
      %dma_wait3A_509 = arith.constant 0 : i32
      %dma_wait3A_510 = arith.constant 0 : i32
      %dma_wait3A_511 = tpu.memref_slice %arg20[%dma_wait3A_509, %dma_wait3A_510] : memref<50000x8xf32, #tpu.memory_space<vmem_shared>> -> memref<50000x8xf32, #tpu.memory_space<vmem_shared>>
      tpu.wait_indirect_dma semaphore(%arg25 : memref<!tpu.dma_semaphore, #tpu.memory_space<semaphore_mem>>) src(%dma_wait3A_511 : memref<50000x8xf32, #tpu.memory_space<vmem_shared>>) dst(%dma_wait3A_506 : memref<128x8xf32, #tpu.memory_space<vmem>>)
      %dma_wait3A_512 = arith.constant 768 : i32
      %dma_wait3A_513 = arith.constant 0 : i32
      %dma_wait3A_514 = tpu.memref_slice %arg14[%dma_wait3A_512, %dma_wait3A_513] : memref<1024x8xf32, #tpu.memory_space<vmem>> -> memref<128x8xf32, #tpu.memory_space<vmem>>
      %dma_wait3A_515 = arith.constant 768 : i32
      %dma_wait3A_516 = tpu.memref_slice %arg10[%dma_wait3A_515] : memref<1024xi32, #tpu.memory_space<vmem>> -> memref<128xi32, #tpu.memory_space<vmem>>
      %dma_wait3A_517 = arith.constant 0 : i32
      %dma_wait3A_518 = arith.constant 0 : i32
      %dma_wait3A_519 = tpu.memref_slice %arg21[%dma_wait3A_517, %dma_wait3A_518] : memref<25000x8xf32, #tpu.memory_space<vmem_shared>> -> memref<25000x8xf32, #tpu.memory_space<vmem_shared>>
      tpu.wait_indirect_dma semaphore(%arg25 : memref<!tpu.dma_semaphore, #tpu.memory_space<semaphore_mem>>) src(%dma_wait3A_519 : memref<25000x8xf32, #tpu.memory_space<vmem_shared>>) dst(%dma_wait3A_514 : memref<128x8xf32, #tpu.memory_space<vmem>>)
      %dma_wait3A_520 = arith.constant 896 : i32
      %dma_wait3A_521 = arith.constant 0 : i32
      %dma_wait3A_522 = tpu.memref_slice %arg12[%dma_wait3A_520, %dma_wait3A_521] : memref<1024x8xf32, #tpu.memory_space<vmem>> -> memref<128x8xf32, #tpu.memory_space<vmem>>
      %dma_wait3A_523 = arith.constant 896 : i32
      %dma_wait3A_524 = tpu.memref_slice %arg8[%dma_wait3A_523] : memref<1024xi32, #tpu.memory_space<vmem>> -> memref<128xi32, #tpu.memory_space<vmem>>
      %dma_wait3A_525 = arith.constant 0 : i32
      %dma_wait3A_526 = arith.constant 0 : i32
      %dma_wait3A_527 = tpu.memref_slice %arg20[%dma_wait3A_525, %dma_wait3A_526] : memref<50000x8xf32, #tpu.memory_space<vmem_shared>> -> memref<50000x8xf32, #tpu.memory_space<vmem_shared>>
      tpu.wait_indirect_dma semaphore(%arg25 : memref<!tpu.dma_semaphore, #tpu.memory_space<semaphore_mem>>) src(%dma_wait3A_527 : memref<50000x8xf32, #tpu.memory_space<vmem_shared>>) dst(%dma_wait3A_522 : memref<128x8xf32, #tpu.memory_space<vmem>>)
      %dma_wait3A_528 = arith.constant 896 : i32
      %dma_wait3A_529 = arith.constant 0 : i32
      %dma_wait3A_530 = tpu.memref_slice %arg14[%dma_wait3A_528, %dma_wait3A_529] : memref<1024x8xf32, #tpu.memory_space<vmem>> -> memref<128x8xf32, #tpu.memory_space<vmem>>
      %dma_wait3A_531 = arith.constant 896 : i32
      %dma_wait3A_532 = tpu.memref_slice %arg10[%dma_wait3A_531] : memref<1024xi32, #tpu.memory_space<vmem>> -> memref<128xi32, #tpu.memory_space<vmem>>
      %dma_wait3A_533 = arith.constant 0 : i32
      %dma_wait3A_534 = arith.constant 0 : i32
      %dma_wait3A_535 = tpu.memref_slice %arg21[%dma_wait3A_533, %dma_wait3A_534] : memref<25000x8xf32, #tpu.memory_space<vmem_shared>> -> memref<25000x8xf32, #tpu.memory_space<vmem_shared>>
      tpu.wait_indirect_dma semaphore(%arg25 : memref<!tpu.dma_semaphore, #tpu.memory_space<semaphore_mem>>) src(%dma_wait3A_535 : memref<25000x8xf32, #tpu.memory_space<vmem_shared>>) dst(%dma_wait3A_530 : memref<128x8xf32, #tpu.memory_space<vmem>>)
      %add3A_536 = arith.constant 2 : i32
      %add3A_537 = arith.addi %add3A_400, %add3A_536 : i32
      %lt3A_538 = arith.constant 26 : i32
      %lt3A_539 = arith.cmpi slt, %add3A_537, %lt3A_538 : i32
      %convert_element_type3A_540 = arith.extui %lt3A_539 : i1 to i32
      %cond3A_541 = arith.constant 0 : i32
      %cond3A_542 = arith.cmpi ne, %convert_element_type3A_540, %cond3A_541 : i32
      scf.if %cond3A_542 {
        %add3A_563 = arith.constant 2 : i32
        %add3A_564 = arith.addi %add3A_400, %add3A_563 : i32
        %mul3A_565 = arith.constant 1024 : i32
        %mul3A_566 = arith.muli %add3A_564, %mul3A_565 : i32
        %min3A_567 = arith.constant 23976 : i32
        %min3A_568 = arith.minsi %mul3A_566, %min3A_567 : i32
        %add3A_569 = arith.addi %mul3A_2, %min3A_568 : i32
        %dma_start3A_570 = arith.constant 0 : i32
        %dma_start3A_571 = tpu.memref_slice %arg4[%dma_start3A_570, %add3A_569] : memref<2x800000xi32, #tpu.memory_space<hbm>> -> memref<1x1024xi32, #tpu.memory_space<hbm>>
        %dma_start3A_572 = tpu.memref_squeeze %dma_start3A_571 : memref<1x1024xi32, #tpu.memory_space<hbm>> -> memref<1024xi32, #tpu.memory_space<hbm>>
        %dma_start3A_573 = tpu.memref_slice %arg4[%dma_start3A_570, %add3A_569] : memref<2x800000xi32, #tpu.memory_space<hbm>> -> memref<1x1024xi32, #tpu.memory_space<hbm>>
        %dma_start3A_574 = tpu.memref_squeeze %dma_start3A_573 : memref<1x1024xi32, #tpu.memory_space<hbm>> -> memref<1024xi32, #tpu.memory_space<hbm>>
        tpu.enqueue_dma source(%dma_start3A_574 : memref<1024xi32, #tpu.memory_space<hbm>>) target(%arg8 : memref<1024xi32, #tpu.memory_space<vmem>>) target_semaphore(%arg23 : memref<!tpu.dma_semaphore, #tpu.memory_space<semaphore_mem>>)
        %dma_start3A_575 = arith.constant 1 : i32
        %dma_start3A_576 = tpu.memref_slice %arg4[%dma_start3A_575, %add3A_569] : memref<2x800000xi32, #tpu.memory_space<hbm>> -> memref<1x1024xi32, #tpu.memory_space<hbm>>
        %dma_start3A_577 = tpu.memref_squeeze %dma_start3A_576 : memref<1x1024xi32, #tpu.memory_space<hbm>> -> memref<1024xi32, #tpu.memory_space<hbm>>
        %dma_start3A_578 = tpu.memref_slice %arg4[%dma_start3A_575, %add3A_569] : memref<2x800000xi32, #tpu.memory_space<hbm>> -> memref<1x1024xi32, #tpu.memory_space<hbm>>
        %dma_start3A_579 = tpu.memref_squeeze %dma_start3A_578 : memref<1x1024xi32, #tpu.memory_space<hbm>> -> memref<1024xi32, #tpu.memory_space<hbm>>
        tpu.enqueue_dma source(%dma_start3A_579 : memref<1024xi32, #tpu.memory_space<hbm>>) target(%arg10 : memref<1024xi32, #tpu.memory_space<vmem>>) target_semaphore(%arg23 : memref<!tpu.dma_semaphore, #tpu.memory_space<semaphore_mem>>)
      } else {
      }
      %ge3A_543 = arith.constant 2 : i32
      %ge3A_544 = arith.cmpi sge, %add3A_400, %ge3A_543 : i32
      %convert_element_type3A_545 = arith.extui %ge3A_544 : i1 to i32
      %cond3A_546 = arith.constant 0 : i32
      %cond3A_547 = arith.cmpi ne, %convert_element_type3A_545, %cond3A_546 : i32
      scf.if %cond3A_547 {
        %sub3A = arith.constant 2 : i32
        %sub3A_563 = arith.subi %add3A_400, %sub3A : i32
        %mul3A_564 = arith.constant 1024 : i32
        %mul3A_565 = arith.muli %sub3A_563, %mul3A_564 : i32
        %min3A_566 = arith.constant 23976 : i32
        %min3A_567 = arith.minsi %mul3A_565, %min3A_566 : i32
        %add3A_568 = arith.addi %mul3A_2, %min3A_567 : i32
        %dma_wait3A_569 = arith.constant 0 : i32
        %dma_wait3A_570 = tpu.memref_slice %arg6[%add3A_568, %dma_wait3A_569] : memref<800000x6xf32, #tpu.memory_space<hbm>> -> memref<1024x6xf32, #tpu.memory_space<hbm>>
        %dma_wait3A_571 = arith.constant 0 : i32
        %dma_wait3A_572 = tpu.memref_slice %arg6[%add3A_568, %dma_wait3A_571] : memref<800000x6xf32, #tpu.memory_space<hbm>> -> memref<1024x6xf32, #tpu.memory_space<hbm>>
        tpu.wait_dma2 semaphore(%arg27 : memref<!tpu.dma_semaphore, #tpu.memory_space<semaphore_mem>>) src(%arg16 : memref<1024x6xf32, #tpu.memory_space<vmem>>) dst(%dma_wait3A_572 : memref<1024x6xf32, #tpu.memory_space<hbm>>)
      } else {
      }
      %scan3A_548 = arith.constant 0 : i32
      %scan3A_549 = arith.constant 0 : i32
      %scan3A_550 = arith.constant 64 : i32
      %scan3A_551 = arith.addi %scan3A_549, %scan3A_550 : i32
      %scan3A_552 = arith.constant 1 : i32
      scf.for %scan3A_563 = %scan3A_549 to %scan3A_551 step %scan3A_552  : i32 {
        %mul3A_564 = arith.constant 16 : i32
        %mul3A_565 = arith.muli %scan3A_563, %mul3A_564 : i32
        %add3A_566 = vector.broadcast %mul3A_565 : i32 to vector<16xi32>
        %add3A_567 = arith.addi %iota3A, %add3A_566 : vector<16xi32>
        %broadcast_in_dim3A = arith.constant 0 : i32
        %broadcast_in_dim3A_568 = vector.broadcast %broadcast_in_dim3A : i32 to vector<16xi32>
        %gather3A = tpu.vector_load_idx %arg12[%add3A_567, %broadcast_in_dim3A_568] : memref<1024x8xf32, #tpu.memory_space<vmem>>[vector<16xi32>, vector<16xi32>], vector<16xf32>,
        %broadcast_in_dim3A_569 = arith.constant 1 : i32
        %broadcast_in_dim3A_570 = vector.broadcast %broadcast_in_dim3A_569 : i32 to vector<16xi32>
        %gather3A_571 = tpu.vector_load_idx %arg12[%add3A_567, %broadcast_in_dim3A_570] : memref<1024x8xf32, #tpu.memory_space<vmem>>[vector<16xi32>, vector<16xi32>], vector<16xf32>,
        %broadcast_in_dim3A_572 = arith.constant 2 : i32
        %broadcast_in_dim3A_573 = vector.broadcast %broadcast_in_dim3A_572 : i32 to vector<16xi32>
        %gather3A_574 = tpu.vector_load_idx %arg12[%add3A_567, %broadcast_in_dim3A_573] : memref<1024x8xf32, #tpu.memory_space<vmem>>[vector<16xi32>, vector<16xi32>], vector<16xf32>,
        %broadcast_in_dim3A_575 = arith.constant 3 : i32
        %broadcast_in_dim3A_576 = vector.broadcast %broadcast_in_dim3A_575 : i32 to vector<16xi32>
        %gather3A_577 = tpu.vector_load_idx %arg12[%add3A_567, %broadcast_in_dim3A_576] : memref<1024x8xf32, #tpu.memory_space<vmem>>[vector<16xi32>, vector<16xi32>], vector<16xf32>,
        %broadcast_in_dim3A_578 = arith.constant 4 : i32
        %broadcast_in_dim3A_579 = vector.broadcast %broadcast_in_dim3A_578 : i32 to vector<16xi32>
        %gather3A_580 = tpu.vector_load_idx %arg12[%add3A_567, %broadcast_in_dim3A_579] : memref<1024x8xf32, #tpu.memory_space<vmem>>[vector<16xi32>, vector<16xi32>], vector<16xf32>,
        %broadcast_in_dim3A_581 = arith.constant 5 : i32
        %broadcast_in_dim3A_582 = vector.broadcast %broadcast_in_dim3A_581 : i32 to vector<16xi32>
        %gather3A_583 = tpu.vector_load_idx %arg12[%add3A_567, %broadcast_in_dim3A_582] : memref<1024x8xf32, #tpu.memory_space<vmem>>[vector<16xi32>, vector<16xi32>], vector<16xf32>,
        %broadcast_in_dim3A_584 = arith.constant 6 : i32
        %broadcast_in_dim3A_585 = vector.broadcast %broadcast_in_dim3A_584 : i32 to vector<16xi32>
        %gather3A_586 = tpu.vector_load_idx %arg12[%add3A_567, %broadcast_in_dim3A_585] : memref<1024x8xf32, #tpu.memory_space<vmem>>[vector<16xi32>, vector<16xi32>], vector<16xf32>,
        %broadcast_in_dim3A_587 = arith.constant 7 : i32
        %broadcast_in_dim3A_588 = vector.broadcast %broadcast_in_dim3A_587 : i32 to vector<16xi32>
        %gather3A_589 = tpu.vector_load_idx %arg12[%add3A_567, %broadcast_in_dim3A_588] : memref<1024x8xf32, #tpu.memory_space<vmem>>[vector<16xi32>, vector<16xi32>], vector<16xf32>,
        %broadcast_in_dim3A_590 = arith.constant 0 : i32
        %broadcast_in_dim3A_591 = vector.broadcast %broadcast_in_dim3A_590 : i32 to vector<16xi32>
        %gather3A_592 = tpu.vector_load_idx %arg14[%add3A_567, %broadcast_in_dim3A_591] : memref<1024x8xf32, #tpu.memory_space<vmem>>[vector<16xi32>, vector<16xi32>], vector<16xf32>,
        %broadcast_in_dim3A_593 = arith.constant 1 : i32
        %broadcast_in_dim3A_594 = vector.broadcast %broadcast_in_dim3A_593 : i32 to vector<16xi32>
        %gather3A_595 = tpu.vector_load_idx %arg14[%add3A_567, %broadcast_in_dim3A_594] : memref<1024x8xf32, #tpu.memory_space<vmem>>[vector<16xi32>, vector<16xi32>], vector<16xf32>,
        %broadcast_in_dim3A_596 = arith.constant 2 : i32
        %broadcast_in_dim3A_597 = vector.broadcast %broadcast_in_dim3A_596 : i32 to vector<16xi32>
        %gather3A_598 = tpu.vector_load_idx %arg14[%add3A_567, %broadcast_in_dim3A_597] : memref<1024x8xf32, #tpu.memory_space<vmem>>[vector<16xi32>, vector<16xi32>], vector<16xf32>,
        %broadcast_in_dim3A_599 = arith.constant 3 : i32
        %broadcast_in_dim3A_600 = vector.broadcast %broadcast_in_dim3A_599 : i32 to vector<16xi32>
        %gather3A_601 = tpu.vector_load_idx %arg14[%add3A_567, %broadcast_in_dim3A_600] : memref<1024x8xf32, #tpu.memory_space<vmem>>[vector<16xi32>, vector<16xi32>], vector<16xf32>,
        %broadcast_in_dim3A_602 = arith.constant 4 : i32
        %broadcast_in_dim3A_603 = vector.broadcast %broadcast_in_dim3A_602 : i32 to vector<16xi32>
        %gather3A_604 = tpu.vector_load_idx %arg14[%add3A_567, %broadcast_in_dim3A_603] : memref<1024x8xf32, #tpu.memory_space<vmem>>[vector<16xi32>, vector<16xi32>], vector<16xf32>,
        %broadcast_in_dim3A_605 = arith.constant 5 : i32
        %broadcast_in_dim3A_606 = vector.broadcast %broadcast_in_dim3A_605 : i32 to vector<16xi32>
        %gather3A_607 = tpu.vector_load_idx %arg14[%add3A_567, %broadcast_in_dim3A_606] : memref<1024x8xf32, #tpu.memory_space<vmem>>[vector<16xi32>, vector<16xi32>], vector<16xf32>,
        %broadcast_in_dim3A_608 = arith.constant 6 : i32
        %broadcast_in_dim3A_609 = vector.broadcast %broadcast_in_dim3A_608 : i32 to vector<16xi32>
        %gather3A_610 = tpu.vector_load_idx %arg14[%add3A_567, %broadcast_in_dim3A_609] : memref<1024x8xf32, #tpu.memory_space<vmem>>[vector<16xi32>, vector<16xi32>], vector<16xf32>,
        %broadcast_in_dim3A_611 = arith.constant 7 : i32
        %broadcast_in_dim3A_612 = vector.broadcast %broadcast_in_dim3A_611 : i32 to vector<16xi32>
        %gather3A_613 = tpu.vector_load_idx %arg14[%add3A_567, %broadcast_in_dim3A_612] : memref<1024x8xf32, #tpu.memory_space<vmem>>[vector<16xi32>, vector<16xi32>], vector<16xf32>,
        %add3A_614 = arith.addf %gather3A_586, %gather3A_610 : vector<16xf32>
        %add3A_615 = arith.addf %gather3A_589, %gather3A_613 : vector<16xf32>
        %mul3A_616 = arith.mulf %add3A_614, %add3A_614 : vector<16xf32>
        %sub3A = arith.subf %add3A_615, %mul3A_616 : vector<16xf32>
        %add3A_617 = arith.constant 9.99999974E-6 : f32
        %add3A_618 = vector.broadcast %add3A_617 : f32 to vector<16xf32>
        %add3A_619 = arith.addf %sub3A, %add3A_618 : vector<16xf32>
        %bitcast3A = vector.bitcast %add3A_619 : vector<16xf32> to vector<16xi32>
        %shift_right_arithmetic3A = arith.constant 1 : i32
        %shift_right_arithmetic3A_620 = vector.broadcast %shift_right_arithmetic3A : i32 to vector<16xi32>
        %shift_right_arithmetic3A_621 = arith.shrsi %bitcast3A, %shift_right_arithmetic3A_620 : vector<16xi32>
        %sub3A_622 = arith.constant 1597463007 : i32
        %sub3A_623 = vector.broadcast %sub3A_622 : i32 to vector<16xi32>
        %sub3A_624 = arith.subi %sub3A_623, %shift_right_arithmetic3A_621 : vector<16xi32>
        %bitcast3A_625 = vector.bitcast %sub3A_624 : vector<16xi32> to vector<16xf32>
        %mul3A_626 = arith.constant 5.000000e-01 : f32
        %mul3A_627 = vector.broadcast %mul3A_626 : f32 to vector<16xf32>
        %mul3A_628 = arith.mulf %mul3A_627, %add3A_619 : vector<16xf32>
        %mul3A_629 = arith.mulf %mul3A_628, %bitcast3A_625 : vector<16xf32>
        %mul3A_630 = arith.mulf %mul3A_629, %bitcast3A_625 : vector<16xf32>
        %sub3A_631 = arith.constant 1.500000e+00 : f32
        %sub3A_632 = vector.broadcast %sub3A_631 : f32 to vector<16xf32>
        %sub3A_633 = arith.subf %sub3A_632, %mul3A_630 : vector<16xf32>
        %mul3A_634 = arith.mulf %bitcast3A_625, %sub3A_633 : vector<16xf32>
        %mul3A_635 = arith.constant 5.000000e-01 : f32
        %mul3A_636 = vector.broadcast %mul3A_635 : f32 to vector<16xf32>
        %mul3A_637 = arith.mulf %mul3A_636, %add3A_619 : vector<16xf32>
        %mul3A_638 = arith.mulf %mul3A_637, %mul3A_634 : vector<16xf32>
        %mul3A_639 = arith.mulf %mul3A_638, %mul3A_634 : vector<16xf32>
        %sub3A_640 = arith.constant 1.500000e+00 : f32
        %sub3A_641 = vector.broadcast %sub3A_640 : f32 to vector<16xf32>
        %sub3A_642 = arith.subf %sub3A_641, %mul3A_639 : vector<16xf32>
        %mul3A_643 = arith.mulf %mul3A_634, %sub3A_642 : vector<16xf32>
        %mul3A_644 = arith.constant 5.000000e-01 : f32
        %mul3A_645 = vector.broadcast %mul3A_644 : f32 to vector<16xf32>
        %mul3A_646 = arith.mulf %mul3A_645, %add3A_619 : vector<16xf32>
        %mul3A_647 = arith.mulf %mul3A_646, %mul3A_643 : vector<16xf32>
        %mul3A_648 = arith.mulf %mul3A_647, %mul3A_643 : vector<16xf32>
        %sub3A_649 = arith.constant 1.500000e+00 : f32
        %sub3A_650 = vector.broadcast %sub3A_649 : f32 to vector<16xf32>
        %sub3A_651 = arith.subf %sub3A_650, %mul3A_648 : vector<16xf32>
        %mul3A_652 = arith.mulf %mul3A_643, %sub3A_651 : vector<16xf32>
        %add3A_653 = arith.addf %gather3A, %gather3A_592 : vector<16xf32>
        %mul3A_654 = arith.mulf %add3A_653, %mul3A_652 : vector<16xf32>
        %add3A_655 = arith.addf %mul3A_654, %get3A_23 : vector<16xf32>
        %neg3A = arith.constant 0.000000e+00 : f32
        %neg3A_656 = vector.broadcast %neg3A : f32 to vector<16xf32>
        %neg3A_657 = arith.subf %neg3A_656, %add3A_655 : vector<16xf32>
        %exp3A = math.exp %neg3A_657 : vector<16xf32>
        %add3A_658 = arith.constant 1.000000e+00 : f32
        %add3A_659 = vector.broadcast %add3A_658 : f32 to vector<16xf32>
        %add3A_660 = arith.addf %add3A_659, %exp3A : vector<16xf32>
        %div3A = arith.constant 1.000000e+00 : f32
        %div3A_661 = vector.broadcast %div3A : f32 to vector<16xf32>
        %div3A_662 = arith.divf %div3A_661, %add3A_660 : vector<16xf32>
        %broadcast_in_dim3A_663 = arith.constant 0 : i32
        %broadcast_in_dim3A_664 = vector.broadcast %broadcast_in_dim3A_663 : i32 to vector<16xi32>
        tpu.vector_store_idx %arg16[%add3A_567, %broadcast_in_dim3A_664], %div3A_662 : memref<1024x6xf32, #tpu.memory_space<vmem>>[vector<16xi32>, vector<16xi32>], vector<16xf32>,
        %add3A_665 = arith.addf %gather3A_571, %gather3A_595 : vector<16xf32>
        %mul3A_666 = arith.mulf %add3A_665, %mul3A_652 : vector<16xf32>
        %add3A_667 = arith.addf %mul3A_666, %get3A_27 : vector<16xf32>
        %neg3A_668 = arith.constant 0.000000e+00 : f32
        %neg3A_669 = vector.broadcast %neg3A_668 : f32 to vector<16xf32>
        %neg3A_670 = arith.subf %neg3A_669, %add3A_667 : vector<16xf32>
        %exp3A_671 = math.exp %neg3A_670 : vector<16xf32>
        %add3A_672 = arith.constant 1.000000e+00 : f32
        %add3A_673 = vector.broadcast %add3A_672 : f32 to vector<16xf32>
        %add3A_674 = arith.addf %add3A_673, %exp3A_671 : vector<16xf32>
        %div3A_675 = arith.constant 1.000000e+00 : f32
        %div3A_676 = vector.broadcast %div3A_675 : f32 to vector<16xf32>
        %div3A_677 = arith.divf %div3A_676, %add3A_674 : vector<16xf32>
        %broadcast_in_dim3A_678 = arith.constant 1 : i32
        %broadcast_in_dim3A_679 = vector.broadcast %broadcast_in_dim3A_678 : i32 to vector<16xi32>
        tpu.vector_store_idx %arg16[%add3A_567, %broadcast_in_dim3A_679], %div3A_677 : memref<1024x6xf32, #tpu.memory_space<vmem>>[vector<16xi32>, vector<16xi32>], vector<16xf32>,
        %add3A_680 = arith.addf %gather3A_574, %gather3A_598 : vector<16xf32>
        %mul3A_681 = arith.mulf %add3A_680, %mul3A_652 : vector<16xf32>
        %add3A_682 = arith.addf %mul3A_681, %get3A_31 : vector<16xf32>
        %neg3A_683 = arith.constant 0.000000e+00 : f32
        %neg3A_684 = vector.broadcast %neg3A_683 : f32 to vector<16xf32>
        %neg3A_685 = arith.subf %neg3A_684, %add3A_682 : vector<16xf32>
        %exp3A_686 = math.exp %neg3A_685 : vector<16xf32>
        %add3A_687 = arith.constant 1.000000e+00 : f32
        %add3A_688 = vector.broadcast %add3A_687 : f32 to vector<16xf32>
        %add3A_689 = arith.addf %add3A_688, %exp3A_686 : vector<16xf32>
        %div3A_690 = arith.constant 1.000000e+00 : f32
        %div3A_691 = vector.broadcast %div3A_690 : f32 to vector<16xf32>
        %div3A_692 = arith.divf %div3A_691, %add3A_689 : vector<16xf32>
        %broadcast_in_dim3A_693 = arith.constant 2 : i32
        %broadcast_in_dim3A_694 = vector.broadcast %broadcast_in_dim3A_693 : i32 to vector<16xi32>
        tpu.vector_store_idx %arg16[%add3A_567, %broadcast_in_dim3A_694], %div3A_692 : memref<1024x6xf32, #tpu.memory_space<vmem>>[vector<16xi32>, vector<16xi32>], vector<16xf32>,
        %add3A_695 = arith.addf %gather3A_577, %gather3A_601 : vector<16xf32>
        %mul3A_696 = arith.mulf %add3A_695, %mul3A_652 : vector<16xf32>
        %add3A_697 = arith.addf %mul3A_696, %get3A_35 : vector<16xf32>
        %neg3A_698 = arith.constant 0.000000e+00 : f32
        %neg3A_699 = vector.broadcast %neg3A_698 : f32 to vector<16xf32>
        %neg3A_700 = arith.subf %neg3A_699, %add3A_697 : vector<16xf32>
        %exp3A_701 = math.exp %neg3A_700 : vector<16xf32>
        %add3A_702 = arith.constant 1.000000e+00 : f32
        %add3A_703 = vector.broadcast %add3A_702 : f32 to vector<16xf32>
        %add3A_704 = arith.addf %add3A_703, %exp3A_701 : vector<16xf32>
        %div3A_705 = arith.constant 1.000000e+00 : f32
        %div3A_706 = vector.broadcast %div3A_705 : f32 to vector<16xf32>
        %div3A_707 = arith.divf %div3A_706, %add3A_704 : vector<16xf32>
        %broadcast_in_dim3A_708 = arith.constant 3 : i32
        %broadcast_in_dim3A_709 = vector.broadcast %broadcast_in_dim3A_708 : i32 to vector<16xi32>
        tpu.vector_store_idx %arg16[%add3A_567, %broadcast_in_dim3A_709], %div3A_707 : memref<1024x6xf32, #tpu.memory_space<vmem>>[vector<16xi32>, vector<16xi32>], vector<16xf32>,
        %add3A_710 = arith.addf %gather3A_580, %gather3A_604 : vector<16xf32>
        %mul3A_711 = arith.mulf %add3A_710, %mul3A_652 : vector<16xf32>
        %add3A_712 = arith.addf %mul3A_711, %get3A_39 : vector<16xf32>
        %neg3A_713 = arith.constant 0.000000e+00 : f32
        %neg3A_714 = vector.broadcast %neg3A_713 : f32 to vector<16xf32>
        %neg3A_715 = arith.subf %neg3A_714, %add3A_712 : vector<16xf32>
        %exp3A_716 = math.exp %neg3A_715 : vector<16xf32>
        %add3A_717 = arith.constant 1.000000e+00 : f32
        %add3A_718 = vector.broadcast %add3A_717 : f32 to vector<16xf32>
        %add3A_719 = arith.addf %add3A_718, %exp3A_716 : vector<16xf32>
        %div3A_720 = arith.constant 1.000000e+00 : f32
        %div3A_721 = vector.broadcast %div3A_720 : f32 to vector<16xf32>
        %div3A_722 = arith.divf %div3A_721, %add3A_719 : vector<16xf32>
        %broadcast_in_dim3A_723 = arith.constant 4 : i32
        %broadcast_in_dim3A_724 = vector.broadcast %broadcast_in_dim3A_723 : i32 to vector<16xi32>
        tpu.vector_store_idx %arg16[%add3A_567, %broadcast_in_dim3A_724], %div3A_722 : memref<1024x6xf32, #tpu.memory_space<vmem>>[vector<16xi32>, vector<16xi32>], vector<16xf32>,
        %add3A_725 = arith.addf %gather3A_583, %gather3A_607 : vector<16xf32>
        %mul3A_726 = arith.mulf %add3A_725, %mul3A_652 : vector<16xf32>
        %add3A_727 = arith.addf %mul3A_726, %get3A_43 : vector<16xf32>
        %neg3A_728 = arith.constant 0.000000e+00 : f32
        %neg3A_729 = vector.broadcast %neg3A_728 : f32 to vector<16xf32>
        %neg3A_730 = arith.subf %neg3A_729, %add3A_727 : vector<16xf32>
        %exp3A_731 = math.exp %neg3A_730 : vector<16xf32>
        %add3A_732 = arith.constant 1.000000e+00 : f32
        %add3A_733 = vector.broadcast %add3A_732 : f32 to vector<16xf32>
        %add3A_734 = arith.addf %add3A_733, %exp3A_731 : vector<16xf32>
        %div3A_735 = arith.constant 1.000000e+00 : f32
        %div3A_736 = vector.broadcast %div3A_735 : f32 to vector<16xf32>
        %div3A_737 = arith.divf %div3A_736, %add3A_734 : vector<16xf32>
        %broadcast_in_dim3A_738 = arith.constant 5 : i32
        %broadcast_in_dim3A_739 = vector.broadcast %broadcast_in_dim3A_738 : i32 to vector<16xi32>
        tpu.vector_store_idx %arg16[%add3A_567, %broadcast_in_dim3A_739], %div3A_737 : memref<1024x6xf32, #tpu.memory_space<vmem>>[vector<16xi32>, vector<16xi32>], vector<16xf32>,
      }
      %scan3A_553 = arith.constant 64 : i32
      %mul3A_554 = arith.constant 1024 : i32
      %mul3A_555 = arith.muli %add3A_400, %mul3A_554 : i32
      %min3A_556 = arith.constant 23976 : i32
      %min3A_557 = arith.minsi %mul3A_555, %min3A_556 : i32
      %add3A_558 = arith.addi %mul3A_2, %min3A_557 : i32
      %dma_start3A_559 = arith.constant 0 : i32
      %dma_start3A_560 = tpu.memref_slice %arg6[%add3A_558, %dma_start3A_559] : memref<800000x6xf32, #tpu.memory_space<hbm>> -> memref<1024x6xf32, #tpu.memory_space<hbm>>
      %dma_start3A_561 = arith.constant 0 : i32
      %dma_start3A_562 = tpu.memref_slice %arg6[%add3A_558, %dma_start3A_561] : memref<800000x6xf32, #tpu.memory_space<hbm>> -> memref<1024x6xf32, #tpu.memory_space<hbm>>
      tpu.enqueue_dma source(%arg16 : memref<1024x6xf32, #tpu.memory_space<vmem>>) target(%dma_start3A_562 : memref<1024x6xf32, #tpu.memory_space<hbm>>) target_semaphore(%arg27 : memref<!tpu.dma_semaphore, #tpu.memory_space<semaphore_mem>>)
    }
    %scan3A_217 = arith.constant 13 : i32
    %min3A_218 = arith.constant 24576 : i32
    %min3A_219 = arith.constant 23976 : i32
    %min3A_220 = arith.minsi %min3A_218, %min3A_219 : i32
    %add3A_221 = arith.addi %mul3A_2, %min3A_220 : i32
    %dma_wait3A_222 = arith.constant 0 : i32
    %dma_wait3A_223 = tpu.memref_slice %arg6[%add3A_221, %dma_wait3A_222] : memref<800000x6xf32, #tpu.memory_space<hbm>> -> memref<1024x6xf32, #tpu.memory_space<hbm>>
    %dma_wait3A_224 = arith.constant 0 : i32
    %dma_wait3A_225 = tpu.memref_slice %arg6[%add3A_221, %dma_wait3A_224] : memref<800000x6xf32, #tpu.memory_space<hbm>> -> memref<1024x6xf32, #tpu.memory_space<hbm>>
    tpu.wait_dma2 semaphore(%arg26 : memref<!tpu.dma_semaphore, #tpu.memory_space<semaphore_mem>>) src(%arg15 : memref<1024x6xf32, #tpu.memory_space<vmem>>) dst(%dma_wait3A_225 : memref<1024x6xf32, #tpu.memory_space<hbm>>)
    %min3A_226 = arith.constant 25600 : i32
    %min3A_227 = arith.constant 23976 : i32
    %min3A_228 = arith.minsi %min3A_226, %min3A_227 : i32
    %add3A_229 = arith.addi %mul3A_2, %min3A_228 : i32
    %dma_wait3A_230 = arith.constant 0 : i32
    %dma_wait3A_231 = tpu.memref_slice %arg6[%add3A_229, %dma_wait3A_230] : memref<800000x6xf32, #tpu.memory_space<hbm>> -> memref<1024x6xf32, #tpu.memory_space<hbm>>
    %dma_wait3A_232 = arith.constant 0 : i32
    %dma_wait3A_233 = tpu.memref_slice %arg6[%add3A_229, %dma_wait3A_232] : memref<800000x6xf32, #tpu.memory_space<hbm>> -> memref<1024x6xf32, #tpu.memory_space<hbm>>
    tpu.wait_dma2 semaphore(%arg27 : memref<!tpu.dma_semaphore, #tpu.memory_space<semaphore_mem>>) src(%arg16 : memref<1024x6xf32, #tpu.memory_space<vmem>>) dst(%dma_wait3A_233 : memref<1024x6xf32, #tpu.memory_space<hbm>>)
    return
  }
}

module attributes {stable_mosaic.version = 14 : i64} {
  func.func @_table_tc_kernel(%arg0: i32, %arg1: memref<64x12288xf32, #tpu.memory_space<vmem>>, %arg2: memref<16x64xf32, #tpu.memory_space<vmem>>, %arg3: memref<768x128xf32, #tpu.memory_space<vmem>>, %arg4: memref<16x2048xf32, #tpu.memory_space<vmem>>) attributes {dimension_semantics = [#tpu.dimension_semantics<arbitrary>], iteration_bounds = array<i64: 25>, scalar_prefetch = 0 : i64, scratch_operands = 0 : i64, tpu.core_type = #tpu.core_type<tc>, window_params = [{transform_indices = @transform_0, window_bounds = array<i64: 64, 12288>}, {pipeline_mode = #tpu.pipeline_mode<synchronous>, transform_indices = @transform_1, window_bounds = array<i64: 16, 64>}, {pipeline_mode = #tpu.pipeline_mode<synchronous>, transform_indices = @transform_2, window_bounds = array<i64: 768, 128>}, {transform_indices = @transform_3, window_bounds = array<i64: 16, 2048>}]} {
    %get3A = arith.constant 0 : index
    %get3A_0 = arith.constant 0 : index
    %get3A_1 = vector.load %arg1[%get3A, %get3A_0] : memref<64x12288xf32, #tpu.memory_space<vmem>>, vector<64x768xf32>
    %get3A_2 = arith.constant 0 : index
    %get3A_3 = arith.constant 0 : index
    %get3A_4 = vector.load %arg3[%get3A_2, %get3A_3] : memref<768x128xf32, #tpu.memory_space<vmem>>, vector<768x128xf32>
    %dot_general3A = arith.constant dense<0.000000e+00> : vector<64x128xf32>
    %dot_general3A_5 = tpu.matmul %get3A_1, %get3A_4, %dot_general3A {dimension_numbers = #tpu.dot_dimension_numbers<[1], [0], [0], [1], [0, 0, 1, 1], [], []>, transpose_lhs_hint = false} : vector<64x768xf32>, vector<768x128xf32>, vector<64x128xf32> -> vector<64x128xf32>
    %get3A_6 = arith.constant 0 : index
    %get3A_7 = arith.constant 768 : index
    %get3A_8 = vector.load %arg1[%get3A_6, %get3A_7] : memref<64x12288xf32, #tpu.memory_space<vmem>>, vector<64x768xf32>
    %get3A_9 = arith.constant 0 : index
    %get3A_10 = arith.constant 0 : index
    %get3A_11 = vector.load %arg3[%get3A_9, %get3A_10] : memref<768x128xf32, #tpu.memory_space<vmem>>, vector<768x128xf32>
    %dot_general3A_12 = arith.constant dense<0.000000e+00> : vector<64x128xf32>
    %dot_general3A_13 = tpu.matmul %get3A_8, %get3A_11, %dot_general3A_12 {dimension_numbers = #tpu.dot_dimension_numbers<[1], [0], [0], [1], [0, 0, 1, 1], [], []>, transpose_lhs_hint = false} : vector<64x768xf32>, vector<768x128xf32>, vector<64x128xf32> -> vector<64x128xf32>
    %get3A_14 = arith.constant 0 : index
    %get3A_15 = arith.constant 1536 : index
    %get3A_16 = vector.load %arg1[%get3A_14, %get3A_15] : memref<64x12288xf32, #tpu.memory_space<vmem>>, vector<64x768xf32>
    %get3A_17 = arith.constant 0 : index
    %get3A_18 = arith.constant 0 : index
    %get3A_19 = vector.load %arg3[%get3A_17, %get3A_18] : memref<768x128xf32, #tpu.memory_space<vmem>>, vector<768x128xf32>
    %dot_general3A_20 = arith.constant dense<0.000000e+00> : vector<64x128xf32>
    %dot_general3A_21 = tpu.matmul %get3A_16, %get3A_19, %dot_general3A_20 {dimension_numbers = #tpu.dot_dimension_numbers<[1], [0], [0], [1], [0, 0, 1, 1], [], []>, transpose_lhs_hint = false} : vector<64x768xf32>, vector<768x128xf32>, vector<64x128xf32> -> vector<64x128xf32>
    %get3A_22 = arith.constant 0 : index
    %get3A_23 = arith.constant 2304 : index
    %get3A_24 = vector.load %arg1[%get3A_22, %get3A_23] : memref<64x12288xf32, #tpu.memory_space<vmem>>, vector<64x768xf32>
    %get3A_25 = arith.constant 0 : index
    %get3A_26 = arith.constant 0 : index
    %get3A_27 = vector.load %arg3[%get3A_25, %get3A_26] : memref<768x128xf32, #tpu.memory_space<vmem>>, vector<768x128xf32>
    %dot_general3A_28 = arith.constant dense<0.000000e+00> : vector<64x128xf32>
    %dot_general3A_29 = tpu.matmul %get3A_24, %get3A_27, %dot_general3A_28 {dimension_numbers = #tpu.dot_dimension_numbers<[1], [0], [0], [1], [0, 0, 1, 1], [], []>, transpose_lhs_hint = false} : vector<64x768xf32>, vector<768x128xf32>, vector<64x128xf32> -> vector<64x128xf32>
    %get3A_30 = arith.constant 0 : index
    %get3A_31 = arith.constant 3072 : index
    %get3A_32 = vector.load %arg1[%get3A_30, %get3A_31] : memref<64x12288xf32, #tpu.memory_space<vmem>>, vector<64x768xf32>
    %get3A_33 = arith.constant 0 : index
    %get3A_34 = arith.constant 0 : index
    %get3A_35 = vector.load %arg3[%get3A_33, %get3A_34] : memref<768x128xf32, #tpu.memory_space<vmem>>, vector<768x128xf32>
    %dot_general3A_36 = arith.constant dense<0.000000e+00> : vector<64x128xf32>
    %dot_general3A_37 = tpu.matmul %get3A_32, %get3A_35, %dot_general3A_36 {dimension_numbers = #tpu.dot_dimension_numbers<[1], [0], [0], [1], [0, 0, 1, 1], [], []>, transpose_lhs_hint = false} : vector<64x768xf32>, vector<768x128xf32>, vector<64x128xf32> -> vector<64x128xf32>
    %get3A_38 = arith.constant 0 : index
    %get3A_39 = arith.constant 3840 : index
    %get3A_40 = vector.load %arg1[%get3A_38, %get3A_39] : memref<64x12288xf32, #tpu.memory_space<vmem>>, vector<64x768xf32>
    %get3A_41 = arith.constant 0 : index
    %get3A_42 = arith.constant 0 : index
    %get3A_43 = vector.load %arg3[%get3A_41, %get3A_42] : memref<768x128xf32, #tpu.memory_space<vmem>>, vector<768x128xf32>
    %dot_general3A_44 = arith.constant dense<0.000000e+00> : vector<64x128xf32>
    %dot_general3A_45 = tpu.matmul %get3A_40, %get3A_43, %dot_general3A_44 {dimension_numbers = #tpu.dot_dimension_numbers<[1], [0], [0], [1], [0, 0, 1, 1], [], []>, transpose_lhs_hint = false} : vector<64x768xf32>, vector<768x128xf32>, vector<64x128xf32> -> vector<64x128xf32>
    %get3A_46 = arith.constant 0 : index
    %get3A_47 = arith.constant 4608 : index
    %get3A_48 = vector.load %arg1[%get3A_46, %get3A_47] : memref<64x12288xf32, #tpu.memory_space<vmem>>, vector<64x768xf32>
    %get3A_49 = arith.constant 0 : index
    %get3A_50 = arith.constant 0 : index
    %get3A_51 = vector.load %arg3[%get3A_49, %get3A_50] : memref<768x128xf32, #tpu.memory_space<vmem>>, vector<768x128xf32>
    %dot_general3A_52 = arith.constant dense<0.000000e+00> : vector<64x128xf32>
    %dot_general3A_53 = tpu.matmul %get3A_48, %get3A_51, %dot_general3A_52 {dimension_numbers = #tpu.dot_dimension_numbers<[1], [0], [0], [1], [0, 0, 1, 1], [], []>, transpose_lhs_hint = false} : vector<64x768xf32>, vector<768x128xf32>, vector<64x128xf32> -> vector<64x128xf32>
    %get3A_54 = arith.constant 0 : index
    %get3A_55 = arith.constant 5376 : index
    %get3A_56 = vector.load %arg1[%get3A_54, %get3A_55] : memref<64x12288xf32, #tpu.memory_space<vmem>>, vector<64x768xf32>
    %get3A_57 = arith.constant 0 : index
    %get3A_58 = arith.constant 0 : index
    %get3A_59 = vector.load %arg3[%get3A_57, %get3A_58] : memref<768x128xf32, #tpu.memory_space<vmem>>, vector<768x128xf32>
    %dot_general3A_60 = arith.constant dense<0.000000e+00> : vector<64x128xf32>
    %dot_general3A_61 = tpu.matmul %get3A_56, %get3A_59, %dot_general3A_60 {dimension_numbers = #tpu.dot_dimension_numbers<[1], [0], [0], [1], [0, 0, 1, 1], [], []>, transpose_lhs_hint = false} : vector<64x768xf32>, vector<768x128xf32>, vector<64x128xf32> -> vector<64x128xf32>
    %get3A_62 = arith.constant 0 : index
    %get3A_63 = arith.constant 6144 : index
    %get3A_64 = vector.load %arg1[%get3A_62, %get3A_63] : memref<64x12288xf32, #tpu.memory_space<vmem>>, vector<64x768xf32>
    %get3A_65 = arith.constant 0 : index
    %get3A_66 = arith.constant 0 : index
    %get3A_67 = vector.load %arg3[%get3A_65, %get3A_66] : memref<768x128xf32, #tpu.memory_space<vmem>>, vector<768x128xf32>
    %dot_general3A_68 = arith.constant dense<0.000000e+00> : vector<64x128xf32>
    %dot_general3A_69 = tpu.matmul %get3A_64, %get3A_67, %dot_general3A_68 {dimension_numbers = #tpu.dot_dimension_numbers<[1], [0], [0], [1], [0, 0, 1, 1], [], []>, transpose_lhs_hint = false} : vector<64x768xf32>, vector<768x128xf32>, vector<64x128xf32> -> vector<64x128xf32>
    %get3A_70 = arith.constant 0 : index
    %get3A_71 = arith.constant 6912 : index
    %get3A_72 = vector.load %arg1[%get3A_70, %get3A_71] : memref<64x12288xf32, #tpu.memory_space<vmem>>, vector<64x768xf32>
    %get3A_73 = arith.constant 0 : index
    %get3A_74 = arith.constant 0 : index
    %get3A_75 = vector.load %arg3[%get3A_73, %get3A_74] : memref<768x128xf32, #tpu.memory_space<vmem>>, vector<768x128xf32>
    %dot_general3A_76 = arith.constant dense<0.000000e+00> : vector<64x128xf32>
    %dot_general3A_77 = tpu.matmul %get3A_72, %get3A_75, %dot_general3A_76 {dimension_numbers = #tpu.dot_dimension_numbers<[1], [0], [0], [1], [0, 0, 1, 1], [], []>, transpose_lhs_hint = false} : vector<64x768xf32>, vector<768x128xf32>, vector<64x128xf32> -> vector<64x128xf32>
    %get3A_78 = arith.constant 0 : index
    %get3A_79 = arith.constant 7680 : index
    %get3A_80 = vector.load %arg1[%get3A_78, %get3A_79] : memref<64x12288xf32, #tpu.memory_space<vmem>>, vector<64x768xf32>
    %get3A_81 = arith.constant 0 : index
    %get3A_82 = arith.constant 0 : index
    %get3A_83 = vector.load %arg3[%get3A_81, %get3A_82] : memref<768x128xf32, #tpu.memory_space<vmem>>, vector<768x128xf32>
    %dot_general3A_84 = arith.constant dense<0.000000e+00> : vector<64x128xf32>
    %dot_general3A_85 = tpu.matmul %get3A_80, %get3A_83, %dot_general3A_84 {dimension_numbers = #tpu.dot_dimension_numbers<[1], [0], [0], [1], [0, 0, 1, 1], [], []>, transpose_lhs_hint = false} : vector<64x768xf32>, vector<768x128xf32>, vector<64x128xf32> -> vector<64x128xf32>
    %get3A_86 = arith.constant 0 : index
    %get3A_87 = arith.constant 8448 : index
    %get3A_88 = vector.load %arg1[%get3A_86, %get3A_87] : memref<64x12288xf32, #tpu.memory_space<vmem>>, vector<64x768xf32>
    %get3A_89 = arith.constant 0 : index
    %get3A_90 = arith.constant 0 : index
    %get3A_91 = vector.load %arg3[%get3A_89, %get3A_90] : memref<768x128xf32, #tpu.memory_space<vmem>>, vector<768x128xf32>
    %dot_general3A_92 = arith.constant dense<0.000000e+00> : vector<64x128xf32>
    %dot_general3A_93 = tpu.matmul %get3A_88, %get3A_91, %dot_general3A_92 {dimension_numbers = #tpu.dot_dimension_numbers<[1], [0], [0], [1], [0, 0, 1, 1], [], []>, transpose_lhs_hint = false} : vector<64x768xf32>, vector<768x128xf32>, vector<64x128xf32> -> vector<64x128xf32>
    %get3A_94 = arith.constant 0 : index
    %get3A_95 = arith.constant 9216 : index
    %get3A_96 = vector.load %arg1[%get3A_94, %get3A_95] : memref<64x12288xf32, #tpu.memory_space<vmem>>, vector<64x768xf32>
    %get3A_97 = arith.constant 0 : index
    %get3A_98 = arith.constant 0 : index
    %get3A_99 = vector.load %arg3[%get3A_97, %get3A_98] : memref<768x128xf32, #tpu.memory_space<vmem>>, vector<768x128xf32>
    %dot_general3A_100 = arith.constant dense<0.000000e+00> : vector<64x128xf32>
    %dot_general3A_101 = tpu.matmul %get3A_96, %get3A_99, %dot_general3A_100 {dimension_numbers = #tpu.dot_dimension_numbers<[1], [0], [0], [1], [0, 0, 1, 1], [], []>, transpose_lhs_hint = false} : vector<64x768xf32>, vector<768x128xf32>, vector<64x128xf32> -> vector<64x128xf32>
    %get3A_102 = arith.constant 0 : index
    %get3A_103 = arith.constant 9984 : index
    %get3A_104 = vector.load %arg1[%get3A_102, %get3A_103] : memref<64x12288xf32, #tpu.memory_space<vmem>>, vector<64x768xf32>
    %get3A_105 = arith.constant 0 : index
    %get3A_106 = arith.constant 0 : index
    %get3A_107 = vector.load %arg3[%get3A_105, %get3A_106] : memref<768x128xf32, #tpu.memory_space<vmem>>, vector<768x128xf32>
    %dot_general3A_108 = arith.constant dense<0.000000e+00> : vector<64x128xf32>
    %dot_general3A_109 = tpu.matmul %get3A_104, %get3A_107, %dot_general3A_108 {dimension_numbers = #tpu.dot_dimension_numbers<[1], [0], [0], [1], [0, 0, 1, 1], [], []>, transpose_lhs_hint = false} : vector<64x768xf32>, vector<768x128xf32>, vector<64x128xf32> -> vector<64x128xf32>
    %get3A_110 = arith.constant 0 : index
    %get3A_111 = arith.constant 10752 : index
    %get3A_112 = vector.load %arg1[%get3A_110, %get3A_111] : memref<64x12288xf32, #tpu.memory_space<vmem>>, vector<64x768xf32>
    %get3A_113 = arith.constant 0 : index
    %get3A_114 = arith.constant 0 : index
    %get3A_115 = vector.load %arg3[%get3A_113, %get3A_114] : memref<768x128xf32, #tpu.memory_space<vmem>>, vector<768x128xf32>
    %dot_general3A_116 = arith.constant dense<0.000000e+00> : vector<64x128xf32>
    %dot_general3A_117 = tpu.matmul %get3A_112, %get3A_115, %dot_general3A_116 {dimension_numbers = #tpu.dot_dimension_numbers<[1], [0], [0], [1], [0, 0, 1, 1], [], []>, transpose_lhs_hint = false} : vector<64x768xf32>, vector<768x128xf32>, vector<64x128xf32> -> vector<64x128xf32>
    %get3A_118 = arith.constant 0 : index
    %get3A_119 = arith.constant 11520 : index
    %get3A_120 = vector.load %arg1[%get3A_118, %get3A_119] : memref<64x12288xf32, #tpu.memory_space<vmem>>, vector<64x768xf32>
    %get3A_121 = arith.constant 0 : index
    %get3A_122 = arith.constant 0 : index
    %get3A_123 = vector.load %arg3[%get3A_121, %get3A_122] : memref<768x128xf32, #tpu.memory_space<vmem>>, vector<768x128xf32>
    %dot_general3A_124 = arith.constant dense<0.000000e+00> : vector<64x128xf32>
    %dot_general3A_125 = tpu.matmul %get3A_120, %get3A_123, %dot_general3A_124 {dimension_numbers = #tpu.dot_dimension_numbers<[1], [0], [0], [1], [0, 0, 1, 1], [], []>, transpose_lhs_hint = false} : vector<64x768xf32>, vector<768x128xf32>, vector<64x128xf32> -> vector<64x128xf32>
    %concatenate3A = tpu.concatenate %dot_general3A_5, %dot_general3A_13, %dot_general3A_21, %dot_general3A_29, %dot_general3A_37, %dot_general3A_45, %dot_general3A_53, %dot_general3A_61, %dot_general3A_69, %dot_general3A_77, %dot_general3A_85, %dot_general3A_93, %dot_general3A_101, %dot_general3A_109, %dot_general3A_117, %dot_general3A_125 in 1 : vector<64x128xf32>, vector<64x128xf32>, vector<64x128xf32>, vector<64x128xf32>, vector<64x128xf32>, vector<64x128xf32>, vector<64x128xf32>, vector<64x128xf32>, vector<64x128xf32>, vector<64x128xf32>, vector<64x128xf32>, vector<64x128xf32>, vector<64x128xf32>, vector<64x128xf32>, vector<64x128xf32>, vector<64x128xf32> -> vector<64x2048xf32>
    %get3A_126 = arith.constant 0 : index
    %get3A_127 = arith.constant 0 : index
    %get3A_128 = vector.load %arg2[%get3A_126, %get3A_127] : memref<16x64xf32, #tpu.memory_space<vmem>>, vector<16x64xf32>
    %dot_general3A_129 = arith.constant dense<0.000000e+00> : vector<16x2048xf32>
    %dot_general3A_130 = tpu.matmul %get3A_128, %concatenate3A, %dot_general3A_129 {dimension_numbers = #tpu.dot_dimension_numbers<[1], [0], [0], [1], [0, 0, 1, 1], [], []>, transpose_lhs_hint = false} : vector<16x64xf32>, vector<64x2048xf32>, vector<16x2048xf32> -> vector<16x2048xf32>
    %mul3A = arith.mulf %concatenate3A, %concatenate3A : vector<64x2048xf32>
    %reduce_sum3A = arith.constant dense<0.000000e+00> : vector<2048xf32>
    %reduce_sum3A_131 = vector.multi_reduction <add>, %mul3A, %reduce_sum3A [0] : vector<64x2048xf32> to vector<2048xf32>
    %broadcast_in_dim3A = vector.shape_cast %reduce_sum3A_131 : vector<2048xf32> to vector<1x2048xf32>
    %mul3A_132 = arith.constant 7.812500e-03 : f32
    %mul3A_133 = vector.broadcast %mul3A_132 : f32 to vector<1x2048xf32>
    %mul3A_134 = arith.mulf %broadcast_in_dim3A, %mul3A_133 : vector<1x2048xf32>
    %iota3A = tpu.iota {dimensions = array<i32: 0>} : vector<16x2048xi32>
    %eq3A = arith.constant 7 : i32
    %eq3A_135 = vector.broadcast %eq3A : i32 to vector<16x2048xi32>
    %eq3A_136 = arith.cmpi eq, %iota3A, %eq3A_135 : vector<16x2048xi32>
    %broadcast_in_dim3A_137 = vector.shape_cast %mul3A_134 : vector<1x2048xf32> to vector<1x2048xf32>
    %broadcast_in_dim3A_138 = vector.broadcast %broadcast_in_dim3A_137 : vector<1x2048xf32> to vector<16x2048xf32>
    %select_n3A = arith.select %eq3A_136, %broadcast_in_dim3A_138, %dot_general3A_130 : vector<16x2048xi1>, vector<16x2048xf32>
    %swap3A = arith.constant 0 : index
    %swap3A_139 = arith.constant 0 : index
    %swap3A_140 = vector.load %arg4[%swap3A, %swap3A_139] : memref<16x2048xf32, #tpu.memory_space<vmem>>, vector<16x2048xf32>
    tpu.vector_store %arg4[%swap3A, %swap3A_139], %select_n3A {strides = array<i32>} : memref<16x2048xf32, #tpu.memory_space<vmem>>, vector<16x2048xf32>,
    return
  }
  func.func @transform_0(%arg0: i32) -> (i32, i32) {
    %c0_i32 = arith.constant 0 : i32
    %c0_i32_0 = arith.constant 0 : i32
    return %c0_i32, %arg0 : i32, i32
  }
  func.func @transform_1(%arg0: i32) -> (i32, i32) {
    %c0_i32 = arith.constant 0 : i32
    %c0_i32_0 = arith.constant 0 : i32
    %c0_i32_1 = arith.constant 0 : i32
    return %c0_i32, %c0_i32_0 : i32, i32
  }
  func.func @transform_2(%arg0: i32) -> (i32, i32) {
    %c0_i32 = arith.constant 0 : i32
    %c0_i32_0 = arith.constant 0 : i32
    %c0_i32_1 = arith.constant 0 : i32
    return %c0_i32, %c0_i32_0 : i32, i32
  }
  func.func @transform_3(%arg0: i32) -> (i32, i32) {
    %c0_i32 = arith.constant 0 : i32
    %c0_i32_0 = arith.constant 0 : i32
    return %c0_i32, %arg0 : i32, i32
  }
}

module attributes {stable_mosaic.version = 14 : i64} {
  func.func @_table_tc_kernel(%arg0: i32, %arg1: memref<64x12288xf32, #tpu.memory_space<vmem>>, %arg2: memref<16x64xf32, #tpu.memory_space<vmem>>, %arg3: memref<768x128xf32, #tpu.memory_space<vmem>>, %arg4: memref<16x2048xf32, #tpu.memory_space<vmem>>) attributes {dimension_semantics = [#tpu.dimension_semantics<arbitrary>], iteration_bounds = array<i64: 13>, scalar_prefetch = 0 : i64, scratch_operands = 0 : i64, tpu.core_type = #tpu.core_type<tc>, window_params = [{transform_indices = @transform_0, window_bounds = array<i64: 64, 12288>}, {pipeline_mode = #tpu.pipeline_mode<synchronous>, transform_indices = @transform_1, window_bounds = array<i64: 16, 64>}, {pipeline_mode = #tpu.pipeline_mode<synchronous>, transform_indices = @transform_2, window_bounds = array<i64: 768, 128>}, {transform_indices = @transform_3, window_bounds = array<i64: 16, 2048>}]} {
    %get3A = arith.constant 0 : index
    %get3A_0 = arith.constant 0 : index
    %get3A_1 = vector.load %arg1[%get3A, %get3A_0] : memref<64x12288xf32, #tpu.memory_space<vmem>>, vector<64x768xf32>
    %get3A_2 = arith.constant 0 : index
    %get3A_3 = arith.constant 0 : index
    %get3A_4 = vector.load %arg3[%get3A_2, %get3A_3] : memref<768x128xf32, #tpu.memory_space<vmem>>, vector<768x128xf32>
    %dot_general3A = arith.constant dense<0.000000e+00> : vector<64x128xf32>
    %dot_general3A_5 = tpu.matmul %get3A_1, %get3A_4, %dot_general3A {dimension_numbers = #tpu.dot_dimension_numbers<[1], [0], [0], [1], [0, 0, 1, 1], [], []>, transpose_lhs_hint = false} : vector<64x768xf32>, vector<768x128xf32>, vector<64x128xf32> -> vector<64x128xf32>
    %get3A_6 = arith.constant 0 : index
    %get3A_7 = arith.constant 768 : index
    %get3A_8 = vector.load %arg1[%get3A_6, %get3A_7] : memref<64x12288xf32, #tpu.memory_space<vmem>>, vector<64x768xf32>
    %get3A_9 = arith.constant 0 : index
    %get3A_10 = arith.constant 0 : index
    %get3A_11 = vector.load %arg3[%get3A_9, %get3A_10] : memref<768x128xf32, #tpu.memory_space<vmem>>, vector<768x128xf32>
    %dot_general3A_12 = arith.constant dense<0.000000e+00> : vector<64x128xf32>
    %dot_general3A_13 = tpu.matmul %get3A_8, %get3A_11, %dot_general3A_12 {dimension_numbers = #tpu.dot_dimension_numbers<[1], [0], [0], [1], [0, 0, 1, 1], [], []>, transpose_lhs_hint = false} : vector<64x768xf32>, vector<768x128xf32>, vector<64x128xf32> -> vector<64x128xf32>
    %get3A_14 = arith.constant 0 : index
    %get3A_15 = arith.constant 1536 : index
    %get3A_16 = vector.load %arg1[%get3A_14, %get3A_15] : memref<64x12288xf32, #tpu.memory_space<vmem>>, vector<64x768xf32>
    %get3A_17 = arith.constant 0 : index
    %get3A_18 = arith.constant 0 : index
    %get3A_19 = vector.load %arg3[%get3A_17, %get3A_18] : memref<768x128xf32, #tpu.memory_space<vmem>>, vector<768x128xf32>
    %dot_general3A_20 = arith.constant dense<0.000000e+00> : vector<64x128xf32>
    %dot_general3A_21 = tpu.matmul %get3A_16, %get3A_19, %dot_general3A_20 {dimension_numbers = #tpu.dot_dimension_numbers<[1], [0], [0], [1], [0, 0, 1, 1], [], []>, transpose_lhs_hint = false} : vector<64x768xf32>, vector<768x128xf32>, vector<64x128xf32> -> vector<64x128xf32>
    %get3A_22 = arith.constant 0 : index
    %get3A_23 = arith.constant 2304 : index
    %get3A_24 = vector.load %arg1[%get3A_22, %get3A_23] : memref<64x12288xf32, #tpu.memory_space<vmem>>, vector<64x768xf32>
    %get3A_25 = arith.constant 0 : index
    %get3A_26 = arith.constant 0 : index
    %get3A_27 = vector.load %arg3[%get3A_25, %get3A_26] : memref<768x128xf32, #tpu.memory_space<vmem>>, vector<768x128xf32>
    %dot_general3A_28 = arith.constant dense<0.000000e+00> : vector<64x128xf32>
    %dot_general3A_29 = tpu.matmul %get3A_24, %get3A_27, %dot_general3A_28 {dimension_numbers = #tpu.dot_dimension_numbers<[1], [0], [0], [1], [0, 0, 1, 1], [], []>, transpose_lhs_hint = false} : vector<64x768xf32>, vector<768x128xf32>, vector<64x128xf32> -> vector<64x128xf32>
    %get3A_30 = arith.constant 0 : index
    %get3A_31 = arith.constant 3072 : index
    %get3A_32 = vector.load %arg1[%get3A_30, %get3A_31] : memref<64x12288xf32, #tpu.memory_space<vmem>>, vector<64x768xf32>
    %get3A_33 = arith.constant 0 : index
    %get3A_34 = arith.constant 0 : index
    %get3A_35 = vector.load %arg3[%get3A_33, %get3A_34] : memref<768x128xf32, #tpu.memory_space<vmem>>, vector<768x128xf32>
    %dot_general3A_36 = arith.constant dense<0.000000e+00> : vector<64x128xf32>
    %dot_general3A_37 = tpu.matmul %get3A_32, %get3A_35, %dot_general3A_36 {dimension_numbers = #tpu.dot_dimension_numbers<[1], [0], [0], [1], [0, 0, 1, 1], [], []>, transpose_lhs_hint = false} : vector<64x768xf32>, vector<768x128xf32>, vector<64x128xf32> -> vector<64x128xf32>
    %get3A_38 = arith.constant 0 : index
    %get3A_39 = arith.constant 3840 : index
    %get3A_40 = vector.load %arg1[%get3A_38, %get3A_39] : memref<64x12288xf32, #tpu.memory_space<vmem>>, vector<64x768xf32>
    %get3A_41 = arith.constant 0 : index
    %get3A_42 = arith.constant 0 : index
    %get3A_43 = vector.load %arg3[%get3A_41, %get3A_42] : memref<768x128xf32, #tpu.memory_space<vmem>>, vector<768x128xf32>
    %dot_general3A_44 = arith.constant dense<0.000000e+00> : vector<64x128xf32>
    %dot_general3A_45 = tpu.matmul %get3A_40, %get3A_43, %dot_general3A_44 {dimension_numbers = #tpu.dot_dimension_numbers<[1], [0], [0], [1], [0, 0, 1, 1], [], []>, transpose_lhs_hint = false} : vector<64x768xf32>, vector<768x128xf32>, vector<64x128xf32> -> vector<64x128xf32>
    %get3A_46 = arith.constant 0 : index
    %get3A_47 = arith.constant 4608 : index
    %get3A_48 = vector.load %arg1[%get3A_46, %get3A_47] : memref<64x12288xf32, #tpu.memory_space<vmem>>, vector<64x768xf32>
    %get3A_49 = arith.constant 0 : index
    %get3A_50 = arith.constant 0 : index
    %get3A_51 = vector.load %arg3[%get3A_49, %get3A_50] : memref<768x128xf32, #tpu.memory_space<vmem>>, vector<768x128xf32>
    %dot_general3A_52 = arith.constant dense<0.000000e+00> : vector<64x128xf32>
    %dot_general3A_53 = tpu.matmul %get3A_48, %get3A_51, %dot_general3A_52 {dimension_numbers = #tpu.dot_dimension_numbers<[1], [0], [0], [1], [0, 0, 1, 1], [], []>, transpose_lhs_hint = false} : vector<64x768xf32>, vector<768x128xf32>, vector<64x128xf32> -> vector<64x128xf32>
    %get3A_54 = arith.constant 0 : index
    %get3A_55 = arith.constant 5376 : index
    %get3A_56 = vector.load %arg1[%get3A_54, %get3A_55] : memref<64x12288xf32, #tpu.memory_space<vmem>>, vector<64x768xf32>
    %get3A_57 = arith.constant 0 : index
    %get3A_58 = arith.constant 0 : index
    %get3A_59 = vector.load %arg3[%get3A_57, %get3A_58] : memref<768x128xf32, #tpu.memory_space<vmem>>, vector<768x128xf32>
    %dot_general3A_60 = arith.constant dense<0.000000e+00> : vector<64x128xf32>
    %dot_general3A_61 = tpu.matmul %get3A_56, %get3A_59, %dot_general3A_60 {dimension_numbers = #tpu.dot_dimension_numbers<[1], [0], [0], [1], [0, 0, 1, 1], [], []>, transpose_lhs_hint = false} : vector<64x768xf32>, vector<768x128xf32>, vector<64x128xf32> -> vector<64x128xf32>
    %get3A_62 = arith.constant 0 : index
    %get3A_63 = arith.constant 6144 : index
    %get3A_64 = vector.load %arg1[%get3A_62, %get3A_63] : memref<64x12288xf32, #tpu.memory_space<vmem>>, vector<64x768xf32>
    %get3A_65 = arith.constant 0 : index
    %get3A_66 = arith.constant 0 : index
    %get3A_67 = vector.load %arg3[%get3A_65, %get3A_66] : memref<768x128xf32, #tpu.memory_space<vmem>>, vector<768x128xf32>
    %dot_general3A_68 = arith.constant dense<0.000000e+00> : vector<64x128xf32>
    %dot_general3A_69 = tpu.matmul %get3A_64, %get3A_67, %dot_general3A_68 {dimension_numbers = #tpu.dot_dimension_numbers<[1], [0], [0], [1], [0, 0, 1, 1], [], []>, transpose_lhs_hint = false} : vector<64x768xf32>, vector<768x128xf32>, vector<64x128xf32> -> vector<64x128xf32>
    %get3A_70 = arith.constant 0 : index
    %get3A_71 = arith.constant 6912 : index
    %get3A_72 = vector.load %arg1[%get3A_70, %get3A_71] : memref<64x12288xf32, #tpu.memory_space<vmem>>, vector<64x768xf32>
    %get3A_73 = arith.constant 0 : index
    %get3A_74 = arith.constant 0 : index
    %get3A_75 = vector.load %arg3[%get3A_73, %get3A_74] : memref<768x128xf32, #tpu.memory_space<vmem>>, vector<768x128xf32>
    %dot_general3A_76 = arith.constant dense<0.000000e+00> : vector<64x128xf32>
    %dot_general3A_77 = tpu.matmul %get3A_72, %get3A_75, %dot_general3A_76 {dimension_numbers = #tpu.dot_dimension_numbers<[1], [0], [0], [1], [0, 0, 1, 1], [], []>, transpose_lhs_hint = false} : vector<64x768xf32>, vector<768x128xf32>, vector<64x128xf32> -> vector<64x128xf32>
    %get3A_78 = arith.constant 0 : index
    %get3A_79 = arith.constant 7680 : index
    %get3A_80 = vector.load %arg1[%get3A_78, %get3A_79] : memref<64x12288xf32, #tpu.memory_space<vmem>>, vector<64x768xf32>
    %get3A_81 = arith.constant 0 : index
    %get3A_82 = arith.constant 0 : index
    %get3A_83 = vector.load %arg3[%get3A_81, %get3A_82] : memref<768x128xf32, #tpu.memory_space<vmem>>, vector<768x128xf32>
    %dot_general3A_84 = arith.constant dense<0.000000e+00> : vector<64x128xf32>
    %dot_general3A_85 = tpu.matmul %get3A_80, %get3A_83, %dot_general3A_84 {dimension_numbers = #tpu.dot_dimension_numbers<[1], [0], [0], [1], [0, 0, 1, 1], [], []>, transpose_lhs_hint = false} : vector<64x768xf32>, vector<768x128xf32>, vector<64x128xf32> -> vector<64x128xf32>
    %get3A_86 = arith.constant 0 : index
    %get3A_87 = arith.constant 8448 : index
    %get3A_88 = vector.load %arg1[%get3A_86, %get3A_87] : memref<64x12288xf32, #tpu.memory_space<vmem>>, vector<64x768xf32>
    %get3A_89 = arith.constant 0 : index
    %get3A_90 = arith.constant 0 : index
    %get3A_91 = vector.load %arg3[%get3A_89, %get3A_90] : memref<768x128xf32, #tpu.memory_space<vmem>>, vector<768x128xf32>
    %dot_general3A_92 = arith.constant dense<0.000000e+00> : vector<64x128xf32>
    %dot_general3A_93 = tpu.matmul %get3A_88, %get3A_91, %dot_general3A_92 {dimension_numbers = #tpu.dot_dimension_numbers<[1], [0], [0], [1], [0, 0, 1, 1], [], []>, transpose_lhs_hint = false} : vector<64x768xf32>, vector<768x128xf32>, vector<64x128xf32> -> vector<64x128xf32>
    %get3A_94 = arith.constant 0 : index
    %get3A_95 = arith.constant 9216 : index
    %get3A_96 = vector.load %arg1[%get3A_94, %get3A_95] : memref<64x12288xf32, #tpu.memory_space<vmem>>, vector<64x768xf32>
    %get3A_97 = arith.constant 0 : index
    %get3A_98 = arith.constant 0 : index
    %get3A_99 = vector.load %arg3[%get3A_97, %get3A_98] : memref<768x128xf32, #tpu.memory_space<vmem>>, vector<768x128xf32>
    %dot_general3A_100 = arith.constant dense<0.000000e+00> : vector<64x128xf32>
    %dot_general3A_101 = tpu.matmul %get3A_96, %get3A_99, %dot_general3A_100 {dimension_numbers = #tpu.dot_dimension_numbers<[1], [0], [0], [1], [0, 0, 1, 1], [], []>, transpose_lhs_hint = false} : vector<64x768xf32>, vector<768x128xf32>, vector<64x128xf32> -> vector<64x128xf32>
    %get3A_102 = arith.constant 0 : index
    %get3A_103 = arith.constant 9984 : index
    %get3A_104 = vector.load %arg1[%get3A_102, %get3A_103] : memref<64x12288xf32, #tpu.memory_space<vmem>>, vector<64x768xf32>
    %get3A_105 = arith.constant 0 : index
    %get3A_106 = arith.constant 0 : index
    %get3A_107 = vector.load %arg3[%get3A_105, %get3A_106] : memref<768x128xf32, #tpu.memory_space<vmem>>, vector<768x128xf32>
    %dot_general3A_108 = arith.constant dense<0.000000e+00> : vector<64x128xf32>
    %dot_general3A_109 = tpu.matmul %get3A_104, %get3A_107, %dot_general3A_108 {dimension_numbers = #tpu.dot_dimension_numbers<[1], [0], [0], [1], [0, 0, 1, 1], [], []>, transpose_lhs_hint = false} : vector<64x768xf32>, vector<768x128xf32>, vector<64x128xf32> -> vector<64x128xf32>
    %get3A_110 = arith.constant 0 : index
    %get3A_111 = arith.constant 10752 : index
    %get3A_112 = vector.load %arg1[%get3A_110, %get3A_111] : memref<64x12288xf32, #tpu.memory_space<vmem>>, vector<64x768xf32>
    %get3A_113 = arith.constant 0 : index
    %get3A_114 = arith.constant 0 : index
    %get3A_115 = vector.load %arg3[%get3A_113, %get3A_114] : memref<768x128xf32, #tpu.memory_space<vmem>>, vector<768x128xf32>
    %dot_general3A_116 = arith.constant dense<0.000000e+00> : vector<64x128xf32>
    %dot_general3A_117 = tpu.matmul %get3A_112, %get3A_115, %dot_general3A_116 {dimension_numbers = #tpu.dot_dimension_numbers<[1], [0], [0], [1], [0, 0, 1, 1], [], []>, transpose_lhs_hint = false} : vector<64x768xf32>, vector<768x128xf32>, vector<64x128xf32> -> vector<64x128xf32>
    %get3A_118 = arith.constant 0 : index
    %get3A_119 = arith.constant 11520 : index
    %get3A_120 = vector.load %arg1[%get3A_118, %get3A_119] : memref<64x12288xf32, #tpu.memory_space<vmem>>, vector<64x768xf32>
    %get3A_121 = arith.constant 0 : index
    %get3A_122 = arith.constant 0 : index
    %get3A_123 = vector.load %arg3[%get3A_121, %get3A_122] : memref<768x128xf32, #tpu.memory_space<vmem>>, vector<768x128xf32>
    %dot_general3A_124 = arith.constant dense<0.000000e+00> : vector<64x128xf32>
    %dot_general3A_125 = tpu.matmul %get3A_120, %get3A_123, %dot_general3A_124 {dimension_numbers = #tpu.dot_dimension_numbers<[1], [0], [0], [1], [0, 0, 1, 1], [], []>, transpose_lhs_hint = false} : vector<64x768xf32>, vector<768x128xf32>, vector<64x128xf32> -> vector<64x128xf32>
    %concatenate3A = tpu.concatenate %dot_general3A_5, %dot_general3A_13, %dot_general3A_21, %dot_general3A_29, %dot_general3A_37, %dot_general3A_45, %dot_general3A_53, %dot_general3A_61, %dot_general3A_69, %dot_general3A_77, %dot_general3A_85, %dot_general3A_93, %dot_general3A_101, %dot_general3A_109, %dot_general3A_117, %dot_general3A_125 in 1 : vector<64x128xf32>, vector<64x128xf32>, vector<64x128xf32>, vector<64x128xf32>, vector<64x128xf32>, vector<64x128xf32>, vector<64x128xf32>, vector<64x128xf32>, vector<64x128xf32>, vector<64x128xf32>, vector<64x128xf32>, vector<64x128xf32>, vector<64x128xf32>, vector<64x128xf32>, vector<64x128xf32>, vector<64x128xf32> -> vector<64x2048xf32>
    %get3A_126 = arith.constant 0 : index
    %get3A_127 = arith.constant 0 : index
    %get3A_128 = vector.load %arg2[%get3A_126, %get3A_127] : memref<16x64xf32, #tpu.memory_space<vmem>>, vector<16x64xf32>
    %dot_general3A_129 = arith.constant dense<0.000000e+00> : vector<16x2048xf32>
    %dot_general3A_130 = tpu.matmul %get3A_128, %concatenate3A, %dot_general3A_129 {dimension_numbers = #tpu.dot_dimension_numbers<[1], [0], [0], [1], [0, 0, 1, 1], [], []>, transpose_lhs_hint = false} : vector<16x64xf32>, vector<64x2048xf32>, vector<16x2048xf32> -> vector<16x2048xf32>
    %mul3A = arith.mulf %concatenate3A, %concatenate3A : vector<64x2048xf32>
    %reduce_sum3A = arith.constant dense<0.000000e+00> : vector<2048xf32>
    %reduce_sum3A_131 = vector.multi_reduction <add>, %mul3A, %reduce_sum3A [0] : vector<64x2048xf32> to vector<2048xf32>
    %broadcast_in_dim3A = vector.shape_cast %reduce_sum3A_131 : vector<2048xf32> to vector<1x2048xf32>
    %mul3A_132 = arith.constant 7.812500e-03 : f32
    %mul3A_133 = vector.broadcast %mul3A_132 : f32 to vector<1x2048xf32>
    %mul3A_134 = arith.mulf %broadcast_in_dim3A, %mul3A_133 : vector<1x2048xf32>
    %iota3A = tpu.iota {dimensions = array<i32: 0>} : vector<16x2048xi32>
    %eq3A = arith.constant 7 : i32
    %eq3A_135 = vector.broadcast %eq3A : i32 to vector<16x2048xi32>
    %eq3A_136 = arith.cmpi eq, %iota3A, %eq3A_135 : vector<16x2048xi32>
    %broadcast_in_dim3A_137 = vector.shape_cast %mul3A_134 : vector<1x2048xf32> to vector<1x2048xf32>
    %broadcast_in_dim3A_138 = vector.broadcast %broadcast_in_dim3A_137 : vector<1x2048xf32> to vector<16x2048xf32>
    %select_n3A = arith.select %eq3A_136, %broadcast_in_dim3A_138, %dot_general3A_130 : vector<16x2048xi1>, vector<16x2048xf32>
    %swap3A = arith.constant 0 : index
    %swap3A_139 = arith.constant 0 : index
    %swap3A_140 = vector.load %arg4[%swap3A, %swap3A_139] : memref<16x2048xf32, #tpu.memory_space<vmem>>, vector<16x2048xf32>
    tpu.vector_store %arg4[%swap3A, %swap3A_139], %select_n3A {strides = array<i32>} : memref<16x2048xf32, #tpu.memory_space<vmem>>, vector<16x2048xf32>,
    return
  }
  func.func @transform_0(%arg0: i32) -> (i32, i32) {
    %c0_i32 = arith.constant 0 : i32
    %c0_i32_0 = arith.constant 0 : i32
    return %c0_i32, %arg0 : i32, i32
  }
  func.func @transform_1(%arg0: i32) -> (i32, i32) {
    %c0_i32 = arith.constant 0 : i32
    %c0_i32_0 = arith.constant 0 : i32
    %c0_i32_1 = arith.constant 0 : i32
    return %c0_i32, %c0_i32_0 : i32, i32
  }
  func.func @transform_2(%arg0: i32) -> (i32, i32) {
    %c0_i32 = arith.constant 0 : i32
    %c0_i32_0 = arith.constant 0 : i32
    %c0_i32_1 = arith.constant 0 : i32
    return %c0_i32, %c0_i32_0 : i32, i32
  }
  func.func @transform_3(%arg0: i32) -> (i32, i32) {
    %c0_i32 = arith.constant 0 : i32
    %c0_i32_0 = arith.constant 0 : i32
    return %c0_i32, %arg0 : i32, i32
  }
}

</mosaic_0001>

<sc_bundles>
// kernel: kernel.5.cloned.1.call-start
scs
__scs_entry_jumppad:
0x0: {  	(pc) =	sbr.rel $0x88, $3  }
0x1: {  	(tag) =	ssettag $0x0;
	lr =	simm.s32 $0x1  }
0x2: {  	[smem:$0x3F9A] =	sst lr;
	_ =	strace $0xD0000000  }
0x3: {  	_ = 	snop  }
0x4: {  	_ = 	snop  }
0x5: {  	_ = 	snop  }
0x6: {  	_ = 	snop  }
0x7: {  	_ = 	snop  }
__scs_overlays_trampoline_lowered:
0x8: {  	[smem:$0x3FA9] =	sst s0  }
0x9: {  	[smem:$0x3FAA] =	sst s1  }
0xa: {  	[smem:$0x3FAB] =	sst s2  }
0xb: {  	[smem:$0x3FAC] =	sst s3  }
0xc: {  	[smem:$0x3FAD] =	sst s4  }
0xd: {  	[smem:$0x3FAE] =	sst s5  }
0xe: {  	[smem:$0x3FAF] =	sst s6  }
0xf: {  	[smem:$0x3FB0] =	sst s7  }
0x10: {  	[smem:$0x3FB1] =	sst s8  }
0x11: {  	[smem:$0x3FB2] =	sst s9;
	s0 =	simm.s32 @!p0 $0x0  }
0x12: {  	s1 =	sld [smem:$0x3F98];
	s0 =	simm.s32 @p0 $0x1  }
0x13: {  	[smem:$0x3FB3] =	sst s0;
	s0 =	simm.s32 @!p1 $0x0  }
0x14: {  	s2 =	sld [smem:$0x3F97];
	s0 =	simm.s32 @p1 $0x1  }
0x15: {  	[smem:$0x3FB4] =	sst s0;
	s0 =	simm.s32 @!p2 $0x0  }
0x16: {  	s3 =	sld [smem:$0x3FDB];
	s0 =	simm.s32 @p2 $0x1  }
0x17: {  	s4 =	simm.s32 $0x1BF5;
	[smem:$0x3FB6] =	sst s0  }
0x18: {  	s0 =	sld [smem:$0x3F99];
	_ =	swait.ge [sflag:s4], $0x0  }
0x19: {  	s7 =	sld [smem:$0x3F9A]  }
0x1a: {  	s8 =	sadd.s32 $0xFFFFE003, lr  }
0x1b: {  	s9 =	sadd.s32 $0xFFFFFEF7, lr;
	s5 =	simm.s32 $0xFFFFFFFF;
	p2 =	slt.u32 s8, $0xFFFFF086  }
0x1c: {  	p1 =	slt.u32 s9, $0xF7A;
	s5 =	simm.s32 @!p2 $0x0  }
0x1d: {  	s5 =	simm.s32 @p1 $0x1;
	p0 =	seq.s32 s7, s2  }
0x1e: {  	s7 =	smul.u32 @!p0 $0xF7A, s2;
	p2 =	seq.s32 @!p0 s5, $0x0  }
0x1f: {  	s9 =	smul.u32 $0xF7A, s1;
	s8 =	simm.s32 @!p0 $0x1BF5;
	p2 =	por !p2, p0  }
0x20: {  	[sflag:s8] =	ssyncset.s32 @!p0 $0xFFFFF086;
	s6 =	sadd.s32 @!p0 s3, s7;
	s7 =	simm.s32 @!p0 $0x108  }
0x21: {  	s3 =	sadd.s32 s3, s9;
	s6 =	sadd.s32 @!p0 $0x88, s6;
	s7 =	simm.s32 @p2 $0x1082  }
0x22: {  	[simem:s7], [sflag:s8] =	dma.local @!p0 [hbm:s6], $0xF7A  }
0x23: {  	s9 =	sor.u32 $0xD0000000, s2;
	s6 =	simm.s32 $0x108;
	_ =	swait.ge @!p0 [sflag:s8], $0x0  }
0x24: {  	s3 =	sadd.s32 $0x88, s3;
	s6 =	simm.s32 @!p1 $0x1082;
	[sflag:s4] =	ssyncset.s32 $0xFFFFF086  }
0x25: {  	[simem:s6], [sflag:s4] =	dma.local [hbm:s3], $0xF7A  }
0x26: {  	[smem:$0x3F9A] =	sst s1;
	(tag) =	ssettag s2;
	_ =	strace s9  }
0x27: {  	s1 =	sld [smem:$0x3FAA]  }
0x28: {  	s2 =	sld [smem:$0x3FAB]  }
0x29: {  	s4 =	sld [smem:$0x3FAD]  }
0x2a: {  	p0 =	seq.s32 s5, $0x0;
	s5 =	sld [smem:$0x3FAE]  }
0x2b: {  	s6 =	sld [smem:$0x3FAF]  }
0x2c: {  	s7 =	sld [smem:$0x3FB0]  }
0x2d: {  	s3 =	simm.s32 $0x108;
	s8 =	sld [smem:$0x3FB1]  }
0x2e: {  	s3 =	simm.s32 @!p0 $0x1082;
	s9 =	sld [smem:$0x3FB2]  }
0x2f: {  	lr =	sadd.s32 s0, s3;
	s0 =	sld [smem:$0x3FA9]  }
0x30: {  	s3 =	sld [smem:$0x3FAC]  }
0x31: {  	[smem:$0x3FB5] =	sst s10  }
0x32: {  	s10 =	sld [smem:$0x3FB3];
	_ =	sdelay $0x3  }
0x33: {  	p0 =	seq.s32 s10, $0x1;
	s10 =	sld [smem:$0x3FB5];
	_ =	sdelay $0x3  }
0x34: {  	[smem:$0x3FB5] =	sst s10  }
0x35: {  	s10 =	sld [smem:$0x3FB4];
	_ =	sdelay $0x3  }
0x36: {  	p1 =	seq.s32 s10, $0x1;
	s10 =	sld [smem:$0x3FB5];
	_ =	sdelay $0x3  }
0x37: {  	[smem:$0x3FB5] =	sst s10  }
0x38: {  	s10 =	sld [smem:$0x3FB6]  }
0x39: {  	_ = 	snop;
	(pc) =	sbr.ind lr, $3  }
0x3a: {  	_ = 	snop  }
0x3b: {  	_ = 	snop  }
0x3c: {  	p2 =	seq.s32 s10, $0x1;
	s10 =	sld [smem:$0x3FB5]  }
0x3d: {  	_ =	shalt  }
0x3e: {  	_ =	shalt  }
0x3f: {  	_ =	shalt  }
0x40: {  	_ =	shalt  }
0x41: {  	_ =	shalt  }
0x42: {  	_ =	shalt  }
0x43: {  	_ =	shalt  }
0x44: {  	_ =	shalt  }
0x45: {  	_ =	shalt  }
0x46: {  	_ =	shalt  }
0x47: {  	_ =	shalt  }
0x48: {  	_ =	shalt  }
0x49: {  	_ =	shalt  }
0x4a: {  	_ =	shalt  }
0x4b: {  	_ =	shalt  }
0x4c: {  	_ =	shalt  }
0x4d: {  	_ =	shalt  }
0x4e: {  	_ =	shalt  }
0x4f: {  	_ =	shalt  }
0x50: {  	_ =	shalt  }
0x51: {  	_ =	shalt  }
0x52: {  	_ =	shalt  }
0x53: {  	_ =	shalt  }
0x54: {  	_ =	shalt  }
0x55: {  	_ =	shalt  }
0x56: {  	_ =	shalt  }
0x57: {  	_ =	shalt  }
0x58: {  	_ =	shalt  }
0x59: {  	_ =	shalt  }
0x5a: {  	_ =	shalt  }
0x5b: {  	_ =	shalt  }
0x5c: {  	_ =	shalt  }
0x5d: {  	_ =	shalt  }
0x5e: {  	_ =	shalt  }
0x5f: {  	_ =	shalt  }
0x60: {  	_ =	shalt  }
0x61: {  	_ =	shalt  }
0x62: {  	_ =	shalt  }
0x63: {  	_ =	shalt  }
0x64: {  	_ =	shalt  }
0x65: {  	_ =	shalt  }
0x66: {  	_ =	shalt  }
0x67: {  	_ =	shalt  }
0x68: {  	_ =	shalt  }
0x69: {  	_ =	shalt  }
0x6a: {  	_ =	shalt  }
0x6b: {  	_ =	shalt  }
0x6c: {  	_ =	shalt  }
0x6d: {  	_ =	shalt  }
0x6e: {  	_ =	shalt  }
0x6f: {  	_ =	shalt  }
0x70: {  	_ =	shalt  }
0x71: {  	_ =	shalt  }
0x72: {  	_ =	shalt  }
0x73: {  	_ =	shalt  }
0x74: {  	_ =	shalt  }
0x75: {  	_ =	shalt  }
0x76: {  	_ =	shalt  }
0x77: {  	_ =	shalt  }
0x78: {  	_ =	shalt  }
0x79: {  	_ =	shalt  }
0x7a: {  	_ =	shalt  }
0x7b: {  	_ =	shalt  }
0x7c: {  	_ =	shalt  }
0x7d: {  	_ =	shalt  }
0x7e: {  	_ =	shalt  }
0x7f: {  	_ =	shalt  }
0x80: {  	_ =	shalt  }
0x81: {  	_ =	shalt  }
0x82: {  	_ =	shalt  }
0x83: {  	_ =	shalt  }
0x84: {  	_ =	shalt  }
0x85: {  	_ =	shalt  }
0x86: {  	_ =	shalt  }
0x87: {  	_ =	shalt  }
.Lfunc_end0:
.L_simem_size_0:
called_computation_lowered:
.L_overlay_start_0:
0x88: {  	s2 =	sld [smem:$0x3FD9]  }
0x89: {  	s3 =	sld [smem:$0x3FFE];
	_ =	sdelay $0x1  }
0x8a: {  	s1 =	srdreg.scid  }
0x8b: {  	s0 =	sand.u32 $0x1, s1  }
0x8c: {  	s17 =	sshll.u32 s0, $0xA;
	s2 =	sadd.s32 s3, s2  }
0x8d: {  	s2 =	sadd.s32 s2, s17  }
0x8e: {  	[smem:$0x3FC1] =	sst s2  }
0x8f: {  	_ = 	snop  }
0x90: {  	s2 =	sld [smem:$0x3FD0];
	(tm) =	ssettm $0x1  }
0x91: {  	s18 =	sld [smem:$0x3FFB];
	_ =	sdelay $0x3  }
0x92: {  	_ =	strace s18  }
0x93: {  	s3 =	sld [smem:$0x3FFC];
	_ =	sdelay $0x3  }
0x94: {  	_ =	strace s3  }
0x95: {  	s3 =	sld [smem:$0x3FFD];
	_ =	sdelay $0x3  }
0x96: {  	_ =	strace s3  }
0x97: {  	_ =	strace $0x8FFFFFFF  }
0x98: {  	s19 =	sld [smem:$0x3FDB];
	_ =	sdelay $0x1  }
0x99: {  	s4 =	simm.s32 $_scs_section_size  }
0x9a: {  	s5 =	simm.s32 $_size__tile_overlayer_lowered;
	s6 =	simm.s32 $_tile_overlayer_lowered  }
0x9b: {  	s22 =	simm.s32 $0x1BFF;
	s21 =	sshll.u32 s6, $0x1;
	s3 =	sadd.s32 s4, s19  }
0x9c: {  	s7 =	simm.s32 $0x0;
	s20 =	sshll.u32 s5, $0x1;
	s5 =	sadd.s32 s21, s3  }
0x9d: {  	[timem:s7], [sflag:s22] =	dma.local [hbm:s5], s20  }
0x9e: {  	_ =	swait.ge [sflag:s22], s20  }
0x9f: {  	s4 =	ssub.s32 $0x0, s20;
	[sflag:s22] =	ssyncset.done $0x0  }
0xa0: {  	[sflag:s22] =	ssyncadd.s32 s4;
	_ =	sdelay $0x1  }
0xa1: {  	s23 =	simm.s32 $0x1B8B  }
0xa2: {  	_ =	swait.ge [sflag:s23], $0x1  }
0xa3: {  	[sflag:s23] =	ssyncset.done $0x0  }
0xa4: {  	s25 =	simm.s32 $0x1B8E;
	s24 =	sld [smem:$0x3FFE];
	[sflag:s23] =	ssyncadd.s32 $0xFFFFFFFF  }
0xa5: {  	s26 =	simm.s32 $execute0_lowered;
	[smem:$0x3FD2] =	sst s25  }
0xa6: {  	s5 =	sshll.u32 s26, $0x1;
	_ =	strace $0x80000046;
	[dreg:$0x1] =	wrdreg $0xFFFFFFFF  }
0xa7: {  	s28 =	simm.s32 $_size_execute0_lowered;
	s3 =	sadd.s32 s3, s5;
	[dreg:$0x0] =	wrdreg $0x0  }
0xa8: {  	s5 =	sshll.u32 s28, $0x1;
	[dreg:$0x2] =	wrdreg s3  }
0xa9: {  	[dreg:$0x3] =	wrdreg s5  }
0xaa: {  	[dreg:$0x4] =	wrdreg $0xC0  }
0xab: {  	_ =	task [dreg:s7], $0x5FFFF  }
0xac: {  	[dreg:$0x1] =	wrdreg $0xFFFFFFFF  }
0xad: {  	[dreg:$0x0] =	wrdreg $0x60  }
0xae: {  	[dreg:$0x2] =	wrdreg s24  }
0xaf: {  	[dreg:$0x3] =	wrdreg s2  }
0xb0: {  	[dreg:$0x4] =	wrdreg $0x100600  }
0xb1: {  	[dreg:$0x5] =	wrdreg $0x162080  }
0xb2: {  	[dreg:$0x6] =	wrdreg $0x9  }
0xb3: {  	_ =	task.clear_ibuf [dreg:s7], $0x7FFFF;
	_ =	strace $0x90000046  }
0xb4: {  	s29 =	simm.s32 $0x9;
	_ =	strace $0x80000048  }
0xb5: {  	_ =	swait.ge [sflag:s29], $0x1  }
0xb6: {  	[sflag:s29] =	ssyncadd.s32 $0xFFFFFFFF  }
0xb7: {  	_ =	strace $0x90000048  }
0xb8: {  	_ =	sfence  }
0xb9: {  	s30 =	sld [smem:$0x0];
	_ =	sdelay $0x2  }
0xba: {  	s31 =	sshll.u32 s1, $0xD;
	s1 =	sshrl.u32 s1, $0x2  }
0xbb: {  	s3 =	sand.u32 $0x4000, s31;
	s1 =	sadd.s32 s1, s30  }
0xbc: {  	s0 =	sor.u32 s3, s0;
	s1 =	sshll.u32 s1, $0x11  }
0xbd: {  	s0 =	sor.u32 s1, s0  }
0xbe: {  	s0 =	sadd.s32 $0x8F2B, s0  }
0xbf: {  	[sflag:s0] =	ssyncadd.remote.s32 $0x1  }
0xc0: {  	_ =	sfence.sel $0xFFFF  }
0xc1: {  	[dreg:$0x0] =	wrdreg $0xFFFFFFFF;
	(pc) =	sbr.abs _section_cstart, $3  }
0xc2: {  	[dreg:$0x1] =	wrdreg $0xFFFFFFFF  }
0xc3: {  	_ =	task.clear_ibuf [dreg:s7], $0x2FFFF;
	_ =	strace $0x9FFFFFFF  }
0xc4: {  	(tm) =	ssettm $0x7FFFFFFF  }
0xc5: {  	_ =	shalt  }
tec
execute0_lowered:
.L_overlay_start_1:
0x0: {  	(tag) =	ssettag $0x1  }
0x1: {  	s0 =	rddreg [dreg:$0x0]  }
0x2: {  	s2 =	rddreg [dreg:$0x1]  }
0x3: {  	s1 =	rddreg [dreg:$0x2]  }
0x4: {  	s3 =	rddreg [dreg:$0x3]  }
0x5: {  	s4 =	simm.s32 $0x0;
	s5 =	srdreg.scid;
	s6 =	stileid.u32  }
0x6: {  	s20 =	simm.s32 $0x7;
	s30 =	simm.s32 $0xC350;
	s31 =	simm.s32 $0x80  }
0x7: {  	s19 =	simm.s32 $0x2;
	s14 =	simm.s32 $0x3;
	s18 =	simm.s32 $0x9000  }
0x8: {  	s28 =	simm.s32 $0x4;
	s29 =	simm.s32 $0x5;
	[smem:$0x7FF] =	sst s4  }
0x9: {  	s8 =	sand.u32 $0x1, s5;
	s21 =	sshll.u32 s6, $0x1;
	s10 =	smul.u32 $0xC38, s6  }
0xa: {  	s5 =	sadd.s32 $0xD600, s0;
	s9 =	sadd.s32 $0x1200, s0;
	s12 =	smul.u32 $0x620, s6  }
0xb: {  	_ =	strace $0x80000047;
	s7 =	sor.u32 s8, s21;
	[dreg:$0x6] =	wrdreg s9  }
0xc: {  	s8 =	ssub.s32 $0x2, s8;
	s21 =	simm.s32 $0x200;
	s9 =	simm.s32 $0xB000  }
0xd: {  	[dreg:$0x5] =	wrdreg s5;
	s22 =	smul.u32 $0x61A8, s7;
	s7 =	sadd.s32 $0x25E00, s0  }
0xe: {  	s11 =	sshrl.u32 s8, $0x1;
	s0 =	sadd.s32 $0x1000, s0;
	s10 =	smin.u32 s10, $0xB718  }
0xf: {  	[dreg:$0x7] =	wrdreg s0;
	s23 =	ssub.s32 s8, s11;
	s11 =	smin.u32 s12, $0x5B88  }
0x10: {  	s8 =	simm.s32 $0x7000;
	s12 =	simm.s32 $0x0;
	s13 =	sshrl.u32 s22, $0x3  }
0x11: {  	s15 =	sadd.s32 $0x800, s22;
	s16 =	sadd.s32 s2, s22;
	s0 =	smax.u32 s23, $0x1  }
0x12: {  	s17 =	sadd.s32 $0xC00, s22;
	s24 =	sadd.s32 s7, s13;
	[dreg:$0xc] =	wrdreg s0  }
0x13: {  	s23 =	simm.s32 $0xD060;
	s25 =	sadd.s32 $0x186A0, s24;
	[dreg:$0x8] =	wrdreg s24  }
0x14: {  	s2 =	simm.s32 $0x5000;
	s26 =	sadd.s32 $0x80, s24;
	[dreg:$0x9] =	wrdreg s25  }
0x15: {  	v0 =	vlaneseq.u32;
	s0 =	simm.s32 $0x1000;
	s6 =	sadd.s32 $0x18720, s24;
	[dreg:$0xa] =	wrdreg s26  }
0x16: {  	v0 =	vmul.u32 $0x8, v0;
	s24 =	simm.s32 $0xF060;
	[dreg:$0xb] =	wrdreg s6;
	s26 =	simm.s32 $0x3000  }
.LBB2_1:
0x17: {  	[dreg:$0xd] =	wrdreg s12  }
0x18: {  	s6 =	rddreg [dreg:$0x7];
	s25 =	simm.s32 $0xD000  }
0x19: {  	[tilespmem:s25], [sflag:$0x7] =	stream.linear.gather [hbm4b:s6+s4], $0x60, $0x38;
	[tilespmem:$0x192E0] =	vst v63  }
0x1a: {  	_ =	swait.ge [sflag:s20], $0x60  }
0x1b: {  	[sflag:s20] =	ssyncset.done $0x0  }
0x1c: {  	s13 =	simm.s32 $0x0;
	[sflag:s20] =	ssyncadd.s32 $0xFFFFFFA0  }
.LBB2_2:
0x1d: {  	s12 =	sshll.u32 s13, $0x9  }
0x1e: {  	s12 =	smin.u32 s12, $0xA38  }
0x1f: {  	s12 =	sadd.s32 s10, s12  }
0x20: {  	s22 =	sshrl.u32 s12, $0x3  }
0x21: {  	s22 =	sadd.s32 s5, s22  }
0x22: {  	[tilespmem:s23], [sflag:$0x7] =	stream.strided.gather [hbm4b:s22+s21], $0x2000, s30, s21, $0x38;
	[tilespmem:$0x192E0] =	vst v63  }
0x23: {  	s25 =	simm.s32 $0x0;
	_ =	swait.ge [sflag:s20], $0x2000  }
0x24: {  	v1 =	vmov s25;
	[sflag:s20] =	ssyncset.done $0x0  }
0x25: {  	v1 =	vshll.u32 v1, $0x3;
	s22 =	simm.s32 $0xD860;
	[sflag:s20] =	ssyncadd.s32 $0xFFFFE000  }
0x26: {  	v3 =	vor.u32 v0, v1;
	v2 =	vld [tilespmem:s22+$0xFFFFF800];
	_ =	sdelay $0x4  }
0x27: {  	[tilespmem:v3+s24+$0x0] =	vst.idx.msk $0xffff, v2  }
0x28: {  	v2 =	vor.u32 $0x1, v3;
	v1 =	vld [tilespmem:s22+$0xFFFFFA00];
	_ =	sdelay $0x4  }
0x29: {  	[tilespmem:v2+s24+$0x0] =	vst.idx.msk $0xffff, v1  }
0x2a: {  	v2 =	vor.u32 $0x2, v3;
	v1 =	vld [tilespmem:s22+$0xFFFFFC00];
	_ =	sdelay $0x4  }
0x2b: {  	[tilespmem:v2+s24+$0x0] =	vst.idx.msk $0xffff, v1  }
0x2c: {  	v2 =	vor.u32 $0x3, v3;
	v1 =	vld [tilespmem:s22+$0xFFFFFE00];
	_ =	sdelay $0x4  }
0x2d: {  	[tilespmem:v2+s24+$0x0] =	vst.idx.msk $0xffff, v1  }
0x2e: {  	v2 =	vor.u32 $0x4, v3;
	v1 =	vld [tilespmem:s22+$0x0];
	_ =	sdelay $0x4  }
0x2f: {  	[tilespmem:v2+s24+$0x0] =	vst.idx.msk $0xffff, v1  }
0x30: {  	v2 =	vor.u32 $0x5, v3;
	v1 =	vld [tilespmem:s22+$0x200];
	_ =	sdelay $0x4  }
0x31: {  	[tilespmem:v2+s24+$0x0] =	vst.idx.msk $0xffff, v1  }
0x32: {  	v2 =	vor.u32 $0x6, v3;
	v1 =	vld [tilespmem:s22+$0x400];
	_ =	sdelay $0x4  }
0x33: {  	[tilespmem:v2+s24+$0x0] =	vst.idx.msk $0xffff, v1  }
0x34: {  	v2 =	vor.u32 $0x7, v3;
	v1 =	vld [tilespmem:s22+$0x600];
	_ =	sdelay $0x2  }
0x35: {  	s25 =	simm.s32 $0x10  }
0x36: {  	v3 =	vmov s25;
	s25 =	simm.s32 $0x20  }
.LBB2_3:
0x37: {  	p0 =	sne.s32 s25, $0x1F0;
	v3 =	vshll.u32 v3, $0x3;
	[tilespmem:v2+s24+$0x0] =	vst.idx.msk $0xffff, v1;
	s22 =	sadd.s32 $0x10, s22  }
0x38: {  	v1 =	vld [tilespmem:s22+$0xFFFFF800];
	v2 =	vor.u32 v0, v3;
	_ =	sdelay $0x4  }
0x39: {  	[tilespmem:v2+s24+$0x0] =	vst.idx.msk $0xffff, v1  }
0x3a: {  	v3 =	vor.u32 $0x1, v2;
	v1 =	vld [tilespmem:s22+$0xFFFFFA00];
	_ =	sdelay $0x4  }
0x3b: {  	[tilespmem:v3+s24+$0x0] =	vst.idx.msk $0xffff, v1  }
0x3c: {  	v3 =	vor.u32 $0x2, v2;
	v1 =	vld [tilespmem:s22+$0xFFFFFC00];
	_ =	sdelay $0x4  }
0x3d: {  	[tilespmem:v3+s24+$0x0] =	vst.idx.msk $0xffff, v1  }
0x3e: {  	v3 =	vor.u32 $0x3, v2;
	v1 =	vld [tilespmem:s22+$0xFFFFFE00];
	_ =	sdelay $0x4  }
0x3f: {  	[tilespmem:v3+s24+$0x0] =	vst.idx.msk $0xffff, v1  }
0x40: {  	v3 =	vor.u32 $0x4, v2;
	v1 =	vld [tilespmem:s22+$0x0];
	_ =	sdelay $0x4  }
0x41: {  	[tilespmem:v3+s24+$0x0] =	vst.idx.msk $0xffff, v1  }
0x42: {  	v3 =	vor.u32 $0x5, v2;
	v1 =	vld [tilespmem:s22+$0x200];
	_ =	sdelay $0x4  }
0x43: {  	[tilespmem:v3+s24+$0x0] =	vst.idx.msk $0xffff, v1  }
0x44: {  	v3 =	vor.u32 $0x6, v2;
	v1 =	vld [tilespmem:s22+$0x400];
	_ =	sdelay $0x4  }
0x45: {  	[tilespmem:v3+s24+$0x0] =	vst.idx.msk $0xffff, v1  }
.Ltmp0:
0x46: {  	v2 =	vor.u32 $0x7, v2;
	v1 =	vld [tilespmem:s22+$0x600];
	(pc) =	sbr.rel @p0 .LBB2_3-.Ltmp0, $2  }
0x47: {  	_ =	sdelay $0x2  }
0x48: {  	v3 =	vmov s25;
	s25 =	sadd.s32 $0x10, s25  }
0x49: {  	_ =	sdelay $0x3  }
0x4a: {  	v3 =	vshll.u32 v3, $0x3;
	[tilespmem:v2+s24+$0x0] =	vst.idx.msk $0xffff, v1;
	s22 =	sadd.s32 $0x10, s22  }
0x4b: {  	v1 =	vld [tilespmem:s22+$0xFFFFF800];
	v2 =	vor.u32 v0, v3;
	_ =	sdelay $0x4  }
0x4c: {  	[tilespmem:v2+s24+$0x0] =	vst.idx.msk $0xffff, v1  }
0x4d: {  	v3 =	vor.u32 $0x1, v2;
	v1 =	vld [tilespmem:s22+$0xFFFFFA00];
	_ =	sdelay $0x4  }
0x4e: {  	[tilespmem:v3+s24+$0x0] =	vst.idx.msk $0xffff, v1  }
0x4f: {  	v3 =	vor.u32 $0x2, v2;
	v1 =	vld [tilespmem:s22+$0xFFFFFC00];
	_ =	sdelay $0x4  }
0x50: {  	[tilespmem:v3+s24+$0x0] =	vst.idx.msk $0xffff, v1  }
0x51: {  	v3 =	vor.u32 $0x3, v2;
	v1 =	vld [tilespmem:s22+$0xFFFFFE00];
	_ =	sdelay $0x4  }
0x52: {  	[tilespmem:v3+s24+$0x0] =	vst.idx.msk $0xffff, v1  }
0x53: {  	v3 =	vor.u32 $0x4, v2;
	v1 =	vld [tilespmem:s22+$0x0];
	_ =	sdelay $0x4  }
0x54: {  	[tilespmem:v3+s24+$0x0] =	vst.idx.msk $0xffff, v1  }
0x55: {  	v3 =	vor.u32 $0x5, v2;
	v1 =	vld [tilespmem:s22+$0x200];
	_ =	sdelay $0x4  }
0x56: {  	[tilespmem:v3+s24+$0x0] =	vst.idx.msk $0xffff, v1  }
0x57: {  	v3 =	vor.u32 $0x6, v2;
	v1 =	vld [tilespmem:s22+$0x400];
	_ =	sdelay $0x4  }
0x58: {  	[tilespmem:v3+s24+$0x0] =	vst.idx.msk $0xffff, v1  }
0x59: {  	v2 =	vor.u32 $0x7, v2;
	v1 =	vld [tilespmem:s22+$0x600];
	_ =	sdelay $0x2  }
0x5a: {  	s13 =	sadd.s32 $0x1, s13  }
0x5b: {  	s12 =	sshll.u32 s12, $0x3;
	p0 =	sne.s32 s13, $0x7  }
.Ltmp1:
0x5c: {  	s12 =	sadd.s32 s12, s1;
	[tilespmem:v2+s24+$0x0] =	vst.idx.msk $0xffff, v1;
	(pc) =	sbr.rel @p0 .LBB2_2-.Ltmp1, $4  }
0x5d: {  	[spmem:s12] =	stream.linear.scatter [tilespmem:s24], [sflag:$0x7], $0x1000, $0x38;
	[tilespmem:$0x192E0] =	vst v63  }
0x5e: {  	_ =	swait.ge [sflag:s20], $0x1000  }
0x5f: {  	[sflag:s20] =	ssyncset.done $0x0  }
0x60: {  	s12 =	simm.s32 $0x0;
	[sflag:s20] =	ssyncadd.s32 $0xFFFFF000  }
0x61: {  	s13 =	simm.s32 $0x0;
	s5 =	rddreg [dreg:$0x6]  }
.LBB2_6:
0x62: {  	s22 =	sshll.u32 s13, $0x9  }
0x63: {  	s22 =	smin.u32 s22, $0x420  }
0x64: {  	s22 =	sadd.s32 s11, s22  }
0x65: {  	s25 =	sshrl.u32 s22, $0x3  }
0x66: {  	s6 =	simm.s32 $0x61A8;
	s25 =	sadd.s32 s5, s25  }
0x67: {  	[tilespmem:s23], [sflag:$0x7] =	stream.strided.gather [hbm4b:s25+s21], $0x2000, s6, s21, $0x38;
	[tilespmem:$0x192E0] =	vst v63  }
0x68: {  	_ =	swait.ge [sflag:s20], $0x2000  }
0x69: {  	v1 =	vmov s12;
	[sflag:s20] =	ssyncset.done $0x0  }
0x6a: {  	v1 =	vshll.u32 v1, $0x3;
	s25 =	simm.s32 $0xD860;
	[sflag:s20] =	ssyncadd.s32 $0xFFFFE000  }
0x6b: {  	v3 =	vor.u32 v0, v1;
	v2 =	vld [tilespmem:s25+$0xFFFFF800];
	_ =	sdelay $0x4  }
0x6c: {  	[tilespmem:v3+s24+$0x0] =	vst.idx.msk $0xffff, v2  }
0x6d: {  	v2 =	vor.u32 $0x1, v3;
	v1 =	vld [tilespmem:s25+$0xFFFFFA00];
	_ =	sdelay $0x4  }
0x6e: {  	[tilespmem:v2+s24+$0x0] =	vst.idx.msk $0xffff, v1  }
0x6f: {  	v2 =	vor.u32 $0x2, v3;
	v1 =	vld [tilespmem:s25+$0xFFFFFC00];
	_ =	sdelay $0x4  }
0x70: {  	[tilespmem:v2+s24+$0x0] =	vst.idx.msk $0xffff, v1  }
0x71: {  	v2 =	vor.u32 $0x3, v3;
	v1 =	vld [tilespmem:s25+$0xFFFFFE00];
	_ =	sdelay $0x4  }
0x72: {  	[tilespmem:v2+s24+$0x0] =	vst.idx.msk $0xffff, v1  }
0x73: {  	v2 =	vor.u32 $0x4, v3;
	v1 =	vld [tilespmem:s25+$0x0];
	_ =	sdelay $0x4  }
0x74: {  	[tilespmem:v2+s24+$0x0] =	vst.idx.msk $0xffff, v1  }
0x75: {  	v2 =	vor.u32 $0x5, v3;
	v1 =	vld [tilespmem:s25+$0x200];
	_ =	sdelay $0x4  }
0x76: {  	[tilespmem:v2+s24+$0x0] =	vst.idx.msk $0xffff, v1  }
0x77: {  	v2 =	vor.u32 $0x6, v3;
	v1 =	vld [tilespmem:s25+$0x400];
	_ =	sdelay $0x4  }
0x78: {  	[tilespmem:v2+s24+$0x0] =	vst.idx.msk $0xffff, v1  }
0x79: {  	v2 =	vor.u32 $0x7, v3;
	v1 =	vld [tilespmem:s25+$0x600];
	_ =	sdelay $0x2  }
0x7a: {  	s30 =	simm.s32 $0x10  }
0x7b: {  	v3 =	vmov s30;
	s30 =	simm.s32 $0x20  }
.LBB2_7:
0x7c: {  	p0 =	sne.s32 s30, $0x1F0;
	v3 =	vshll.u32 v3, $0x3;
	[tilespmem:v2+s24+$0x0] =	vst.idx.msk $0xffff, v1;
	s25 =	sadd.s32 $0x10, s25  }
0x7d: {  	v1 =	vld [tilespmem:s25+$0xFFFFF800];
	v2 =	vor.u32 v0, v3;
	_ =	sdelay $0x4  }
0x7e: {  	[tilespmem:v2+s24+$0x0] =	vst.idx.msk $0xffff, v1  }
0x7f: {  	v3 =	vor.u32 $0x1, v2;
	v1 =	vld [tilespmem:s25+$0xFFFFFA00];
	_ =	sdelay $0x4  }
0x80: {  	[tilespmem:v3+s24+$0x0] =	vst.idx.msk $0xffff, v1  }
0x81: {  	v3 =	vor.u32 $0x2, v2;
	v1 =	vld [tilespmem:s25+$0xFFFFFC00];
	_ =	sdelay $0x4  }
0x82: {  	[tilespmem:v3+s24+$0x0] =	vst.idx.msk $0xffff, v1  }
0x83: {  	v3 =	vor.u32 $0x3, v2;
	v1 =	vld [tilespmem:s25+$0xFFFFFE00];
	_ =	sdelay $0x4  }
0x84: {  	[tilespmem:v3+s24+$0x0] =	vst.idx.msk $0xffff, v1  }
0x85: {  	v3 =	vor.u32 $0x4, v2;
	v1 =	vld [tilespmem:s25+$0x0];
	_ =	sdelay $0x4  }
0x86: {  	[tilespmem:v3+s24+$0x0] =	vst.idx.msk $0xffff, v1  }
0x87: {  	v3 =	vor.u32 $0x5, v2;
	v1 =	vld [tilespmem:s25+$0x200];
	_ =	sdelay $0x4  }
0x88: {  	[tilespmem:v3+s24+$0x0] =	vst.idx.msk $0xffff, v1  }
0x89: {  	v3 =	vor.u32 $0x6, v2;
	v1 =	vld [tilespmem:s25+$0x400];
	_ =	sdelay $0x4  }
0x8a: {  	[tilespmem:v3+s24+$0x0] =	vst.idx.msk $0xffff, v1  }
.Ltmp2:
0x8b: {  	v2 =	vor.u32 $0x7, v2;
	v1 =	vld [tilespmem:s25+$0x600];
	(pc) =	sbr.rel @p0 .LBB2_7-.Ltmp2, $2  }
0x8c: {  	_ =	sdelay $0x2  }
0x8d: {  	v3 =	vmov s30;
	s30 =	sadd.s32 $0x10, s30  }
0x8e: {  	_ =	sdelay $0x3  }
0x8f: {  	v3 =	vshll.u32 v3, $0x3;
	[tilespmem:v2+s24+$0x0] =	vst.idx.msk $0xffff, v1;
	s25 =	sadd.s32 $0x10, s25  }
0x90: {  	v1 =	vld [tilespmem:s25+$0xFFFFF800];
	v2 =	vor.u32 v0, v3;
	_ =	sdelay $0x4  }
0x91: {  	[tilespmem:v2+s24+$0x0] =	vst.idx.msk $0xffff, v1  }
0x92: {  	v3 =	vor.u32 $0x1, v2;
	v1 =	vld [tilespmem:s25+$0xFFFFFA00];
	_ =	sdelay $0x4  }
0x93: {  	[tilespmem:v3+s24+$0x0] =	vst.idx.msk $0xffff, v1  }
0x94: {  	v3 =	vor.u32 $0x2, v2;
	v1 =	vld [tilespmem:s25+$0xFFFFFC00];
	_ =	sdelay $0x4  }
0x95: {  	[tilespmem:v3+s24+$0x0] =	vst.idx.msk $0xffff, v1  }
0x96: {  	v3 =	vor.u32 $0x3, v2;
	v1 =	vld [tilespmem:s25+$0xFFFFFE00];
	_ =	sdelay $0x4  }
0x97: {  	[tilespmem:v3+s24+$0x0] =	vst.idx.msk $0xffff, v1  }
0x98: {  	v3 =	vor.u32 $0x4, v2;
	v1 =	vld [tilespmem:s25+$0x0];
	_ =	sdelay $0x4  }
0x99: {  	[tilespmem:v3+s24+$0x0] =	vst.idx.msk $0xffff, v1  }
0x9a: {  	v3 =	vor.u32 $0x5, v2;
	v1 =	vld [tilespmem:s25+$0x200];
	_ =	sdelay $0x4  }
0x9b: {  	[tilespmem:v3+s24+$0x0] =	vst.idx.msk $0xffff, v1  }
0x9c: {  	v3 =	vor.u32 $0x6, v2;
	v1 =	vld [tilespmem:s25+$0x400];
	_ =	sdelay $0x4  }
0x9d: {  	[tilespmem:v3+s24+$0x0] =	vst.idx.msk $0xffff, v1  }
0x9e: {  	v2 =	vor.u32 $0x7, v2;
	v1 =	vld [tilespmem:s25+$0x600];
	_ =	sdelay $0x2  }
0x9f: {  	s13 =	sadd.s32 $0x1, s13  }
0xa0: {  	s22 =	sshll.u32 s22, $0x3;
	p0 =	sne.s32 s13, $0x4  }
.Ltmp3:
0xa1: {  	s22 =	sadd.s32 s22, s3;
	[tilespmem:v2+s24+$0x0] =	vst.idx.msk $0xffff, v1;
	(pc) =	sbr.rel @p0 .LBB2_6-.Ltmp3, $4  }
0xa2: {  	[spmem:s22] =	stream.linear.scatter [tilespmem:s24], [sflag:$0x7], $0x1000, $0x38;
	[tilespmem:$0x192E0] =	vst v63  }
0xa3: {  	_ =	swait.ge [sflag:s20], $0x1000  }
0xa4: {  	[sflag:s20] =	ssyncset.done $0x0  }
0xa5: {  	[sflag:s20] =	ssyncadd.s32 $0xFFFFF000  }
0xa6: {  	[bflag:$0x0] =	sbarrier.arrive $0xFFFF  }
0xa7: {  	v1 =	vld [tilespmem:$0xD000]  }
0xa8: {  	v2 =	vld [tilespmem:$0xD010]  }
0xa9: {  	v3 =	vld [tilespmem:$0xD020]  }
0xaa: {  	v4 =	vld [tilespmem:$0xD030]  }
0xab: {  	s22 =	simm.s32 $0x0;
	v5 =	vld [tilespmem:$0xD040];
	s5 =	rddreg [dreg:$0x8]  }
0xac: {  	v6 =	vld [tilespmem:$0xD050];
	[tilespmem:s22], [sflag:$0x1] =	stream.linear.gather [hbm4b:s5+s22], $0x400, $0x38  }
0xad: {  	s6 =	simm.s32 $0x800;
	s25 =	rddreg [dreg:$0x9]  }
0xae: {  	[tilespmem:s6], [sflag:$0x1] =	stream.linear.gather [hbm4b:s25+s22], $0x400, $0x38;
	[tilespmem:$0x192E0] =	vst v63  }
0xaf: {  	s12 =	simm.s32 $0x400;
	s30 =	rddreg [dreg:$0xa]  }
0xb0: {  	[tilespmem:s12], [sflag:$0x2] =	stream.linear.gather [hbm4b:s30+s22], $0x400, $0x38;
	[tilespmem:$0x192E0] =	vst v63  }
0xb1: {  	s13 =	rddreg [dreg:$0xb];
	s25 =	simm.s32 $0xC00;
	s30 =	simm.s32 $0x1  }
0xb2: {  	[tilespmem:s25], [sflag:$0x2] =	stream.linear.gather [hbm4b:s13+s22], $0x400, $0x38;
	[tilespmem:$0x192E0] =	vst v63  }
0xb3: {  	_ =	swait.ge [sflag:s30], $0x400  }
0xb4: {  	[sflag:s30] =	ssyncset.done $0x0  }
0xb5: {  	[sflag:s30] =	ssyncadd.s32 $0xFFFFFC00  }
0xb6: {  	_ =	swait.ge [sflag:s30], $0x400  }
0xb7: {  	[sflag:s30] =	ssyncset.done $0x0  }
0xb8: {  	[sflag:s30] =	ssyncadd.s32 $0xFFFFFC00  }
0xb9: {  	[tilespmem:s0], [sflag:$0x3] =	stream.indirect.gather [spmem:s1], $0x8, s22, s31, $0xb8;
	[tilespmem:$0x192E0] =	vst v63  }
0xba: {  	_ = 	snop  }
0xbb: {  	[tilespmem:s2], [sflag:$0x3] =	stream.indirect.gather [spmem:s3], $0x8, s6, s31, $0xb8;
	[tilespmem:$0x192E0] =	vst v63  }
0xbc: {  	s6 =	simm.s32 $0x1400  }
0xbd: {  	[tilespmem:s6], [sflag:$0x3] =	stream.indirect.gather [spmem:s1], $0x8, s31, s31, $0xb8;
	[tilespmem:$0x192E0] =	vst v63  }
0xbe: {  	s12 =	simm.s32 $0x880;
	s13 =	simm.s32 $0x5400  }
0xbf: {  	[tilespmem:s13], [sflag:$0x3] =	stream.indirect.gather [spmem:s3], $0x8, s12, s31, $0xb8;
	[tilespmem:$0x192E0] =	vst v63  }
0xc0: {  	s25 =	simm.s32 $0x100;
	s30 =	simm.s32 $0x1800  }
0xc1: {  	[tilespmem:s30], [sflag:$0x3] =	stream.indirect.gather [spmem:s1], $0x8, s25, s31, $0xb8;
	[tilespmem:$0x192E0] =	vst v63  }
0xc2: {  	s12 =	simm.s32 $0x900;
	s13 =	simm.s32 $0x5800  }
0xc3: {  	[tilespmem:s13], [sflag:$0x3] =	stream.indirect.gather [spmem:s3], $0x8, s12, s31, $0xb8;
	[tilespmem:$0x192E0] =	vst v63  }
0xc4: {  	s25 =	simm.s32 $0x180;
	s30 =	simm.s32 $0x1C00  }
0xc5: {  	[tilespmem:s30], [sflag:$0x3] =	stream.indirect.gather [spmem:s1], $0x8, s25, s31, $0xb8;
	[tilespmem:$0x192E0] =	vst v63  }
0xc6: {  	s6 =	simm.s32 $0x980;
	s12 =	simm.s32 $0x5C00  }
0xc7: {  	[tilespmem:s12], [sflag:$0x3] =	stream.indirect.gather [spmem:s3], $0x8, s6, s31, $0xb8;
	[tilespmem:$0x192E0] =	vst v63  }
0xc8: {  	s13 =	simm.s32 $0x2000  }
0xc9: {  	[tilespmem:s13], [sflag:$0x3] =	stream.indirect.gather [spmem:s1], $0x8, s21, s31, $0xb8;
	[tilespmem:$0x192E0] =	vst v63  }
0xca: {  	s25 =	simm.s32 $0xA00;
	s30 =	simm.s32 $0x6000  }
0xcb: {  	[tilespmem:s30], [sflag:$0x3] =	stream.indirect.gather [spmem:s3], $0x8, s25, s31, $0xb8;
	[tilespmem:$0x192E0] =	vst v63  }
0xcc: {  	s12 =	simm.s32 $0x280;
	s13 =	simm.s32 $0x2400  }
0xcd: {  	[tilespmem:s13], [sflag:$0x3] =	stream.indirect.gather [spmem:s1], $0x8, s12, s31, $0xb8;
	[tilespmem:$0x192E0] =	vst v63  }
0xce: {  	s25 =	simm.s32 $0xA80;
	s30 =	simm.s32 $0x6400  }
0xcf: {  	[tilespmem:s30], [sflag:$0x3] =	stream.indirect.gather [spmem:s3], $0x8, s25, s31, $0xb8;
	[tilespmem:$0x192E0] =	vst v63  }
0xd0: {  	s12 =	simm.s32 $0x300;
	s13 =	simm.s32 $0x2800  }
0xd1: {  	[tilespmem:s13], [sflag:$0x3] =	stream.indirect.gather [spmem:s1], $0x8, s12, s31, $0xb8;
	[tilespmem:$0x192E0] =	vst v63  }
0xd2: {  	s25 =	simm.s32 $0xB00;
	s30 =	simm.s32 $0x6800  }
0xd3: {  	[tilespmem:s30], [sflag:$0x3] =	stream.indirect.gather [spmem:s3], $0x8, s25, s31, $0xb8;
	[tilespmem:$0x192E0] =	vst v63  }
0xd4: {  	s12 =	simm.s32 $0x380;
	s13 =	simm.s32 $0x2C00  }
0xd5: {  	[tilespmem:s13], [sflag:$0x3] =	stream.indirect.gather [spmem:s1], $0x8, s12, s31, $0xb8;
	[tilespmem:$0x192E0] =	vst v63  }
0xd6: {  	s25 =	simm.s32 $0xB80;
	s30 =	simm.s32 $0x6C00  }
0xd7: {  	[tilespmem:s30], [sflag:$0x3] =	stream.indirect.gather [spmem:s3], $0x8, s25, s31, $0xb8;
	[tilespmem:$0x192E0] =	vst v63  }
.LBB2_10:
0xd8: {  	_ =	swait.ge [sflag:s19], $0x400  }
0xd9: {  	[sflag:s19] =	ssyncset.done $0x0  }
0xda: {  	[sflag:s19] =	ssyncadd.s32 $0xFFFFFC00  }
0xdb: {  	_ =	swait.ge [sflag:s19], $0x400  }
0xdc: {  	[sflag:s19] =	ssyncset.done $0x0  }
0xdd: {  	s5 =	simm.s32 $0x400;
	[sflag:s19] =	ssyncadd.s32 $0xFFFFFC00  }
0xde: {  	[tilespmem:s26], [sflag:$0x4] =	stream.indirect.gather [spmem:s1], $0x8, s5, s31, $0xb8;
	[tilespmem:$0x192E0] =	vst v63  }
0xdf: {  	s12 =	simm.s32 $0xC00  }
0xe0: {  	[tilespmem:s8], [sflag:$0x4] =	stream.indirect.gather [spmem:s3], $0x8, s12, s31, $0xb8;
	[tilespmem:$0x192E0] =	vst v63  }
0xe1: {  	s13 =	simm.s32 $0x480;
	s6 =	simm.s32 $0x3400  }
0xe2: {  	[tilespmem:s6], [sflag:$0x4] =	stream.indirect.gather [spmem:s1], $0x8, s13, s31, $0xb8;
	[tilespmem:$0x192E0] =	vst v63  }
0xe3: {  	s25 =	simm.s32 $0xC80;
	s30 =	simm.s32 $0x7400  }
0xe4: {  	[tilespmem:s30], [sflag:$0x4] =	stream.indirect.gather [spmem:s3], $0x8, s25, s31, $0xb8;
	[tilespmem:$0x192E0] =	vst v63  }
0xe5: {  	s12 =	simm.s32 $0x500;
	s13 =	simm.s32 $0x3800  }
0xe6: {  	[tilespmem:s13], [sflag:$0x4] =	stream.indirect.gather [spmem:s1], $0x8, s12, s31, $0xb8;
	[tilespmem:$0x192E0] =	vst v63  }
0xe7: {  	s25 =	simm.s32 $0xD00;
	s30 =	simm.s32 $0x7800  }
0xe8: {  	[tilespmem:s30], [sflag:$0x4] =	stream.indirect.gather [spmem:s3], $0x8, s25, s31, $0xb8;
	[tilespmem:$0x192E0] =	vst v63  }
0xe9: {  	s12 =	simm.s32 $0x580;
	s13 =	simm.s32 $0x3C00  }
0xea: {  	[tilespmem:s13], [sflag:$0x4] =	stream.indirect.gather [spmem:s1], $0x8, s12, s31, $0xb8;
	[tilespmem:$0x192E0] =	vst v63  }
0xeb: {  	s25 =	simm.s32 $0xD80;
	s30 =	simm.s32 $0x7C00  }
0xec: {  	[tilespmem:s30], [sflag:$0x4] =	stream.indirect.gather [spmem:s3], $0x8, s25, s31, $0xb8;
	[tilespmem:$0x192E0] =	vst v63  }
0xed: {  	s12 =	simm.s32 $0x600;
	s13 =	simm.s32 $0x4000  }
0xee: {  	[tilespmem:s13], [sflag:$0x4] =	stream.indirect.gather [spmem:s1], $0x8, s12, s31, $0xb8;
	[tilespmem:$0x192E0] =	vst v63  }
0xef: {  	s25 =	simm.s32 $0xE00;
	s30 =	simm.s32 $0x8000  }
0xf0: {  	[tilespmem:s30], [sflag:$0x4] =	stream.indirect.gather [spmem:s3], $0x8, s25, s31, $0xb8;
	[tilespmem:$0x192E0] =	vst v63  }
0xf1: {  	s12 =	simm.s32 $0x680;
	s13 =	simm.s32 $0x4400  }
0xf2: {  	[tilespmem:s13], [sflag:$0x4] =	stream.indirect.gather [spmem:s1], $0x8, s12, s31, $0xb8;
	[tilespmem:$0x192E0] =	vst v63  }
0xf3: {  	s25 =	simm.s32 $0xE80;
	s30 =	simm.s32 $0x8400  }
0xf4: {  	[tilespmem:s30], [sflag:$0x4] =	stream.indirect.gather [spmem:s3], $0x8, s25, s31, $0xb8;
	[tilespmem:$0x192E0] =	vst v63  }
0xf5: {  	s12 =	simm.s32 $0x700;
	s13 =	simm.s32 $0x4800  }
0xf6: {  	[tilespmem:s13], [sflag:$0x4] =	stream.indirect.gather [spmem:s1], $0x8, s12, s31, $0xb8;
	[tilespmem:$0x192E0] =	vst v63  }
0xf7: {  	s25 =	simm.s32 $0xF00;
	s30 =	simm.s32 $0x8800  }
0xf8: {  	[tilespmem:s30], [sflag:$0x4] =	stream.indirect.gather [spmem:s3], $0x8, s25, s31, $0xb8;
	[tilespmem:$0x192E0] =	vst v63  }
0xf9: {  	s12 =	simm.s32 $0x780;
	s13 =	simm.s32 $0x4C00  }
0xfa: {  	[tilespmem:s13], [sflag:$0x4] =	stream.indirect.gather [spmem:s1], $0x8, s12, s31, $0xb8;
	[tilespmem:$0x192E0] =	vst v63  }
0xfb: {  	s25 =	simm.s32 $0xF80;
	s30 =	simm.s32 $0x8C00  }
0xfc: {  	[tilespmem:s30], [sflag:$0x4] =	stream.indirect.gather [spmem:s3], $0x8, s25, s31, $0xb8;
	[tilespmem:$0x192E0] =	vst v63  }
0xfd: {  	_ =	swait.ge [sflag:s14], $0x400  }
0xfe: {  	[sflag:s14] =	ssyncset.done $0x0  }
0xff: {  	[sflag:s14] =	ssyncadd.s32 $0xFFFFFC00  }
0x100: {  	_ =	swait.ge [sflag:s14], $0x400  }
0x101: {  	[sflag:s14] =	ssyncset.done $0x0  }
0x102: {  	[sflag:s14] =	ssyncadd.s32 $0xFFFFFC00  }
0x103: {  	_ =	swait.ge [sflag:s14], $0x400  }
0x104: {  	[sflag:s14] =	ssyncset.done $0x0  }
0x105: {  	[sflag:s14] =	ssyncadd.s32 $0xFFFFFC00  }
0x106: {  	_ =	swait.ge [sflag:s14], $0x400  }
0x107: {  	[sflag:s14] =	ssyncset.done $0x0  }
0x108: {  	[sflag:s14] =	ssyncadd.s32 $0xFFFFFC00  }
0x109: {  	_ =	swait.ge [sflag:s14], $0x400  }
0x10a: {  	[sflag:s14] =	ssyncset.done $0x0  }
0x10b: {  	[sflag:s14] =	ssyncadd.s32 $0xFFFFFC00  }
0x10c: {  	_ =	swait.ge [sflag:s14], $0x400  }
0x10d: {  	[sflag:s14] =	ssyncset.done $0x0  }
0x10e: {  	[sflag:s14] =	ssyncadd.s32 $0xFFFFFC00  }
0x10f: {  	_ =	swait.ge [sflag:s14], $0x400  }
0x110: {  	[sflag:s14] =	ssyncset.done $0x0  }
0x111: {  	[sflag:s14] =	ssyncadd.s32 $0xFFFFFC00  }
0x112: {  	_ =	swait.ge [sflag:s14], $0x400  }
0x113: {  	[sflag:s14] =	ssyncset.done $0x0  }
0x114: {  	[sflag:s14] =	ssyncadd.s32 $0xFFFFFC00  }
0x115: {  	_ =	swait.ge [sflag:s14], $0x400  }
0x116: {  	[sflag:s14] =	ssyncset.done $0x0  }
0x117: {  	[sflag:s14] =	ssyncadd.s32 $0xFFFFFC00  }
0x118: {  	_ =	swait.ge [sflag:s14], $0x400  }
0x119: {  	[sflag:s14] =	ssyncset.done $0x0  }
0x11a: {  	[sflag:s14] =	ssyncadd.s32 $0xFFFFFC00  }
0x11b: {  	_ =	swait.ge [sflag:s14], $0x400  }
0x11c: {  	[sflag:s14] =	ssyncset.done $0x0  }
0x11d: {  	[sflag:s14] =	ssyncadd.s32 $0xFFFFFC00  }
0x11e: {  	_ =	swait.ge [sflag:s14], $0x400  }
0x11f: {  	[sflag:s14] =	ssyncset.done $0x0  }
0x120: {  	[sflag:s14] =	ssyncadd.s32 $0xFFFFFC00  }
0x121: {  	_ =	swait.ge [sflag:s14], $0x400  }
0x122: {  	[sflag:s14] =	ssyncset.done $0x0  }
0x123: {  	[sflag:s14] =	ssyncadd.s32 $0xFFFFFC00  }
0x124: {  	_ =	swait.ge [sflag:s14], $0x400  }
0x125: {  	[sflag:s14] =	ssyncset.done $0x0  }
0x126: {  	[sflag:s14] =	ssyncadd.s32 $0xFFFFFC00  }
0x127: {  	_ =	swait.ge [sflag:s14], $0x400  }
0x128: {  	p0 =	seq.s32 s22, $0xC;
	s12 =	sshll.u32 s22, $0xB;
	[sflag:s14] =	ssyncset.done $0x0  }
0x129: {  	p1 =	seq.s32 @!p0 s22, $0x0;
	s13 =	smin.u32 @!p0 s12, $0x55A8;
	[sflag:s14] =	ssyncadd.s32 $0xFFFFFC00  }
0x12a: {  	p1 =	por p0, !p1;
	s13 =	sadd.s32 @!p0 s13, s15;
	_ =	swait.ge [sflag:s14], $0x400  }
.Ltmp4:
0x12b: {  	s13 =	sshrl.u32 @!p0 s13, $0x3;
	[sflag:s14] =	ssyncset.done $0x0;
	(pc) =	sbr.rel @!p1 .LBB2_11-.Ltmp4, $4  }
0x12c: {  	s25 =	simm.s32 @!p0 $0x0;
	s13 =	sadd.s32 @!p0 s7, s13;
	[sflag:s14] =	ssyncadd.s32 $0xFFFFFC00  }
0x12d: {  	[tilespmem:s25], [sflag:$0x1] =	stream.linear.gather @!p0 [hbm4b:s13+s25], $0x400, $0x38;
	[tilespmem:$0x192E0] =	vst v63  }
0x12e: {  	s30 =	simm.s32 @!p0 $0x800;
	s13 =	sadd.s32 @!p0 $0x186A0, s13  }
0x12f: {  	[tilespmem:s30], [sflag:$0x1] =	stream.linear.gather @!p0 [hbm4b:s13+s25], $0x400, $0x38;
	[tilespmem:$0x192E0] =	vst v63  }
.Ltmp5:
0x130: {  	(pc) =	sbr.rel .LBB2_13-.Ltmp5, $4  }
0x131: {  	_ = 	snop  }
0x132: {  	_ =	swait.ge [sflag:s29], $0x2000  }
0x133: {  	[sflag:s29] =	ssyncset.done $0x0  }
0x134: {  	p1 =	por $0x0, $0x0;
	[sflag:s29] =	ssyncadd.s32 $0xFFFFE000  }
.LBB2_11:
0x135: {  	p1 =	por @!p0 $0x1, $0x1  }
.LBB2_13:
0x136: {  	s13 =	simm.s32 $0x0  }
0x137: {  	v7 =	vmov s13  }
0x138: {  	v7 =	vshll.u32 v7, $0x3  }
0x139: {  	v7 =	vor.u32 v0, v7  }
0x13a: {  	v8 =	vor.u32 $0x6, v7;
	_ =	sdelay $0x1  }
0x13b: {  	v9 =	vor.u32 $0x7, v7;
	_ =	sdelay $0x2  }
0x13c: {  	v10 =	vld.idx.msk [tilespmem:v8+s0+$0x0], $0xffff  }
0x13d: {  	v8 =	vld.idx.msk [tilespmem:v8+s2+$0x0], $0xffff  }
0x13e: {  	v11 =	vld.idx.msk [tilespmem:v9+s2+$0x0], $0xffff  }
0x13f: {  	v9 =	vld.idx.msk [tilespmem:v9+s0+$0x0], $0xffff;
	_ =	sdelay $0x2  }
0x140: {  	v8 =	vadd.f32 v8, v10;
	_ =	sdelay $0x1  }
0x141: {  	v9 =	vadd.f32 v11, v9;
	v8 =	vmul.f32 v8, v8;
	_ =	sdelay $0x1  }
0x142: {  	v8 =	vsub.f32 v9, v8;
	_ =	sdelay $0x1  }
0x143: {  	v8 =	vadd.f32 $9.999999740e-06, v8;
	_ =	sdelay $0x1  }
0x144: {  	v9 =	vshra.s32 v8, $0x1;
	v8 =	vmul.f32 $5.000000000e-01, v8  }
0x145: {  	v9 =	vsub.s32 $0x5F3759DF, v9  }
0x146: {  	v10 =	vmul.f32 v9, v8;
	_ =	sdelay $0x1  }
0x147: {  	v10 =	vmul.f32 v9, v10;
	_ =	sdelay $0x1  }
0x148: {  	v10 =	vsub.f32 $1.500000000e+00, v10;
	_ =	sdelay $0x1  }
0x149: {  	v10 =	vmul.f32 v9, v10;
	_ =	sdelay $0x1  }
0x14a: {  	v11 =	vmul.f32 v10, v8;
	_ =	sdelay $0x1  }
0x14b: {  	v11 =	vmul.f32 v11, v10;
	_ =	sdelay $0x1  }
0x14c: {  	v13 =	vor.u32 $0x1, v7;
	v11 =	vsub.f32 $1.500000000e+00, v11;
	_ =	sdelay $0x1  }
0x14d: {  	v12 =	vor.u32 $0x2, v7;
	v11 =	vmul.f32 v11, v10  }
0x14e: {  	v14 =	vld.idx.msk [tilespmem:v7+s2+$0x0], $0xffff  }
0x14f: {  	v18 =	vld.idx.msk [tilespmem:v7+s0+$0x0], $0xffff;
	v9 =	vor.u32 $0x3, v7;
	v8 =	vmul.f32 v11, v8  }
0x150: {  	v17 =	vld.idx.msk [tilespmem:v13+s2+$0x0], $0xffff  }
0x151: {  	v19 =	vld.idx.msk [tilespmem:v13+s0+$0x0], $0xffff;
	v10 =	vmul.f32 v8, v11  }
0x152: {  	v15 =	vld.idx.msk [tilespmem:v12+s2+$0x0], $0xffff;
	v8 =	vor.u32 $0x5, v7  }
0x153: {  	v20 =	vld.idx.msk [tilespmem:v12+s0+$0x0], $0xffff;
	v22 =	vsub.f32 $1.500000000e+00, v10;
	v10 =	vor.u32 $0x4, v7  }
0x154: {  	v16 =	vld.idx.msk [tilespmem:v9+s0+$0x0], $0xffff  }
0x155: {  	v14 =	vadd.f32 v14, v18;
	v21 =	vld.idx.msk [tilespmem:v9+s2+$0x0], $0xffff;
	v11 =	vmul.f32 v22, v11  }
0x156: {  	v17 =	vadd.f32 v17, v19  }
0x157: {  	v57 =	vld.idx.msk [tilespmem:v8+s2+$0x0], $0xffff;
	v14 =	vmul.f32 v11, v14  }
0x158: {  	v17 =	vmul.f32 v11, v17;
	v58 =	vld.idx.msk [tilespmem:v10+s2+$0x0], $0xffff  }
0x159: {  	v15 =	vadd.f32 v15, v20;
	v59 =	vld.idx.msk [tilespmem:v10+s0+$0x0], $0xffff;
	v14 =	vadd.f32 v14, v1  }
0x15a: {  	v16 =	vadd.f32 v21, v16;
	v60 =	vld.idx.msk [tilespmem:v8+s0+$0x0], $0xffff;
	v17 =	vadd.f32 v17, v2  }
0x15b: {  	v15 =	vmul.f32 v11, v15;
	v14 =	vsub.f32 $0.0e+00, v14  }
0x15c: {  	v16 =	vmul.f32 v11, v16;
	v17 =	vsub.f32 $0.0e+00, v17  }
0x15d: {  	v15 =	vadd.f32 v15, v3;
	v14 =	vmul.f32 $1.442695020e+00, v14  }
0x15e: {  	v16 =	vadd.f32 v16, v4;
	v17 =	vmul.f32 $1.442695020e+00, v17;
	v19 =	vadd.f32 v58, v59  }
0x15f: {  	v15 =	vsub.f32 $0.0e+00, v15;
	(erf) = vpow2.f32 v14;
	v14 =	vadd.f32 v57, v60  }
0x160: {  	v16 =	vsub.f32 $0.0e+00, v16;
	v61 =	vmul.f32 v11, v19;
	(erf) = vpow2.f32 v17  }
0x161: {  	v15 =	vmul.f32 $1.442695020e+00, v15;
	v11 =	vmul.f32 v11, v14  }
0x162: {  	v16 =	vmul.f32 $1.442695020e+00, v16;
	v14 =	vadd.f32 v61, v5  }
0x163: {  	(erf) = vpow2.f32 v15;
	v11 =	vadd.f32 v11, v6  }
0x164: {  	(erf) = vpow2.f32 v16;
	v14 =	vsub.f32 $0.0e+00, v14  }
0x165: {  	v11 =	vsub.f32 $0.0e+00, v11  }
0x166: {  	v14 =	vmul.f32 $1.442695020e+00, v14  }
0x167: {  	v11 =	vmul.f32 $1.442695020e+00, v11  }
0x168: {  	v15 =	vpop (erf);
	(erf) = vpow2.f32 v14  }
0x169: {  	v14 =	vadd.f32 $1.000000000e+00, v15;
	v15 =	vpop (erf);
	(erf) = vpow2.f32 v11;
	_ =	sdelay $0x2  }
0x16a: {  	v11 =	vadd.f32 $1.000000000e+00, v15;
	v15 =	vpop (erf)  }
0x16b: {  	(erf) = vrcp.f32 v14;
	v14 =	vpop (erf)  }
0x16c: {  	v14 =	vadd.f32 $1.000000000e+00, v14  }
0x16d: {  	v15 =	vadd.f32 $1.000000000e+00, v15  }
0x16e: {  	(erf) = vrcp.f32 v11  }
0x16f: {  	(erf) = vrcp.f32 v15;
	v11 =	vpop (erf)  }
0x170: {  	(erf) = vrcp.f32 v14;
	v14 =	vpop (erf);
	v11 =	vadd.f32 $1.000000000e+00, v11  }
0x171: {  	v14 =	vadd.f32 $1.000000000e+00, v14  }
0x172: {  	(erf) = vrcp.f32 v11  }
0x173: {  	(erf) = vrcp.f32 v14;
	_ =	sdelay $0x1  }
0x174: {  	s30 =	simm.s32 $0x10  }
0x175: {  	v15 =	vmov s30  }
0x176: {  	v15 =	vshll.u32 v15, $0x3;
	v62 =	vpop (erf)  }
0x177: {  	[tilespmem:v7+s18+$0x0] =	vst.idx.msk $0xffff, v62;
	v7 =	vor.u32 v0, v15;
	v63 =	vpop (erf)  }
0x178: {  	v14 =	vor.u32 $0x6, v7;
	[tilespmem:v13+s18+$0x0] =	vst.idx.msk $0xffff, v63;
	v11 =	vpop (erf)  }
0x179: {  	s25 =	sor.u32 $0x400, s12;
	s13 =	simm.s32 $0x20;
	v13 =	vor.u32 $0x7, v7;
	[tilespmem:v12+s18+$0x0] =	vst.idx.msk $0xffff, v11;
	v11 =	vpop (erf)  }
.LBB2_14:
0x17a: {  	p2 =	sne.s32 s13, $0x3F0;
	[tilespmem:v9+s18+$0x0] =	vst.idx.msk $0xffff, v11;
	v9 =	vpop (erf);
	s30 =	smov.u32 s13;
	s13 =	sadd.s32 $0x10, s13  }
0x17b: {  	[tilespmem:v10+s18+$0x0] =	vst.idx.msk $0xffff, v9;
	v9 =	vpop (erf)  }
0x17c: {  	[tilespmem:v8+s18+$0x0] =	vst.idx.msk $0xffff, v9  }
0x17d: {  	v8 =	vld.idx.msk [tilespmem:v14+s0+$0x0], $0xffff  }
0x17e: {  	v9 =	vld.idx.msk [tilespmem:v14+s2+$0x0], $0xffff  }
0x17f: {  	v10 =	vld.idx.msk [tilespmem:v13+s2+$0x0], $0xffff  }
0x180: {  	v11 =	vld.idx.msk [tilespmem:v13+s0+$0x0], $0xffff;
	_ =	sdelay $0x3  }
0x181: {  	v8 =	vadd.f32 v9, v8;
	_ =	sdelay $0x1  }
0x182: {  	v9 =	vadd.f32 v10, v11;
	v8 =	vmul.f32 v8, v8;
	_ =	sdelay $0x1  }
0x183: {  	v8 =	vsub.f32 v9, v8;
	_ =	sdelay $0x1  }
0x184: {  	v8 =	vadd.f32 $9.999999740e-06, v8;
	_ =	sdelay $0x1  }
0x185: {  	v9 =	vshra.s32 v8, $0x1;
	v13 =	vmul.f32 $5.000000000e-01, v8  }
0x186: {  	v9 =	vsub.s32 $0x5F3759DF, v9  }
0x187: {  	v8 =	vmul.f32 v9, v13;
	_ =	sdelay $0x1  }
0x188: {  	v11 =	vmul.f32 v9, v8  }
0x189: {  	v8 =	vor.u32 $0x5, v7  }
0x18a: {  	v10 =	vor.u32 $0x4, v7;
	v12 =	vsub.f32 $1.500000000e+00, v11;
	_ =	sdelay $0x1  }
0x18b: {  	v11 =	vor.u32 $0x2, v7;
	v14 =	vmul.f32 v9, v12  }
0x18c: {  	v9 =	vor.u32 $0x3, v7  }
0x18d: {  	v12 =	vor.u32 $0x1, v7;
	v16 =	vmul.f32 v14, v13;
	v15 =	vld.idx.msk [tilespmem:v8+s2+$0x0], $0xffff  }
0x18e: {  	v17 =	vld.idx.msk [tilespmem:v10+s2+$0x0], $0xffff  }
0x18f: {  	v16 =	vmul.f32 v16, v14;
	v18 =	vld.idx.msk [tilespmem:v7+s2+$0x0], $0xffff  }
0x190: {  	v19 =	vld.idx.msk [tilespmem:v11+s2+$0x0], $0xffff  }
0x191: {  	v16 =	vsub.f32 $1.500000000e+00, v16;
	v20 =	vld.idx.msk [tilespmem:v9+s0+$0x0], $0xffff  }
0x192: {  	v21 =	vld.idx.msk [tilespmem:v12+s2+$0x0], $0xffff  }
0x193: {  	v14 =	vmul.f32 v16, v14;
	v22 =	vld.idx.msk [tilespmem:v9+s2+$0x0], $0xffff  }
0x194: {  	v16 =	vld.idx.msk [tilespmem:v12+s0+$0x0], $0xffff  }
0x195: {  	v13 =	vmul.f32 v14, v13;
	v23 =	vld.idx.msk [tilespmem:v7+s0+$0x0], $0xffff  }
0x196: {  	v24 =	vld.idx.msk [tilespmem:v11+s0+$0x0], $0xffff  }
0x197: {  	v13 =	vmul.f32 v13, v14;
	v25 =	vld.idx.msk [tilespmem:v10+s0+$0x0], $0xffff  }
0x198: {  	v26 =	vld.idx.msk [tilespmem:v8+s0+$0x0], $0xffff  }
0x199: {  	v13 =	vsub.f32 $1.500000000e+00, v13;
	v20 =	vadd.f32 v22, v20;
	_ =	sdelay $0x1  }
0x19a: {  	v16 =	vadd.f32 v21, v16;
	v13 =	vmul.f32 v13, v14;
	v14 =	vadd.f32 v18, v23  }
0x19b: {  	v18 =	vadd.f32 v19, v24  }
0x19c: {  	v14 =	vmul.f32 v13, v14;
	v16 =	vmul.f32 v13, v16;
	v17 =	vadd.f32 v17, v25  }
0x19d: {  	v19 =	vmul.f32 v13, v20;
	v18 =	vmul.f32 v13, v18;
	v15 =	vadd.f32 v15, v26  }
0x19e: {  	v14 =	vadd.f32 v14, v1;
	v16 =	vadd.f32 v16, v2;
	v17 =	vmul.f32 v13, v17  }
0x19f: {  	v19 =	vadd.f32 v19, v4;
	v18 =	vadd.f32 v18, v3;
	v13 =	vmul.f32 v13, v15  }
0x1a0: {  	v14 =	vsub.f32 $0.0e+00, v14;
	v15 =	vsub.f32 $0.0e+00, v16  }
0x1a1: {  	v16 =	vsub.f32 $0.0e+00, v18;
	v18 =	vsub.f32 $0.0e+00, v19  }
0x1a2: {  	v17 =	vadd.f32 v17, v5;
	v14 =	vmul.f32 $1.442695020e+00, v14;
	v15 =	vmul.f32 $1.442695020e+00, v15  }
0x1a3: {  	v13 =	vadd.f32 v13, v6;
	v16 =	vmul.f32 $1.442695020e+00, v16;
	v18 =	vmul.f32 $1.442695020e+00, v18  }
0x1a4: {  	v17 =	vsub.f32 $0.0e+00, v17;
	(erf) = vpow2.f32 v14  }
0x1a5: {  	v13 =	vsub.f32 $0.0e+00, v13;
	(erf) = vpow2.f32 v15  }
0x1a6: {  	v14 =	vmul.f32 $1.442695020e+00, v17;
	(erf) = vpow2.f32 v16  }
0x1a7: {  	v13 =	vmul.f32 $1.442695020e+00, v13;
	(erf) = vpow2.f32 v18  }
0x1a8: {  	(erf) = vpow2.f32 v14  }
0x1a9: {  	(erf) = vpow2.f32 v13;
	_ =	sdelay $0x3  }
0x1aa: {  	v13 =	vpop (erf)  }
0x1ab: {  	v16 =	vadd.f32 $1.000000000e+00, v13;
	v14 =	vpop (erf)  }
0x1ac: {  	v17 =	vadd.f32 $1.000000000e+00, v14;
	v15 =	vpop (erf)  }
0x1ad: {  	v18 =	vadd.f32 $1.000000000e+00, v15;
	(erf) = vrcp.f32 v16;
	v13 =	vpop (erf)  }
0x1ae: {  	v13 =	vadd.f32 $1.000000000e+00, v13;
	(erf) = vrcp.f32 v17;
	v14 =	vpop (erf)  }
0x1af: {  	v14 =	vadd.f32 $1.000000000e+00, v14;
	(erf) = vrcp.f32 v18;
	v15 =	vpop (erf)  }
0x1b0: {  	v15 =	vadd.f32 $1.000000000e+00, v15;
	(erf) = vrcp.f32 v13  }
0x1b1: {  	(erf) = vrcp.f32 v14  }
0x1b2: {  	(erf) = vrcp.f32 v15;
	_ =	sdelay $0x1  }
0x1b3: {  	v13 =	vmov s30  }
.Ltmp6:
0x1b4: {  	v13 =	vshll.u32 v13, $0x3;
	(pc) =	sbr.rel @p2 .LBB2_14-.Ltmp6, $4  }
0x1b5: {  	v15 =	vor.u32 v0, v13;
	v16 =	vpop (erf)  }
0x1b6: {  	v14 =	vor.u32 $0x6, v15;
	v13 =	vor.u32 $0x7, v15;
	[tilespmem:v7+s18+$0x0] =	vst.idx.msk $0xffff, v16;
	v16 =	vpop (erf);
	v7 =	vmov v15  }
0x1b7: {  	[tilespmem:v12+s18+$0x0] =	vst.idx.msk $0xffff, v16;
	v12 =	vpop (erf)  }
0x1b8: {  	[tilespmem:v11+s18+$0x0] =	vst.idx.msk $0xffff, v12;
	v11 =	vpop (erf)  }
0x1b9: {  	_ =	sdelay $0x3  }
0x1ba: {  	[tilespmem:v9+s18+$0x0] =	vst.idx.msk $0xffff, v11;
	v9 =	vpop (erf)  }
0x1bb: {  	[tilespmem:v10+s18+$0x0] =	vst.idx.msk $0xffff, v9;
	v9 =	vpop (erf)  }
0x1bc: {  	[tilespmem:v8+s18+$0x0] =	vst.idx.msk $0xffff, v9  }
0x1bd: {  	v8 =	vld.idx.msk [tilespmem:v14+s0+$0x0], $0xffff  }
0x1be: {  	v9 =	vld.idx.msk [tilespmem:v14+s2+$0x0], $0xffff  }
0x1bf: {  	v10 =	vld.idx.msk [tilespmem:v13+s2+$0x0], $0xffff  }
0x1c0: {  	v11 =	vld.idx.msk [tilespmem:v13+s0+$0x0], $0xffff;
	_ =	sdelay $0x2  }
0x1c1: {  	v8 =	vadd.f32 v9, v8;
	_ =	sdelay $0x1  }
0x1c2: {  	v9 =	vadd.f32 v10, v11;
	v8 =	vmul.f32 v8, v8;
	_ =	sdelay $0x1  }
0x1c3: {  	v8 =	vsub.f32 v9, v8;
	_ =	sdelay $0x1  }
0x1c4: {  	v8 =	vadd.f32 $9.999999740e-06, v8;
	_ =	sdelay $0x1  }
0x1c5: {  	v9 =	vshra.s32 v8, $0x1;
	v8 =	vmul.f32 $5.000000000e-01, v8  }
0x1c6: {  	v9 =	vsub.s32 $0x5F3759DF, v9  }
0x1c7: {  	v10 =	vmul.f32 v9, v8;
	_ =	sdelay $0x1  }
0x1c8: {  	v10 =	vmul.f32 v9, v10;
	_ =	sdelay $0x1  }
0x1c9: {  	v10 =	vsub.f32 $1.500000000e+00, v10;
	_ =	sdelay $0x1  }
0x1ca: {  	v9 =	vmul.f32 v9, v10;
	_ =	sdelay $0x1  }
0x1cb: {  	v12 =	vmul.f32 v9, v8;
	_ =	sdelay $0x1  }
0x1cc: {  	v15 =	vor.u32 $0x1, v7;
	v12 =	vmul.f32 v12, v9;
	_ =	sdelay $0x1  }
0x1cd: {  	v13 =	vor.u32 $0x2, v7;
	v12 =	vsub.f32 $1.500000000e+00, v12  }
0x1ce: {  	v18 =	vld.idx.msk [tilespmem:v7+s2+$0x0], $0xffff  }
0x1cf: {  	v14 =	vor.u32 $0x3, v7;
	v21 =	vld.idx.msk [tilespmem:v7+s0+$0x0], $0xffff;
	v9 =	vmul.f32 v12, v9  }
0x1d0: {  	v20 =	vld.idx.msk [tilespmem:v15+s2+$0x0], $0xffff;
	v10 =	vor.u32 $0x4, v7  }
0x1d1: {  	v22 =	vld.idx.msk [tilespmem:v15+s0+$0x0], $0xffff;
	v8 =	vmul.f32 v9, v8  }
0x1d2: {  	v19 =	vld.idx.msk [tilespmem:v13+s2+$0x0], $0xffff  }
0x1d3: {  	v11 =	vor.u32 $0x5, v7;
	v23 =	vld.idx.msk [tilespmem:v13+s0+$0x0], $0xffff;
	v8 =	vmul.f32 v8, v9  }
0x1d4: {  	v24 =	vld.idx.msk [tilespmem:v14+s2+$0x0], $0xffff  }
0x1d5: {  	v17 =	vld.idx.msk [tilespmem:v10+s2+$0x0], $0xffff;
	v8 =	vsub.f32 $1.500000000e+00, v8  }
0x1d6: {  	v25 =	vld.idx.msk [tilespmem:v10+s0+$0x0], $0xffff  }
0x1d7: {  	v12 =	vld.idx.msk [tilespmem:v14+s0+$0x0], $0xffff;
	v8 =	vmul.f32 v8, v9;
	v9 =	vadd.f32 v18, v21  }
0x1d8: {  	v47 =	vadd.f32 v20, v22;
	v16 =	vld.idx.msk [tilespmem:v11+s2+$0x0], $0xffff  }
0x1d9: {  	v26 =	vld.idx.msk [tilespmem:v11+s0+$0x0], $0xffff;
	v19 =	vadd.f32 v19, v23;
	v9 =	vmul.f32 v8, v9  }
0x1da: {  	v18 =	vmul.f32 v8, v47  }
0x1db: {  	v17 =	vadd.f32 v17, v25;
	v19 =	vmul.f32 v8, v19;
	v9 =	vadd.f32 v9, v1  }
0x1dc: {  	v12 =	vadd.f32 v24, v12;
	v18 =	vadd.f32 v18, v2  }
0x1dd: {  	v19 =	vadd.f32 v19, v3;
	v9 =	vsub.f32 $0.0e+00, v9  }
0x1de: {  	v16 =	vadd.f32 v16, v26;
	v12 =	vmul.f32 v8, v12;
	v48 =	vsub.f32 $0.0e+00, v18  }
0x1df: {  	v17 =	vmul.f32 v8, v17;
	v49 =	vsub.f32 $0.0e+00, v19;
	v9 =	vmul.f32 $1.442695020e+00, v9  }
0x1e0: {  	v8 =	vmul.f32 v8, v16;
	v12 =	vadd.f32 v12, v4;
	v16 =	vmul.f32 $1.442695020e+00, v48  }
0x1e1: {  	v17 =	vadd.f32 v17, v5;
	v18 =	vmul.f32 $1.442695020e+00, v49;
	(erf) = vpow2.f32 v9  }
0x1e2: {  	v8 =	vadd.f32 v8, v6;
	v12 =	vsub.f32 $0.0e+00, v12;
	(erf) = vpow2.f32 v16  }
0x1e3: {  	v17 =	vsub.f32 $0.0e+00, v17;
	(erf) = vpow2.f32 v18  }
0x1e4: {  	v8 =	vsub.f32 $0.0e+00, v8;
	v9 =	vmul.f32 $1.442695020e+00, v12  }
0x1e5: {  	v12 =	vmul.f32 $1.442695020e+00, v17  }
0x1e6: {  	v8 =	vmul.f32 $1.442695020e+00, v8;
	(erf) = vpow2.f32 v9  }
0x1e7: {  	(erf) = vpow2.f32 v12  }
0x1e8: {  	(erf) = vpow2.f32 v8;
	_ =	sdelay $0x1  }
0x1e9: {  	v8 =	vpop (erf)  }
0x1ea: {  	v8 =	vadd.f32 $1.000000000e+00, v8;
	v9 =	vpop (erf)  }
0x1eb: {  	v9 =	vadd.f32 $1.000000000e+00, v9;
	v12 =	vpop (erf)  }
0x1ec: {  	v12 =	vadd.f32 $1.000000000e+00, v12;
	_ =	sdelay $0x1  }
0x1ed: {  	(erf) = vrcp.f32 v8;
	v8 =	vpop (erf)  }
0x1ee: {  	(erf) = vrcp.f32 v9;
	v8 =	vadd.f32 $1.000000000e+00, v8;
	v9 =	vpop (erf)  }
0x1ef: {  	(erf) = vrcp.f32 v12;
	v9 =	vadd.f32 $1.000000000e+00, v9;
	v12 =	vpop (erf)  }
0x1f0: {  	v12 =	vadd.f32 $1.000000000e+00, v12;
	(erf) = vrcp.f32 v8  }
0x1f1: {  	(erf) = vrcp.f32 v9  }
0x1f2: {  	(erf) = vrcp.f32 v12;
	_ =	sdelay $0x3  }
0x1f3: {  	v8 =	vpop (erf)  }
0x1f4: {  	[tilespmem:v7+s18+$0x0] =	vst.idx.msk $0xffff, v8;
	v7 =	vpop (erf)  }
0x1f5: {  	[tilespmem:v15+s18+$0x0] =	vst.idx.msk $0xffff, v7;
	v7 =	vpop (erf)  }
0x1f6: {  	[tilespmem:v13+s18+$0x0] =	vst.idx.msk $0xffff, v7;
	v7 =	vpop (erf)  }
0x1f7: {  	[tilespmem:v14+s18+$0x0] =	vst.idx.msk $0xffff, v7;
	v7 =	vpop (erf)  }
0x1f8: {  	s13 =	smin.u32 s12, $0x5DA8;
	[tilespmem:v10+s18+$0x0] =	vst.idx.msk $0xffff, v7;
	v7 =	vpop (erf)  }
0x1f9: {  	s13 =	sadd.s32 s13, s16;
	[tilespmem:v11+s18+$0x0] =	vst.idx.msk $0xffff, v7  }
0x1fa: {  	[hbm4b:s13+s4] =	stream.linear.scatter [tilespmem:s18], [sflag:$0x5], $0x2000, $0x38;
	[tilespmem:$0x192E0] =	vst v63  }
0x1fb: {  	s13 =	simm.s32 @!p0 $0x1  }
0x1fc: {  	_ =	swait.ge @!p0 [sflag:s13], $0x400  }
0x1fd: {  	[sflag:s13] =	ssyncset.done @!p0 $0x0  }
0x1fe: {  	[sflag:s13] =	ssyncadd.s32 @!p0 $0xFFFFFC00  }
0x1ff: {  	_ =	swait.ge @!p0 [sflag:s13], $0x400  }
0x200: {  	s30 =	simm.s32 @!p0 $0x80;
	[sflag:s13] =	ssyncset.done @!p0 $0x0  }
0x201: {  	s5 =	simm.s32 @!p0 $0x1000;
	[sflag:s13] =	ssyncadd.s32 @!p0 $0xFFFFFC00;
	s13 =	simm.s32 @!p0 $0x0  }
0x202: {  	[tilespmem:s5], [sflag:$0x3] =	stream.indirect.gather @!p0 [spmem:s1], $0x8, s13, s30, $0xb8;
	[tilespmem:$0x192E0] =	vst v63  }
0x203: {  	s6 =	simm.s32 @!p0 $0x5000;
	s5 =	simm.s32 @!p0 $0x800  }
0x204: {  	[tilespmem:s6], [sflag:$0x3] =	stream.indirect.gather @!p0 [spmem:s3], $0x8, s5, s30, $0xb8;
	[tilespmem:$0x192E0] =	vst v63  }
0x205: {  	s5 =	simm.s32 @!p0 $0x1400  }
0x206: {  	[tilespmem:s5], [sflag:$0x3] =	stream.indirect.gather @!p0 [spmem:s1], $0x8, s30, s30, $0xb8;
	[tilespmem:$0x192E0] =	vst v63  }
0x207: {  	s6 =	simm.s32 @!p0 $0x5400;
	s5 =	simm.s32 @!p0 $0x880  }
0x208: {  	[tilespmem:s6], [sflag:$0x3] =	stream.indirect.gather @!p0 [spmem:s3], $0x8, s5, s30, $0xb8;
	[tilespmem:$0x192E0] =	vst v63  }
0x209: {  	s5 =	simm.s32 @!p0 $0x100;
	s6 =	simm.s32 @!p0 $0x1800  }
0x20a: {  	[tilespmem:s6], [sflag:$0x3] =	stream.indirect.gather @!p0 [spmem:s1], $0x8, s5, s30, $0xb8;
	[tilespmem:$0x192E0] =	vst v63  }
0x20b: {  	s5 =	simm.s32 @!p0 $0x900;
	s6 =	simm.s32 @!p0 $0x5800  }
0x20c: {  	[tilespmem:s6], [sflag:$0x3] =	stream.indirect.gather @!p0 [spmem:s3], $0x8, s5, s30, $0xb8;
	[tilespmem:$0x192E0] =	vst v63  }
0x20d: {  	s5 =	simm.s32 @!p0 $0x180;
	s6 =	simm.s32 @!p0 $0x1C00  }
0x20e: {  	[tilespmem:s6], [sflag:$0x3] =	stream.indirect.gather @!p0 [spmem:s1], $0x8, s5, s30, $0xb8;
	[tilespmem:$0x192E0] =	vst v63  }
0x20f: {  	s5 =	simm.s32 @!p0 $0x980;
	s6 =	simm.s32 @!p0 $0x5C00  }
0x210: {  	[tilespmem:s6], [sflag:$0x3] =	stream.indirect.gather @!p0 [spmem:s3], $0x8, s5, s30, $0xb8;
	[tilespmem:$0x192E0] =	vst v63  }
0x211: {  	s5 =	simm.s32 @!p0 $0x200;
	s6 =	simm.s32 @!p0 $0x2000  }
0x212: {  	[tilespmem:s6], [sflag:$0x3] =	stream.indirect.gather @!p0 [spmem:s1], $0x8, s5, s30, $0xb8;
	[tilespmem:$0x192E0] =	vst v63  }
0x213: {  	s5 =	simm.s32 @!p0 $0xA00;
	s6 =	simm.s32 @!p0 $0x6000  }
0x214: {  	[tilespmem:s6], [sflag:$0x3] =	stream.indirect.gather @!p0 [spmem:s3], $0x8, s5, s30, $0xb8;
	[tilespmem:$0x192E0] =	vst v63  }
0x215: {  	s5 =	simm.s32 @!p0 $0x280;
	s6 =	simm.s32 @!p0 $0x2400  }
0x216: {  	[tilespmem:s6], [sflag:$0x3] =	stream.indirect.gather @!p0 [spmem:s1], $0x8, s5, s30, $0xb8;
	[tilespmem:$0x192E0] =	vst v63  }
0x217: {  	s5 =	simm.s32 @!p0 $0xA80;
	s6 =	simm.s32 @!p0 $0x6400  }
0x218: {  	[tilespmem:s6], [sflag:$0x3] =	stream.indirect.gather @!p0 [spmem:s3], $0x8, s5, s30, $0xb8;
	[tilespmem:$0x192E0] =	vst v63  }
0x219: {  	s5 =	simm.s32 @!p0 $0x300;
	s6 =	simm.s32 @!p0 $0x2800  }
0x21a: {  	[tilespmem:s6], [sflag:$0x3] =	stream.indirect.gather @!p0 [spmem:s1], $0x8, s5, s30, $0xb8;
	[tilespmem:$0x192E0] =	vst v63  }
0x21b: {  	s5 =	simm.s32 @!p0 $0xB00;
	s6 =	simm.s32 @!p0 $0x6800  }
0x21c: {  	[tilespmem:s6], [sflag:$0x3] =	stream.indirect.gather @!p0 [spmem:s3], $0x8, s5, s30, $0xb8;
	[tilespmem:$0x192E0] =	vst v63  }
0x21d: {  	s5 =	simm.s32 @!p0 $0x380;
	s6 =	simm.s32 @!p0 $0x2C00  }
0x21e: {  	[tilespmem:s6], [sflag:$0x3] =	stream.indirect.gather @!p0 [spmem:s1], $0x8, s5, s30, $0xb8;
	[tilespmem:$0x192E0] =	vst v63  }
0x21f: {  	s5 =	simm.s32 @!p0 $0xB80;
	s6 =	simm.s32 @!p0 $0x6C00  }
0x220: {  	[tilespmem:s6], [sflag:$0x3] =	stream.indirect.gather @!p0 [spmem:s3], $0x8, s5, s30, $0xb8;
	[tilespmem:$0x192E0] =	vst v63  }
0x221: {  	_ =	swait.ge [sflag:s28], $0x400  }
0x222: {  	[sflag:s28] =	ssyncset.done $0x0  }
0x223: {  	[sflag:s28] =	ssyncadd.s32 $0xFFFFFC00  }
0x224: {  	_ =	swait.ge [sflag:s28], $0x400  }
0x225: {  	[sflag:s28] =	ssyncset.done $0x0  }
0x226: {  	[sflag:s28] =	ssyncadd.s32 $0xFFFFFC00  }
0x227: {  	_ =	swait.ge [sflag:s28], $0x400  }
0x228: {  	[sflag:s28] =	ssyncset.done $0x0  }
0x229: {  	[sflag:s28] =	ssyncadd.s32 $0xFFFFFC00  }
0x22a: {  	_ =	swait.ge [sflag:s28], $0x400  }
0x22b: {  	[sflag:s28] =	ssyncset.done $0x0  }
0x22c: {  	[sflag:s28] =	ssyncadd.s32 $0xFFFFFC00  }
0x22d: {  	_ =	swait.ge [sflag:s28], $0x400  }
0x22e: {  	[sflag:s28] =	ssyncset.done $0x0  }
0x22f: {  	[sflag:s28] =	ssyncadd.s32 $0xFFFFFC00  }
0x230: {  	_ =	swait.ge [sflag:s28], $0x400  }
0x231: {  	[sflag:s28] =	ssyncset.done $0x0  }
0x232: {  	[sflag:s28] =	ssyncadd.s32 $0xFFFFFC00  }
0x233: {  	_ =	swait.ge [sflag:s28], $0x400  }
0x234: {  	[sflag:s28] =	ssyncset.done $0x0  }
0x235: {  	[sflag:s28] =	ssyncadd.s32 $0xFFFFFC00  }
0x236: {  	_ =	swait.ge [sflag:s28], $0x400  }
0x237: {  	[sflag:s28] =	ssyncset.done $0x0  }
0x238: {  	[sflag:s28] =	ssyncadd.s32 $0xFFFFFC00  }
0x239: {  	_ =	swait.ge [sflag:s28], $0x400  }
0x23a: {  	[sflag:s28] =	ssyncset.done $0x0  }
0x23b: {  	[sflag:s28] =	ssyncadd.s32 $0xFFFFFC00  }
0x23c: {  	_ =	swait.ge [sflag:s28], $0x400  }
0x23d: {  	[sflag:s28] =	ssyncset.done $0x0  }
0x23e: {  	[sflag:s28] =	ssyncadd.s32 $0xFFFFFC00  }
0x23f: {  	_ =	swait.ge [sflag:s28], $0x400  }
0x240: {  	[sflag:s28] =	ssyncset.done $0x0  }
0x241: {  	[sflag:s28] =	ssyncadd.s32 $0xFFFFFC00  }
0x242: {  	_ =	swait.ge [sflag:s28], $0x400  }
0x243: {  	[sflag:s28] =	ssyncset.done $0x0  }
0x244: {  	[sflag:s28] =	ssyncadd.s32 $0xFFFFFC00  }
0x245: {  	_ =	swait.ge [sflag:s28], $0x400  }
0x246: {  	[sflag:s28] =	ssyncset.done $0x0  }
0x247: {  	[sflag:s28] =	ssyncadd.s32 $0xFFFFFC00  }
0x248: {  	_ =	swait.ge [sflag:s28], $0x400  }
0x249: {  	[sflag:s28] =	ssyncset.done $0x0  }
0x24a: {  	[sflag:s28] =	ssyncadd.s32 $0xFFFFFC00  }
0x24b: {  	_ =	swait.ge [sflag:s28], $0x400  }
0x24c: {  	[sflag:s28] =	ssyncset.done $0x0  }
0x24d: {  	s5 =	smin.u32 @!p0 s12, $0x51A8;
	[sflag:s28] =	ssyncadd.s32 $0xFFFFFC00  }
0x24e: {  	s5 =	sadd.s32 @!p0 s5, s17;
	_ =	swait.ge [sflag:s28], $0x400  }
0x24f: {  	s5 =	sshrl.u32 @!p0 s5, $0x3;
	[sflag:s28] =	ssyncset.done $0x0  }
0x250: {  	s6 =	simm.s32 @!p0 $0x400;
	s5 =	sadd.s32 @!p0 s7, s5;
	[sflag:s28] =	ssyncadd.s32 $0xFFFFFC00  }
0x251: {  	[tilespmem:s6], [sflag:$0x2] =	stream.linear.gather @!p0 [hbm4b:s5+s13], $0x400, $0x38;
	[tilespmem:$0x192E0] =	vst v63  }
0x252: {  	s5 =	sadd.s32 @!p0 $0x186A0, s5;
	s6 =	simm.s32 @!p0 $0xC00  }
0x253: {  	[tilespmem:s6], [sflag:$0x2] =	stream.linear.gather @!p0 [hbm4b:s5+s13], $0x400, $0x38;
	[tilespmem:$0x192E0] =	vst v63  }
0x254: {  	s13 =	simm.s32 $0x0  }
0x255: {  	v7 =	vmov s13  }
0x256: {  	v7 =	vshll.u32 v7, $0x3  }
0x257: {  	v7 =	vor.u32 v0, v7  }
0x258: {  	p0 =	por p0, !p1;
	v8 =	vor.u32 $0x6, v7  }
0x259: {  	s5 =	simm.s32 @p0 $0x6  }
0x25a: {  	_ =	swait.ge @p0 [sflag:s5], $0x2000;
	v9 =	vor.u32 $0x7, v7  }
0x25b: {  	[sflag:s5] =	ssyncset.done @p0 $0x0  }
0x25c: {  	[sflag:s5] =	ssyncadd.s32 @p0 $0xFFFFE000  }
0x25d: {  	v10 =	vld.idx.msk [tilespmem:v8+s26+$0x0], $0xffff  }
0x25e: {  	v8 =	vld.idx.msk [tilespmem:v8+s8+$0x0], $0xffff  }
0x25f: {  	v11 =	vld.idx.msk [tilespmem:v9+s8+$0x0], $0xffff  }
0x260: {  	v9 =	vld.idx.msk [tilespmem:v9+s26+$0x0], $0xffff;
	_ =	sdelay $0x2  }
0x261: {  	v8 =	vadd.f32 v8, v10;
	_ =	sdelay $0x1  }
0x262: {  	v9 =	vadd.f32 v11, v9;
	v8 =	vmul.f32 v8, v8;
	_ =	sdelay $0x1  }
0x263: {  	v8 =	vsub.f32 v9, v8;
	_ =	sdelay $0x1  }
0x264: {  	v8 =	vadd.f32 $9.999999740e-06, v8;
	_ =	sdelay $0x1  }
0x265: {  	v9 =	vshra.s32 v8, $0x1;
	v8 =	vmul.f32 $5.000000000e-01, v8  }
0x266: {  	v9 =	vsub.s32 $0x5F3759DF, v9  }
0x267: {  	v10 =	vmul.f32 v9, v8;
	_ =	sdelay $0x1  }
0x268: {  	v10 =	vmul.f32 v9, v10;
	_ =	sdelay $0x1  }
0x269: {  	v10 =	vsub.f32 $1.500000000e+00, v10;
	_ =	sdelay $0x1  }
0x26a: {  	v10 =	vmul.f32 v9, v10;
	_ =	sdelay $0x1  }
0x26b: {  	v11 =	vmul.f32 v10, v8;
	_ =	sdelay $0x1  }
0x26c: {  	v11 =	vmul.f32 v11, v10  }
0x26d: {  	v12 =	vor.u32 $0x2, v7  }
0x26e: {  	v13 =	vor.u32 $0x1, v7;
	v11 =	vsub.f32 $1.500000000e+00, v11;
	_ =	sdelay $0x1  }
0x26f: {  	v14 =	vld.idx.msk [tilespmem:v7+s8+$0x0], $0xffff;
	v11 =	vmul.f32 v11, v10  }
0x270: {  	v52 =	vld.idx.msk [tilespmem:v7+s26+$0x0], $0xffff;
	v9 =	vor.u32 $0x3, v7  }
0x271: {  	v15 =	vld.idx.msk [tilespmem:v12+s8+$0x0], $0xffff;
	v8 =	vmul.f32 v11, v8  }
0x272: {  	v51 =	vld.idx.msk [tilespmem:v13+s8+$0x0], $0xffff  }
0x273: {  	v53 =	vld.idx.msk [tilespmem:v13+s26+$0x0], $0xffff;
	v10 =	vmul.f32 v8, v11  }
0x274: {  	v54 =	vld.idx.msk [tilespmem:v12+s26+$0x0], $0xffff;
	v8 =	vor.u32 $0x5, v7  }
0x275: {  	v50 =	vld.idx.msk [tilespmem:v9+s26+$0x0], $0xffff;
	v56 =	vsub.f32 $1.500000000e+00, v10;
	v10 =	vor.u32 $0x4, v7  }
0x276: {  	v55 =	vld.idx.msk [tilespmem:v9+s8+$0x0], $0xffff  }
0x277: {  	v14 =	vadd.f32 v14, v52;
	v11 =	vmul.f32 v56, v11;
	_ =	sdelay $0x1  }
0x278: {  	v57 =	vld.idx.msk [tilespmem:v8+s8+$0x0], $0xffff;
	v14 =	vmul.f32 v11, v14  }
0x279: {  	v17 =	vadd.f32 v51, v53;
	v15 =	vadd.f32 v15, v54;
	v58 =	vld.idx.msk [tilespmem:v10+s8+$0x0], $0xffff  }
0x27a: {  	v16 =	vadd.f32 v55, v50;
	v59 =	vld.idx.msk [tilespmem:v10+s26+$0x0], $0xffff;
	v14 =	vadd.f32 v14, v1  }
0x27b: {  	v60 =	vld.idx.msk [tilespmem:v8+s26+$0x0], $0xffff;
	v17 =	vmul.f32 v11, v17  }
0x27c: {  	v15 =	vmul.f32 v11, v15;
	v16 =	vmul.f32 v11, v16;
	v14 =	vsub.f32 $0.0e+00, v14  }
0x27d: {  	v17 =	vadd.f32 v17, v2  }
0x27e: {  	v15 =	vadd.f32 v15, v3;
	v16 =	vadd.f32 v16, v4;
	v14 =	vmul.f32 $1.442695020e+00, v14  }
0x27f: {  	v17 =	vsub.f32 $0.0e+00, v17;
	v19 =	vadd.f32 v58, v59  }
0x280: {  	v15 =	vsub.f32 $0.0e+00, v15;
	(erf) = vpow2.f32 v14;
	v14 =	vadd.f32 v57, v60  }
0x281: {  	v16 =	vsub.f32 $0.0e+00, v16;
	v17 =	vmul.f32 $1.442695020e+00, v17;
	v61 =	vmul.f32 v11, v19  }
0x282: {  	v15 =	vmul.f32 $1.442695020e+00, v15;
	v11 =	vmul.f32 v11, v14  }
0x283: {  	v16 =	vmul.f32 $1.442695020e+00, v16;
	(erf) = vpow2.f32 v17;
	v14 =	vadd.f32 v61, v5  }
0x284: {  	(erf) = vpow2.f32 v15;
	v11 =	vadd.f32 v11, v6  }
0x285: {  	(erf) = vpow2.f32 v16;
	v14 =	vsub.f32 $0.0e+00, v14  }
0x286: {  	v11 =	vsub.f32 $0.0e+00, v11  }
0x287: {  	v14 =	vmul.f32 $1.442695020e+00, v14  }
0x288: {  	v11 =	vmul.f32 $1.442695020e+00, v11  }
0x289: {  	(erf) = vpow2.f32 v14;
	v15 =	vpop (erf)  }
0x28a: {  	v14 =	vadd.f32 $1.000000000e+00, v15;
	(erf) = vpow2.f32 v11;
	_ =	sdelay $0x1  }
0x28b: {  	v15 =	vpop (erf)  }
0x28c: {  	v11 =	vadd.f32 $1.000000000e+00, v15;
	v15 =	vpop (erf)  }
0x28d: {  	(erf) = vrcp.f32 v14;
	v14 =	vpop (erf)  }
0x28e: {  	v14 =	vadd.f32 $1.000000000e+00, v14  }
0x28f: {  	v15 =	vadd.f32 $1.000000000e+00, v15  }
0x290: {  	(erf) = vrcp.f32 v11  }
0x291: {  	(erf) = vrcp.f32 v15;
	v11 =	vpop (erf)  }
0x292: {  	(erf) = vrcp.f32 v14;
	v11 =	vadd.f32 $1.000000000e+00, v11;
	v14 =	vpop (erf)  }
0x293: {  	v14 =	vadd.f32 $1.000000000e+00, v14  }
0x294: {  	(erf) = vrcp.f32 v11  }
0x295: {  	(erf) = vrcp.f32 v14;
	_ =	sdelay $0x1  }
0x296: {  	s30 =	simm.s32 $0x10  }
0x297: {  	v15 =	vmov s30  }
0x298: {  	v15 =	vshll.u32 v15, $0x3;
	v62 =	vpop (erf)  }
0x299: {  	[tilespmem:v7+s9+$0x0] =	vst.idx.msk $0xffff, v62;
	v63 =	vpop (erf);
	v7 =	vor.u32 v0, v15  }
0x29a: {  	[tilespmem:v13+s9+$0x0] =	vst.idx.msk $0xffff, v63;
	v11 =	vpop (erf);
	v14 =	vor.u32 $0x6, v7  }
0x29b: {  	s12 =	simm.s32 $0x20;
	v13 =	vor.u32 $0x7, v7;
	[tilespmem:v12+s9+$0x0] =	vst.idx.msk $0xffff, v11;
	v11 =	vpop (erf)  }
.LBB2_16:
0x29c: {  	p0 =	sne.s32 s12, $0x3F0;
	[tilespmem:v9+s9+$0x0] =	vst.idx.msk $0xffff, v11;
	v9 =	vpop (erf);
	s13 =	smov.u32 s12;
	s12 =	sadd.s32 $0x10, s12  }
0x29d: {  	[tilespmem:v10+s9+$0x0] =	vst.idx.msk $0xffff, v9;
	v9 =	vpop (erf)  }
0x29e: {  	[tilespmem:v8+s9+$0x0] =	vst.idx.msk $0xffff, v9  }
0x29f: {  	v8 =	vld.idx.msk [tilespmem:v14+s26+$0x0], $0xffff  }
0x2a0: {  	v9 =	vld.idx.msk [tilespmem:v14+s8+$0x0], $0xffff  }
0x2a1: {  	v10 =	vld.idx.msk [tilespmem:v13+s8+$0x0], $0xffff  }
0x2a2: {  	v11 =	vld.idx.msk [tilespmem:v13+s26+$0x0], $0xffff;
	_ =	sdelay $0x3  }
0x2a3: {  	v8 =	vadd.f32 v9, v8;
	_ =	sdelay $0x1  }
0x2a4: {  	v9 =	vadd.f32 v10, v11;
	v8 =	vmul.f32 v8, v8;
	_ =	sdelay $0x1  }
0x2a5: {  	v8 =	vsub.f32 v9, v8;
	_ =	sdelay $0x1  }
0x2a6: {  	v8 =	vadd.f32 $9.999999740e-06, v8;
	_ =	sdelay $0x1  }
0x2a7: {  	v9 =	vshra.s32 v8, $0x1;
	v13 =	vmul.f32 $5.000000000e-01, v8  }
0x2a8: {  	v9 =	vsub.s32 $0x5F3759DF, v9  }
0x2a9: {  	v8 =	vmul.f32 v9, v13;
	_ =	sdelay $0x1  }
0x2aa: {  	v11 =	vmul.f32 v9, v8  }
0x2ab: {  	v8 =	vor.u32 $0x5, v7  }
0x2ac: {  	v10 =	vor.u32 $0x4, v7;
	v12 =	vsub.f32 $1.500000000e+00, v11;
	_ =	sdelay $0x1  }
0x2ad: {  	v11 =	vor.u32 $0x2, v7;
	v14 =	vmul.f32 v9, v12  }
0x2ae: {  	v9 =	vor.u32 $0x3, v7  }
0x2af: {  	v12 =	vor.u32 $0x1, v7;
	v16 =	vmul.f32 v14, v13;
	v15 =	vld.idx.msk [tilespmem:v8+s8+$0x0], $0xffff  }
0x2b0: {  	v17 =	vld.idx.msk [tilespmem:v10+s8+$0x0], $0xffff  }
0x2b1: {  	v16 =	vmul.f32 v16, v14;
	v18 =	vld.idx.msk [tilespmem:v7+s8+$0x0], $0xffff  }
0x2b2: {  	v19 =	vld.idx.msk [tilespmem:v11+s8+$0x0], $0xffff  }
0x2b3: {  	v16 =	vsub.f32 $1.500000000e+00, v16;
	v20 =	vld.idx.msk [tilespmem:v9+s26+$0x0], $0xffff  }
0x2b4: {  	v21 =	vld.idx.msk [tilespmem:v12+s8+$0x0], $0xffff  }
0x2b5: {  	v14 =	vmul.f32 v16, v14;
	v22 =	vld.idx.msk [tilespmem:v9+s8+$0x0], $0xffff  }
0x2b6: {  	v16 =	vld.idx.msk [tilespmem:v12+s26+$0x0], $0xffff  }
0x2b7: {  	v13 =	vmul.f32 v14, v13;
	v23 =	vld.idx.msk [tilespmem:v7+s26+$0x0], $0xffff  }
0x2b8: {  	v24 =	vld.idx.msk [tilespmem:v11+s26+$0x0], $0xffff  }
0x2b9: {  	v13 =	vmul.f32 v13, v14;
	v25 =	vld.idx.msk [tilespmem:v10+s26+$0x0], $0xffff  }
0x2ba: {  	v26 =	vld.idx.msk [tilespmem:v8+s26+$0x0], $0xffff  }
0x2bb: {  	v13 =	vsub.f32 $1.500000000e+00, v13;
	v20 =	vadd.f32 v22, v20;
	_ =	sdelay $0x1  }
0x2bc: {  	v16 =	vadd.f32 v21, v16;
	v13 =	vmul.f32 v13, v14;
	v14 =	vadd.f32 v18, v23  }
0x2bd: {  	v18 =	vadd.f32 v19, v24  }
0x2be: {  	v14 =	vmul.f32 v13, v14;
	v16 =	vmul.f32 v13, v16;
	v17 =	vadd.f32 v17, v25  }
0x2bf: {  	v19 =	vmul.f32 v13, v20;
	v18 =	vmul.f32 v13, v18;
	v15 =	vadd.f32 v15, v26  }
0x2c0: {  	v14 =	vadd.f32 v14, v1;
	v16 =	vadd.f32 v16, v2;
	v17 =	vmul.f32 v13, v17  }
0x2c1: {  	v19 =	vadd.f32 v19, v4;
	v18 =	vadd.f32 v18, v3;
	v13 =	vmul.f32 v13, v15  }
0x2c2: {  	v14 =	vsub.f32 $0.0e+00, v14;
	v15 =	vsub.f32 $0.0e+00, v16  }
0x2c3: {  	v16 =	vsub.f32 $0.0e+00, v18;
	v18 =	vsub.f32 $0.0e+00, v19  }
0x2c4: {  	v17 =	vadd.f32 v17, v5;
	v14 =	vmul.f32 $1.442695020e+00, v14;
	v15 =	vmul.f32 $1.442695020e+00, v15  }
0x2c5: {  	v13 =	vadd.f32 v13, v6;
	v16 =	vmul.f32 $1.442695020e+00, v16;
	v18 =	vmul.f32 $1.442695020e+00, v18  }
0x2c6: {  	v17 =	vsub.f32 $0.0e+00, v17;
	(erf) = vpow2.f32 v14  }
0x2c7: {  	v13 =	vsub.f32 $0.0e+00, v13;
	(erf) = vpow2.f32 v15  }
0x2c8: {  	v14 =	vmul.f32 $1.442695020e+00, v17;
	(erf) = vpow2.f32 v16  }
0x2c9: {  	v13 =	vmul.f32 $1.442695020e+00, v13;
	(erf) = vpow2.f32 v18  }
0x2ca: {  	(erf) = vpow2.f32 v14  }
0x2cb: {  	(erf) = vpow2.f32 v13;
	_ =	sdelay $0x3  }
0x2cc: {  	v13 =	vpop (erf)  }
0x2cd: {  	v16 =	vadd.f32 $1.000000000e+00, v13;
	v14 =	vpop (erf)  }
0x2ce: {  	v17 =	vadd.f32 $1.000000000e+00, v14;
	v15 =	vpop (erf)  }
0x2cf: {  	v18 =	vadd.f32 $1.000000000e+00, v15;
	(erf) = vrcp.f32 v16;
	v13 =	vpop (erf)  }
0x2d0: {  	v13 =	vadd.f32 $1.000000000e+00, v13;
	(erf) = vrcp.f32 v17;
	v14 =	vpop (erf)  }
0x2d1: {  	v14 =	vadd.f32 $1.000000000e+00, v14;
	(erf) = vrcp.f32 v18;
	v15 =	vpop (erf)  }
0x2d2: {  	v15 =	vadd.f32 $1.000000000e+00, v15;
	(erf) = vrcp.f32 v13  }
0x2d3: {  	(erf) = vrcp.f32 v14  }
0x2d4: {  	(erf) = vrcp.f32 v15;
	_ =	sdelay $0x1  }
0x2d5: {  	v13 =	vmov s13  }
.Ltmp7:
0x2d6: {  	v13 =	vshll.u32 v13, $0x3;
	(pc) =	sbr.rel @p0 .LBB2_16-.Ltmp7, $4  }
0x2d7: {  	v15 =	vor.u32 v0, v13;
	v16 =	vpop (erf)  }
0x2d8: {  	v14 =	vor.u32 $0x6, v15;
	v13 =	vor.u32 $0x7, v15;
	[tilespmem:v7+s9+$0x0] =	vst.idx.msk $0xffff, v16;
	v16 =	vpop (erf);
	v7 =	vmov v15  }
0x2d9: {  	[tilespmem:v12+s9+$0x0] =	vst.idx.msk $0xffff, v16;
	v12 =	vpop (erf)  }
0x2da: {  	[tilespmem:v11+s9+$0x0] =	vst.idx.msk $0xffff, v12;
	v11 =	vpop (erf)  }
0x2db: {  	_ =	sdelay $0x3  }
0x2dc: {  	[tilespmem:v9+s9+$0x0] =	vst.idx.msk $0xffff, v11;
	v44 =	vpop (erf)  }
0x2dd: {  	[tilespmem:v10+s9+$0x0] =	vst.idx.msk $0xffff, v44;
	v45 =	vpop (erf)  }
0x2de: {  	[tilespmem:v8+s9+$0x0] =	vst.idx.msk $0xffff, v45  }
0x2df: {  	v8 =	vld.idx.msk [tilespmem:v14+s26+$0x0], $0xffff  }
0x2e0: {  	v9 =	vld.idx.msk [tilespmem:v14+s8+$0x0], $0xffff  }
0x2e1: {  	v10 =	vld.idx.msk [tilespmem:v13+s8+$0x0], $0xffff  }
0x2e2: {  	v11 =	vld.idx.msk [tilespmem:v13+s26+$0x0], $0xffff;
	_ =	sdelay $0x2  }
0x2e3: {  	v8 =	vadd.f32 v9, v8;
	_ =	sdelay $0x1  }
0x2e4: {  	v46 =	vadd.f32 v10, v11;
	v8 =	vmul.f32 v8, v8;
	_ =	sdelay $0x1  }
0x2e5: {  	v8 =	vsub.f32 v46, v8;
	_ =	sdelay $0x1  }
0x2e6: {  	v8 =	vadd.f32 $9.999999740e-06, v8;
	_ =	sdelay $0x1  }
0x2e7: {  	v47 =	vshra.s32 v8, $0x1;
	v8 =	vmul.f32 $5.000000000e-01, v8  }
0x2e8: {  	v9 =	vsub.s32 $0x5F3759DF, v47  }
0x2e9: {  	v48 =	vmul.f32 v9, v8;
	_ =	sdelay $0x1  }
0x2ea: {  	v10 =	vmul.f32 v9, v48;
	_ =	sdelay $0x1  }
0x2eb: {  	v10 =	vsub.f32 $1.500000000e+00, v10;
	_ =	sdelay $0x1  }
0x2ec: {  	v9 =	vmul.f32 v9, v10;
	_ =	sdelay $0x1  }
0x2ed: {  	v12 =	vmul.f32 v9, v8;
	_ =	sdelay $0x1  }
0x2ee: {  	v49 =	vor.u32 $0x5, v7;
	v12 =	vmul.f32 v12, v9  }
0x2ef: {  	v50 =	vor.u32 $0x4, v7  }
0x2f0: {  	v51 =	vor.u32 $0x2, v7;
	v12 =	vsub.f32 $1.500000000e+00, v12  }
0x2f1: {  	v52 =	vor.u32 $0x3, v7;
	v18 =	vld.idx.msk [tilespmem:v7+s8+$0x0], $0xffff  }
0x2f2: {  	v15 =	vor.u32 $0x1, v7;
	v21 =	vld.idx.msk [tilespmem:v7+s26+$0x0], $0xffff;
	v9 =	vmul.f32 v12, v9  }
0x2f3: {  	v16 =	vld.idx.msk [tilespmem:v49+s8+$0x0], $0xffff  }
0x2f4: {  	v17 =	vld.idx.msk [tilespmem:v50+s8+$0x0], $0xffff;
	v8 =	vmul.f32 v9, v8  }
0x2f5: {  	v19 =	vld.idx.msk [tilespmem:v51+s8+$0x0], $0xffff  }
0x2f6: {  	v53 =	vld.idx.msk [tilespmem:v52+s26+$0x0], $0xffff;
	v8 =	vmul.f32 v8, v9  }
0x2f7: {  	v20 =	vld.idx.msk [tilespmem:v15+s8+$0x0], $0xffff  }
0x2f8: {  	v22 =	vld.idx.msk [tilespmem:v15+s26+$0x0], $0xffff;
	v8 =	vsub.f32 $1.500000000e+00, v8  }
0x2f9: {  	v23 =	vld.idx.msk [tilespmem:v51+s26+$0x0], $0xffff  }
0x2fa: {  	v24 =	vld.idx.msk [tilespmem:v52+s8+$0x0], $0xffff;
	v54 =	vadd.f32 v18, v21;
	v8 =	vmul.f32 v8, v9  }
0x2fb: {  	v25 =	vld.idx.msk [tilespmem:v50+s26+$0x0], $0xffff  }
0x2fc: {  	v26 =	vld.idx.msk [tilespmem:v49+s26+$0x0], $0xffff;
	v9 =	vmul.f32 v8, v54  }
0x2fd: {  	v55 =	vadd.f32 v20, v22  }
0x2fe: {  	v19 =	vadd.f32 v19, v23;
	v9 =	vadd.f32 v9, v1  }
0x2ff: {  	v12 =	vadd.f32 v24, v53;
	v18 =	vmul.f32 v8, v55  }
0x300: {  	v17 =	vadd.f32 v17, v25;
	v19 =	vmul.f32 v8, v19;
	v9 =	vsub.f32 $0.0e+00, v9  }
0x301: {  	v16 =	vadd.f32 v16, v26;
	v12 =	vmul.f32 v8, v12;
	v18 =	vadd.f32 v18, v2  }
0x302: {  	v17 =	vmul.f32 v8, v17;
	v19 =	vadd.f32 v19, v3;
	v9 =	vmul.f32 $1.442695020e+00, v9  }
0x303: {  	v8 =	vmul.f32 v8, v16;
	v12 =	vadd.f32 v12, v4;
	v56 =	vsub.f32 $0.0e+00, v18  }
0x304: {  	v17 =	vadd.f32 v17, v5;
	v57 =	vsub.f32 $0.0e+00, v19;
	(erf) = vpow2.f32 v9  }
0x305: {  	v8 =	vadd.f32 v8, v6;
	v12 =	vsub.f32 $0.0e+00, v12;
	v16 =	vmul.f32 $1.442695020e+00, v56  }
0x306: {  	v17 =	vsub.f32 $0.0e+00, v17;
	v18 =	vmul.f32 $1.442695020e+00, v57  }
0x307: {  	v8 =	vsub.f32 $0.0e+00, v8;
	v58 =	vmul.f32 $1.442695020e+00, v12;
	(erf) = vpow2.f32 v16  }
0x308: {  	v59 =	vmul.f32 $1.442695020e+00, v17;
	(erf) = vpow2.f32 v18  }
0x309: {  	v8 =	vmul.f32 $1.442695020e+00, v8;
	(erf) = vpow2.f32 v58  }
0x30a: {  	(erf) = vpow2.f32 v59  }
0x30b: {  	(erf) = vpow2.f32 v8;
	_ =	sdelay $0x1  }
0x30c: {  	v8 =	vpop (erf)  }
0x30d: {  	v8 =	vadd.f32 $1.000000000e+00, v8;
	_ =	sdelay $0x1  }
0x30e: {  	v60 =	vpop (erf)  }
0x30f: {  	v9 =	vadd.f32 $1.000000000e+00, v60;
	v61 =	vpop (erf)  }
0x310: {  	v12 =	vadd.f32 $1.000000000e+00, v61;
	(erf) = vrcp.f32 v8;
	v8 =	vpop (erf)  }
0x311: {  	(erf) = vrcp.f32 v9;
	v8 =	vadd.f32 $1.000000000e+00, v8;
	v62 =	vpop (erf)  }
0x312: {  	(erf) = vrcp.f32 v12;
	v9 =	vadd.f32 $1.000000000e+00, v62;
	v63 =	vpop (erf)  }
0x313: {  	v12 =	vadd.f32 $1.000000000e+00, v63;
	(erf) = vrcp.f32 v8  }
0x314: {  	(erf) = vrcp.f32 v9  }
0x315: {  	(erf) = vrcp.f32 v12;
	_ =	sdelay $0x3  }
0x316: {  	v8 =	vpop (erf)  }
0x317: {  	s22 =	sadd.s32 $0x1, s22;
	[tilespmem:v7+s9+$0x0] =	vst.idx.msk $0xffff, v8;
	v7 =	vpop (erf)  }
0x318: {  	p0 =	sne.s32 s22, $0xD;
	[tilespmem:v15+s9+$0x0] =	vst.idx.msk $0xffff, v7;
	v7 =	vpop (erf)  }
.Ltmp8:
0x319: {  	[tilespmem:v51+s9+$0x0] =	vst.idx.msk $0xffff, v7;
	v7 =	vpop (erf);
	(pc) =	sbr.rel @p0 .LBB2_10-.Ltmp8, $4  }
0x31a: {  	[tilespmem:v52+s9+$0x0] =	vst.idx.msk $0xffff, v7;
	v7 =	vpop (erf)  }
0x31b: {  	s5 =	smin.u32 s25, $0x5DA8;
	[tilespmem:v50+s9+$0x0] =	vst.idx.msk $0xffff, v7;
	v7 =	vpop (erf)  }
0x31c: {  	s5 =	sadd.s32 s5, s16;
	[tilespmem:v49+s9+$0x0] =	vst.idx.msk $0xffff, v7  }
0x31d: {  	[hbm4b:s5+s4] =	stream.linear.scatter [tilespmem:s9], [sflag:$0x6], $0x2000, $0x38;
	[tilespmem:$0x192E0] =	vst v63  }
0x31e: {  	_ =	swait.ge [sflag:s29], $0x2000  }
0x31f: {  	[sflag:s29] =	ssyncset.done $0x0  }
0x320: {  	s6 =	simm.s32 $0x6;
	[sflag:s29] =	ssyncadd.s32 $0xFFFFE000  }
0x321: {  	_ =	swait.ge [sflag:s6], $0x2000  }
0x322: {  	s12 =	rddreg [dreg:$0xd]  }
0x323: {  	s5 =	rddreg [dreg:$0xc];
	s12 =	sadd.s32 $0x1, s12  }
0x324: {  	p0 =	sne.s32 s12, s5  }
.Ltmp9:
0x325: {  	_ = 	snop;
	(pc) =	sbr.rel @p0 .LBB2_1-.Ltmp9, $3  }
0x326: {  	_ =	sdelay $0x1  }
0x327: {  	[sflag:s6] =	ssyncset.done $0x0  }
0x328: {  	s30 =	simm.s32 $0xC350;
	[sflag:s6] =	ssyncadd.s32 $0xFFFFE000;
	s5 =	rddreg [dreg:$0x5]  }
0x329: {  	_ =	sfence.sel $0x180000  }
0x32a: {  	[bflag:$0x0] =	sbarrier.arrive $0xFFFF  }
0x32b: {  	_ =	strace $0x90000047  }
0x32c: {  	s0 =	stileid.u32;
	[bflag:$0x2] =	sbarrier.arrive $0xFFFF  }
0x32d: {  	p0 =	sne.s32 s0, $0x0;
	s0 =	rddreg [dreg:$0x4]  }
0x32e: {  	s0 =	sadd.s32 @!p0 $0x100000, s0  }
0x32f: {  	[sflag:s0] =	ssyncadd.tile.s32 @!p0 $0x1;
	_ =	shalt  }
.Lfunc_end2:
_tile_overlayer_lowered:
.L_overlay_start_2:
0x330: {  	(tag) =	ssettag $0x2  }
0x331: {  	s0 =	rddreg [dreg:$0x0];
	s2 =	stileid.u32  }
0x332: {  	s1 =	rddreg [dreg:$0x1];
	p0 =	sne.s32 s2, $0x0  }
0x333: {  	s3 =	rddreg [dreg:$0x2];
	[bflag:$0x3] =	sbarrier.arrive $0xFFFF;
	s2 =	simm.s32 @!p0 $0x1C07  }
0x334: {  	[timem:s3], [sflag:s2] =	dma.local @!p0 [hbm:s0], s1  }
0x335: {  	s0 =	simm.s32 @!p0 $0x7  }
0x336: {  	_ =	swait.ge @!p0 [sflag:s0], s1  }
0x337: {  	s1 =	ssub.s32 @!p0 $0x0, s1;
	[sflag:s0] =	ssyncset.done @!p0 $0x0  }
0x338: {  	[sflag:s0] =	ssyncadd.s32 @!p0 s1  }
0x339: {  	[bflag:$0x3] =	sbarrier.arrive $0xFFFF  }
0x33a: {  	_ =	shalt  }

</sc_bundles>
